<compile_context>
chip_gen: v7x
topology: tpu7x:2x2x1
jax: 0.10.2.dev20260603
libtpu: 0.0.44.dev20260713+nightly
codegen_flags: <defaults>
</compile_context>

<pallas_src>
import functools

import jax
import jax.numpy as jnp
from jax import lax
from jax.experimental import pallas as pl
from jax.experimental.pallas import tpu as pltpu
from jax.experimental.pallas import tpu_sc as plsc

N = 50000
E = 800000
NUM_NUMERIC = 16
NUM_CAT = 8
CAT_SIZE = 10000
EMBED = 32
HIDDEN = 64

NC = 2
NS = 16
C = 128

NP = 50176
BLK = 512
NBLK = NP // BLK
GP = NP * NUM_CAT
G_PER_W = GP // (NC * NS)
EP = 802816
E_PER_TILE = EP // NS
E_PER_W = EP // (NC * NS)
ROWS_PER_TILE = NP // NS


_sc_mesh = plsc.VectorSubcoreMesh(core_axis_name="c", subcore_axis_name="s")
_sc_params = pltpu.CompilerParams(use_tc_tiling_on_sc=False)


NBE = G_PER_W // C


@functools.partial(
    pl.kernel,
    out_type=jax.ShapeDtypeStruct((GP, EMBED), jnp.float32),
    mesh=_sc_mesh,
    scratch_types=[
        pltpu.VMEM((C,), jnp.int32),
        pltpu.VMEM((C,), jnp.int32),
        pltpu.VMEM((C, EMBED), jnp.float32),
        pltpu.VMEM((C, EMBED), jnp.float32),
        pltpu.SemaphoreType.DMA,
        pltpu.SemaphoreType.DMA,
        pltpu.SemaphoreType.DMA,
        pltpu.SemaphoreType.DMA,
        pltpu.SemaphoreType.DMA,
        pltpu.SemaphoreType.DMA,
    ],
    compiler_params=_sc_params,
)
def _emb_gather(tab_hbm, ids_hbm, out_hbm, eidx0, eidx1, erows0, erows1,
                isem0, isem1, gsem0, gsem1, osem0, osem1):
    c = lax.axis_index("c")
    s = lax.axis_index("s")
    base = (s * NC + c) * G_PER_W
    eidx = (eidx0, eidx1)
    erows = (erows0, erows1)
    isem = (isem0, isem1)
    gsem = (gsem0, gsem1)
    osem = (osem0, osem1)

    def idx_fire(b, p):
        off = base + b * C
        pltpu.async_copy(ids_hbm.at[pl.ds(off, C)], eidx[p], isem[p])

    def gat_fire(b, p):
        pltpu.make_async_copy(ids_hbm.at[pl.ds(0, C)], eidx[p], isem[p]).wait()

        if not (isinstance(b, int) and b < 2):
            @pl.when(b >= 2)
            def _():
                pltpu.make_async_copy(
                    erows[p], out_hbm.at[pl.ds(0, C)], osem[p]).wait()

        pltpu.async_copy(tab_hbm.at[eidx[p]], erows[p], gsem[p])

    def drain(b, p):
        off = base + b * C
        pltpu.make_async_copy(tab_hbm.at[pl.ds(0, C)], erows[p], gsem[p]).wait()
        pltpu.async_copy(erows[p], out_hbm.at[pl.ds(off, C)], osem[p])

    idx_fire(0, 0)
    idx_fire(1, 1)
    gat_fire(0, 0)

    def body(g, carry):
        b0 = 2 * g

        drain(b0, 0)

        @pl.when(b0 + 2 < NBE)
        def _():
            idx_fire(b0 + 2, 0)

        @pl.when(b0 + 1 < NBE)
        def _():
            gat_fire(b0 + 1, 1)

        @pl.when(b0 + 1 < NBE)
        def _():
            drain(b0 + 1, 1)

        @pl.when(b0 + 3 < NBE)
        def _():
            idx_fire(b0 + 3, 1)

        @pl.when(b0 + 2 < NBE)
        def _():
            gat_fire(b0 + 2, 0)

        return carry

    lax.fori_loop(0, (NBE + 1) // 2, body, 0)
    pltpu.make_async_copy(erows0, out_hbm.at[pl.ds(0, C)], osem0).wait()
    pltpu.make_async_copy(erows1, out_hbm.at[pl.ds(0, C)], osem1).wait()


DEGW = 32

NBD = E_PER_W // C


@functools.partial(
    pl.kernel,
    out_type=jax.ShapeDtypeStruct((NC, NP, DEGW), jnp.float32),
    mesh=_sc_mesh,
    scratch_types=[
        pltpu.VMEM_SHARED((NP, DEGW), jnp.float32),
        pltpu.VMEM((C,), jnp.int32),
        pltpu.VMEM((C,), jnp.int32),
        pltpu.VMEM((C, DEGW), jnp.float32),
        pltpu.SemaphoreType.DMA,
        pltpu.SemaphoreType.DMA,
    ],
    compiler_params=_sc_params,
)
def _deg_count(dst_hbm, ones_hbm, zeros_hbm, out_hbm, deg_sp,
               didx0, didx1, ones_v, sem0, sem1):
    c = lax.axis_index("c")
    s = lax.axis_index("s")
    pltpu.sync_copy(ones_hbm, ones_v)
    pltpu.sync_copy(zeros_hbm, deg_sp.at[pl.ds(s * ROWS_PER_TILE, ROWS_PER_TILE), :])
    plsc.subcore_barrier()
    base = (s * NC + c) * E_PER_W
    didx = (didx0, didx1)
    sems = (sem0, sem1)

    def fire(k, p):
        off = base + k * C
        pltpu.async_copy(dst_hbm.at[pl.ds(off, C)], didx[p], sems[p])

    def drain(p):
        pltpu.make_async_copy(dst_hbm.at[pl.ds(0, C)], didx[p], sems[p]).wait()
        pltpu.sync_copy(ones_v, deg_sp.at[didx[p]], add=True)

    fire(0, 0)

    def body(g, carry):
        k0 = 2 * g

        @pl.when(k0 + 1 < NBD)
        def _():
            fire(k0 + 1, 1)

        drain(0)

        @pl.when(k0 + 2 < NBD)
        def _():
            fire(k0 + 2, 0)

        @pl.when(k0 + 1 < NBD)
        def _():
            drain(1)

        return carry

    lax.fori_loop(0, (NBD + 1) // 2, body, 0)
    plsc.subcore_barrier()
    pltpu.sync_copy(
        deg_sp.at[pl.ds(s * ROWS_PER_TILE, ROWS_PER_TILE), :],
        out_hbm.at[c, pl.ds(s * ROWS_PER_TILE, ROWS_PER_TILE), :],
    )


KI = 2
EBLK = KI * C
NBK = E_PER_TILE // EBLK


@functools.partial(
    pl.kernel,
    out_type=jax.ShapeDtypeStruct((NC, NP, EMBED), jnp.float32),
    mesh=_sc_mesh,
    scratch_types=[
        pltpu.VMEM_SHARED((NP, EMBED), jnp.float32),
        pltpu.VMEM((EBLK,), jnp.int32),
        pltpu.VMEM((EBLK,), jnp.int32),
        pltpu.VMEM((C,), jnp.int32),
        pltpu.VMEM((C,), jnp.int32),
        pltpu.VMEM((C,), jnp.int32),
        pltpu.VMEM((C,), jnp.int32),
        pltpu.VMEM((KI, C, EMBED), jnp.float32),
        pltpu.VMEM((KI, C, EMBED), jnp.float32),
        pltpu.SemaphoreType.DMA,
        pltpu.SemaphoreType.DMA,
        pltpu.SemaphoreType.DMA,
        pltpu.SemaphoreType.DMA,
        pltpu.SemaphoreType.DMA,
        pltpu.SemaphoreType.DMA,
    ],
    compiler_params=_sc_params,
)
def _edge_agg(ht_hbm, src2_hbm, dst_hbm, zeros_hbm, out_hbm,
              agg_sp, sidx0, sidx1, d00, d01, d10, d11, rows0, rows1,
              ssem0, ssem1, dsem0, dsem1, gsem0, gsem1):
    c = lax.axis_index("c")
    s = lax.axis_index("s")
    pltpu.sync_copy(zeros_hbm, agg_sp.at[pl.ds(s * ROWS_PER_TILE, ROWS_PER_TILE), :])
    plsc.subcore_barrier()
    base = s * E_PER_TILE
    sidx = (sidx0, sidx1)
    didx = ((d00, d01), (d10, d11))
    rows = (rows0, rows1)
    ssem = (ssem0, ssem1)
    dsem = (dsem0, dsem1)
    gsem = (gsem0, gsem1)

    def idx_fire(b, p):
        off = base + b * EBLK
        pltpu.async_copy(src2_hbm.at[c, pl.ds(off, EBLK)], sidx[p], ssem[p])
        for j in range(KI):
            pltpu.async_copy(
                dst_hbm.at[pl.ds(off + j * C, C)], didx[p][j], dsem[p])

    def gat_fire(b, p):
        pltpu.make_async_copy(
            src2_hbm.at[c, pl.ds(0, EBLK)], sidx[p], ssem[p]).wait()
        for j in range(KI):
            pltpu.async_copy(
                ht_hbm.at[sidx[p].at[pl.ds(j * C, C)]], rows[p].at[j], gsem[p])

    def drain_scatter(b, p):
        for j in range(KI):
            pltpu.make_async_copy(
                ht_hbm.at[pl.ds(0, C)], rows[p].at[j], gsem[p]).wait()
        for j in range(KI):
            pltpu.make_async_copy(
                dst_hbm.at[pl.ds(0, C)], didx[p][j], dsem[p]).wait()
        for j in range(KI):
            pltpu.sync_copy(rows[p].at[j], agg_sp.at[didx[p][j]], add=True)

    idx_fire(0, 0)
    idx_fire(1, 1)
    gat_fire(0, 0)

    def body(g, carry):
        b0 = 2 * g

        drain_scatter(b0, 0)

        @pl.when(b0 + 2 < NBK)
        def _():
            idx_fire(b0 + 2, 0)

        @pl.when(b0 + 1 < NBK)
        def _():
            gat_fire(b0 + 1, 1)

        @pl.when(b0 + 1 < NBK)
        def _():
            drain_scatter(b0 + 1, 1)

        @pl.when(b0 + 3 < NBK)
        def _():
            idx_fire(b0 + 3, 1)

        @pl.when(b0 + 2 < NBK)
        def _():
            gat_fire(b0 + 2, 0)

        return carry

    lax.fori_loop(0, (NBK + 1) // 2, body, 0)
    plsc.subcore_barrier()
    pltpu.sync_copy(
        agg_sp.at[pl.ds(s * ROWS_PER_TILE, ROWS_PER_TILE), :],
        out_hbm.at[c, pl.ds(s * ROWS_PER_TILE, ROWS_PER_TILE), :],
    )


def _enc_body(x_ref, cat_ref, wn_ref, bn_ref, win_n_ref, win_c_ref, bin_ref,
              out_ref):
    cat = cat_ref[...].reshape(BLK, NUM_CAT * EMBED)
    num = jnp.maximum(
        jnp.dot(x_ref[...], wn_ref[...], preferred_element_type=jnp.float32)
        + bn_ref[...], 0.0)
    h = (jnp.dot(num, win_n_ref[...], preferred_element_type=jnp.float32)
         + jnp.dot(cat, win_c_ref[...],
                   preferred_element_type=jnp.float32)
         + bin_ref[...])
    h = jnp.maximum(h, 0.0)
    out_ref[0] = h[:, :EMBED]
    out_ref[1] = h[:, EMBED:]


_encoder = pl.pallas_call(
    _enc_body,
    grid=(NBLK,),
    in_specs=[
        pl.BlockSpec((BLK, NUM_NUMERIC), lambda i: (i, 0)),
        pl.BlockSpec((2 * BLK, 128), lambda i: (i, 0)),
        pl.BlockSpec((NUM_NUMERIC, EMBED), lambda i: (0, 0)),
        pl.BlockSpec((1, EMBED), lambda i: (0, 0)),
        pl.BlockSpec((EMBED, HIDDEN), lambda i: (0, 0)),
        pl.BlockSpec((NUM_CAT * EMBED, HIDDEN), lambda i: (0, 0)),
        pl.BlockSpec((1, HIDDEN), lambda i: (0, 0)),
    ],
    out_specs=pl.BlockSpec((2, BLK, EMBED), lambda i: (0, i, 0)),
    out_shape=jax.ShapeDtypeStruct((2, NP, EMBED), jnp.float32),
)


def _layer_body(with_head, agg_ref, deg_ref, hres_ref, wg_ref, bg_ref,
                gam_ref, bet_ref, *rest):
    if with_head:
        wo_ref, bo_ref, out_ref, outc_ref = rest
    else:
        (out_ref,) = rest
    agg = jnp.concatenate([agg_ref[0], agg_ref[1]], axis=1)
    deg = deg_ref[0][:, :1] + deg_ref[1][:, :1]
    hmp = agg * (1.0 / jnp.maximum(deg, 1.0))
    hr = jnp.concatenate([hres_ref[0], hres_ref[1]], axis=1)
    t = jnp.maximum(
        jnp.dot(hmp, wg_ref[...], preferred_element_type=jnp.float32)
        + bg_ref[...], 0.0) + hr
    mu = jnp.mean(t, axis=1, keepdims=True)
    var = jnp.mean((t - mu) ** 2, axis=1, keepdims=True)
    h = (t - mu) * lax.rsqrt(var + 1e-5) * gam_ref[...] + bet_ref[...]
    out_ref[0] = h[:, :EMBED]
    out_ref[1] = h[:, EMBED:]
    if with_head:
        outc_ref[...] = (
            jnp.dot(h, wo_ref[...], preferred_element_type=jnp.float32)
            + bo_ref[...])


def _make_layer(with_head):
    in_specs = [
        pl.BlockSpec((2, BLK, EMBED), lambda i: (0, i, 0)),
        pl.BlockSpec((2, BLK, DEGW), lambda i: (0, i, 0)),
        pl.BlockSpec((2, BLK, EMBED), lambda i: (0, i, 0)),
        pl.BlockSpec((HIDDEN, HIDDEN), lambda i: (0, 0)),
        pl.BlockSpec((1, HIDDEN), lambda i: (0, 0)),
        pl.BlockSpec((1, HIDDEN), lambda i: (0, 0)),
        pl.BlockSpec((1, HIDDEN), lambda i: (0, 0)),
    ]
    out_specs = pl.BlockSpec((2, BLK, EMBED), lambda i: (0, i, 0))
    out_shape = jax.ShapeDtypeStruct((2, NP, EMBED), jnp.float32)
    if with_head:
        in_specs += [
            pl.BlockSpec((HIDDEN, 1), lambda i: (0, 0)),
            pl.BlockSpec((1, 1), lambda i: (0, 0)),
        ]
        out_specs = [out_specs, pl.BlockSpec((BLK, 1), lambda i: (i, 0))]
        out_shape = [out_shape, jax.ShapeDtypeStruct((NP, 1), jnp.float32)]
    return pl.pallas_call(
        functools.partial(_layer_body, with_head),
        grid=(NBLK,),
        in_specs=in_specs,
        out_specs=out_specs,
        out_shape=out_shape,
    )


_layer1 = _make_layer(False)
_layer2 = _make_layer(True)


def kernel(x_num, x_cat, edge_index, W_num, b_num, emb_tables, W_in, b_in,
           W_g1, b_g1, W_g2, b_g2, gamma1, beta1, gamma2, beta2, W_out, b_out):
    f32 = jnp.float32
    ids = jnp.clip(x_cat, 0, CAT_SIZE) + (
        jnp.arange(NUM_CAT, dtype=jnp.int32) * (CAT_SIZE + 1))
    ids = jnp.pad(ids, ((0, NP - N), (0, 0))).reshape(-1)
    flat_tab = emb_tables.reshape(NUM_CAT * (CAT_SIZE + 1), EMBED)
    x_num_p = jnp.pad(x_num, ((0, NP - N), (0, 0)))

    src = jnp.pad(edge_index[0], (0, EP - E))
    dst = jnp.pad(edge_index[1], (0, EP - E), constant_values=N)
    src2 = jnp.stack([src, src + NP])

    zeros_rows = jnp.zeros((ROWS_PER_TILE, EMBED), f32)
    zeros_col = jnp.zeros((ROWS_PER_TILE, DEGW), f32)
    ones_col = jnp.ones((C, DEGW), f32)

    cat_embed = _emb_gather(flat_tab, ids).reshape(2 * NP, 128)
    h0 = _encoder(x_num_p, cat_embed, W_num, b_num.reshape(1, EMBED),
                  W_in[:EMBED], W_in[EMBED:], b_in.reshape(1, HIDDEN))
    deg2 = _deg_count(dst, ones_col, zeros_col)

    agg1 = _edge_agg(h0.reshape(2 * NP, EMBED), src2, dst, zeros_rows)
    h1 = _layer1(agg1, deg2, h0, W_g1, b_g1.reshape(1, HIDDEN),
                 gamma1.reshape(1, HIDDEN), beta1.reshape(1, HIDDEN))

    agg2 = _edge_agg(h1.reshape(2 * NP, EMBED), src2, dst, zeros_rows)
    _, outc = _layer2(agg2, deg2, h1, W_g2, b_g2.reshape(1, HIDDEN),
                      gamma2.reshape(1, HIDDEN), beta2.reshape(1, HIDDEN),
                      W_out, b_out.reshape(1, 1))
    return outc[:N, 0]

# --- scband reference (transcript-rebuilt; emitter-appended) ---
"""Pipeline reference for scband-simple-gnn-4002909520620 (READ-ONLY COPY).

The authoritative reference and input builder live on the scoring server;
editing this copy changes nothing except your own understanding.
"""

import jax, jax.numpy as jnp
import numpy as np

N = 50000
E = 800000
NUM_NUMERIC = 16
NUM_CAT = 8
CAT_SIZE = 10000  # num_embeddings = CAT_SIZE + 1
EMBED = 32
HIDDEN = 64
TOTAL_IN = EMBED * (1 + NUM_CAT)


def _layer_norm(h, gamma, beta):
    mu = jnp.mean(h, axis=-1, keepdims=True)
    var = jnp.mean((h - mu) ** 2, axis=-1, keepdims=True)
    return (h - mu) / jnp.sqrt(var + 1e-5) * gamma + beta


def setup_inputs(seed: int = 0) -> dict:
    key = jax.random.key(seed)
    ks = jax.random.split(key, 24)
    x_num = jax.random.normal(ks[0], (N, NUM_NUMERIC), dtype=jnp.float32)
    x_cat = jax.random.randint(ks[1], (N, NUM_CAT), 0, 10000).astype(jnp.int32)
    edge_index = jax.random.randint(ks[2], (2, E), 0, 50000).astype(jnp.int32)
    s = 0.02
    W_num = s * jax.random.normal(ks[3], (NUM_NUMERIC, EMBED), jnp.float32)
    b_num = jnp.zeros((EMBED,), jnp.float32)
    emb_tables = s * jax.random.normal(ks[4], (NUM_CAT, CAT_SIZE + 1, EMBED), jnp.float32)
    W_in = s * jax.random.normal(ks[5], (TOTAL_IN, HIDDEN), jnp.float32)
    b_in = jnp.zeros((HIDDEN,), jnp.float32)
    W_g1 = s * jax.random.normal(ks[6], (HIDDEN, HIDDEN), jnp.float32)
    b_g1 = jnp.zeros((HIDDEN,), jnp.float32)
    W_g2 = s * jax.random.normal(ks[7], (HIDDEN, HIDDEN), jnp.float32)
    b_g2 = jnp.zeros((HIDDEN,), jnp.float32)
    gamma1 = jnp.ones((HIDDEN,), jnp.float32)
    beta1 = jnp.zeros((HIDDEN,), jnp.float32)
    gamma2 = jnp.ones((HIDDEN,), jnp.float32)
    beta2 = jnp.zeros((HIDDEN,), jnp.float32)
    W_out = s * jax.random.normal(ks[8], (HIDDEN, 1), jnp.float32)
    b_out = jnp.zeros((1,), jnp.float32)
    return {
        "x_num": x_num, "x_cat": x_cat, "edge_index": edge_index,
        "W_num": W_num, "b_num": b_num, "emb_tables": emb_tables,
        "W_in": W_in, "b_in": b_in,
        "W_g1": W_g1, "b_g1": b_g1, "W_g2": W_g2, "b_g2": b_g2,
        "gamma1": gamma1, "beta1": beta1, "gamma2": gamma2, "beta2": beta2,
        "W_out": W_out, "b_out": b_out,
    }


def reference(x_num, x_cat, edge_index, W_num, b_num, emb_tables, W_in, b_in,
              W_g1, b_g1, W_g2, b_g2, gamma1, beta1, gamma2, beta2, W_out, b_out):
    relu = jax.nn.relu
    src = edge_index[0]
    dst = edge_index[1]

    def gcn_step(x):
        agg = jnp.zeros_like(x).at[dst].add(x[src])
        deg = jnp.zeros((x.shape[0],), x.dtype).at[dst].add(jnp.ones_like(dst, dtype=x.dtype))
        deg = jnp.clip(deg, 1.0, None)[:, None]
        return agg / deg

    num_embed = relu(x_num @ W_num + b_num)
    cat_embeds = []
    for col_idx in range(NUM_CAT):
        col_ids = jnp.clip(x_cat[:, col_idx], 0, CAT_SIZE)
        cat_embeds.append(jnp.take(emb_tables[col_idx], col_ids, axis=0))
    h = jnp.concatenate([num_embed] + cat_embeds, axis=1)
    h = relu(h @ W_in + b_in)

    h_res = h
    h_mp = gcn_step(h)
    h = relu(h_mp @ W_g1 + b_g1)
    h = h + h_res
    h = _layer_norm(h, gamma1, beta1)

    h_res = h
    h_mp = gcn_step(h)
    h = relu(h_mp @ W_g2 + b_g2)
    h = h + h_res
    h = _layer_norm(h, gamma2, beta2)

    out = (h @ W_out + b_out)[:, 0]
    return out

if __name__ == "__main__":
    import jax
    _d = setup_inputs()
    print(jax.jit(kernel)(*tuple(_d.values())))

</pallas_src>

<mosaic_0001>
#map = affine_map<(d0, d1) -> (0, 0)>
#map1 = affine_map<(d0, d1) -> (0)>
module attributes {stable_mosaic.version = 14 : i64} {
  func.func @_emb_gather(%arg0: i32, %arg1: i32, %arg2: memref<80008x32xf32, #tpu.memory_space<hbm>>, %arg3: memref<401408xi32, #tpu.memory_space<hbm>>, %arg4: memref<401408x32xf32, #tpu.memory_space<hbm>>, %arg5: memref<128xi32, #tpu.memory_space<vmem>>, %arg6: memref<128xi32, #tpu.memory_space<vmem>>, %arg7: memref<128x32xf32, #tpu.memory_space<vmem>>, %arg8: memref<128x32xf32, #tpu.memory_space<vmem>>, %arg9: memref<!tpu.dma_semaphore, #tpu.memory_space<semaphore_mem>>, %arg10: memref<!tpu.dma_semaphore, #tpu.memory_space<semaphore_mem>>, %arg11: memref<!tpu.dma_semaphore, #tpu.memory_space<semaphore_mem>>, %arg12: memref<!tpu.dma_semaphore, #tpu.memory_space<semaphore_mem>>, %arg13: memref<!tpu.dma_semaphore, #tpu.memory_space<semaphore_mem>>, %arg14: memref<!tpu.dma_semaphore, #tpu.memory_space<semaphore_mem>>) attributes {dimension_semantics = [#tpu.dimension_semantics<core_parallel>, #tpu.dimension_semantics<subcore_parallel>], iteration_bounds = array<i64: 2, 16>, scalar_prefetch = 0 : i64, scratch_operands = 10 : i64, tpu.core_type = #tpu.core_type<sc_vector_subcore>, window_params = [{transform_indices = #map}, {transform_indices = #map1}, {transform_indices = #map}]} {
    %mul3A = arith.constant 2 : i32
    %mul3A_0 = arith.muli %arg1, %mul3A : i32
    %add3A = arith.addi %mul3A_0, %arg0 : i32
    %mul3A_1 = arith.constant 12544 : i32
    %mul3A_2 = arith.muli %add3A, %mul3A_1 : i32
    %add3A_3 = arith.constant 0 : i32
    %add3A_4 = arith.addi %mul3A_2, %add3A_3 : i32
    %dma_start3A = tpu.memref_slice %arg3[%add3A_4] : memref<401408xi32, #tpu.memory_space<hbm>> -> memref<128xi32, #tpu.memory_space<hbm>>
    %dma_start3A_5 = tpu.memref_slice %arg3[%add3A_4] : memref<401408xi32, #tpu.memory_space<hbm>> -> memref<128xi32, #tpu.memory_space<hbm>>
    tpu.enqueue_dma source(%dma_start3A_5 : memref<128xi32, #tpu.memory_space<hbm>>) target(%arg5 : memref<128xi32, #tpu.memory_space<vmem>>) target_semaphore(%arg9 : memref<!tpu.dma_semaphore, #tpu.memory_space<semaphore_mem>>)
    %add3A_6 = arith.constant 128 : i32
    %add3A_7 = arith.addi %mul3A_2, %add3A_6 : i32
    %dma_start3A_8 = tpu.memref_slice %arg3[%add3A_7] : memref<401408xi32, #tpu.memory_space<hbm>> -> memref<128xi32, #tpu.memory_space<hbm>>
    %dma_start3A_9 = tpu.memref_slice %arg3[%add3A_7] : memref<401408xi32, #tpu.memory_space<hbm>> -> memref<128xi32, #tpu.memory_space<hbm>>
    tpu.enqueue_dma source(%dma_start3A_9 : memref<128xi32, #tpu.memory_space<hbm>>) target(%arg6 : memref<128xi32, #tpu.memory_space<vmem>>) target_semaphore(%arg10 : memref<!tpu.dma_semaphore, #tpu.memory_space<semaphore_mem>>)
    %dma_wait3A = arith.constant 0 : i32
    %dma_wait3A_10 = tpu.memref_slice %arg3[%dma_wait3A] : memref<401408xi32, #tpu.memory_space<hbm>> -> memref<128xi32, #tpu.memory_space<hbm>>
    %dma_wait3A_11 = arith.constant 0 : i32
    %dma_wait3A_12 = tpu.memref_slice %arg3[%dma_wait3A_11] : memref<401408xi32, #tpu.memory_space<hbm>> -> memref<128xi32, #tpu.memory_space<hbm>>
    tpu.wait_dma2 semaphore(%arg9 : memref<!tpu.dma_semaphore, #tpu.memory_space<semaphore_mem>>) src(%dma_wait3A_12 : memref<128xi32, #tpu.memory_space<hbm>>) dst(%arg5 : memref<128xi32, #tpu.memory_space<vmem>>)
    %dma_start3A_13 = arith.constant 0 : i32
    %dma_start3A_14 = arith.constant 0 : i32
    %dma_start3A_15 = tpu.memref_slice %arg2[%dma_start3A_13, %dma_start3A_14] : memref<80008x32xf32, #tpu.memory_space<hbm>> -> memref<80008x32xf32, #tpu.memory_space<hbm>>
    tpu.enqueue_indirect_dma source(%dma_start3A_15 : memref<80008x32xf32, #tpu.memory_space<hbm>>) target(%arg7 : memref<128x32xf32, #tpu.memory_space<vmem>>) offsets(%arg5 : memref<128xi32, #tpu.memory_space<vmem>>) semaphore(%arg11 : memref<!tpu.dma_semaphore, #tpu.memory_space<semaphore_mem>>)
    %scan3A = arith.constant 0 : i32
    %scan3A_16 = arith.constant 0 : i32
    %scan3A_17 = arith.constant 49 : i32
    %scan3A_18 = arith.addi %scan3A_16, %scan3A_17 : i32
    %scan3A_19 = arith.constant 1 : i32
    scf.for %scan3A_33 = %scan3A_16 to %scan3A_18 step %scan3A_19  : i32 {
      %mul3A_34 = arith.constant 2 : i32
      %mul3A_35 = arith.muli %mul3A_34, %scan3A_33 : i32
      %mul3A_36 = arith.constant 128 : i32
      %mul3A_37 = arith.muli %mul3A_35, %mul3A_36 : i32
      %add3A_38 = arith.addi %mul3A_2, %mul3A_37 : i32
      %dma_wait3A_39 = arith.constant 0 : i32
      %dma_wait3A_40 = arith.constant 0 : i32
      %dma_wait3A_41 = tpu.memref_slice %arg2[%dma_wait3A_39, %dma_wait3A_40] : memref<80008x32xf32, #tpu.memory_space<hbm>> -> memref<128x32xf32, #tpu.memory_space<hbm>>
      %dma_wait3A_42 = arith.constant 0 : i32
      %dma_wait3A_43 = arith.constant 0 : i32
      %dma_wait3A_44 = tpu.memref_slice %arg2[%dma_wait3A_42, %dma_wait3A_43] : memref<80008x32xf32, #tpu.memory_space<hbm>> -> memref<128x32xf32, #tpu.memory_space<hbm>>
      tpu.wait_dma2 semaphore(%arg11 : memref<!tpu.dma_semaphore, #tpu.memory_space<semaphore_mem>>) src(%dma_wait3A_44 : memref<128x32xf32, #tpu.memory_space<hbm>>) dst(%arg7 : memref<128x32xf32, #tpu.memory_space<vmem>>)
      %dma_start3A_45 = arith.constant 0 : i32
      %dma_start3A_46 = tpu.memref_slice %arg4[%add3A_38, %dma_start3A_45] : memref<401408x32xf32, #tpu.memory_space<hbm>> -> memref<128x32xf32, #tpu.memory_space<hbm>>
      %dma_start3A_47 = arith.constant 0 : i32
      %dma_start3A_48 = tpu.memref_slice %arg4[%add3A_38, %dma_start3A_47] : memref<401408x32xf32, #tpu.memory_space<hbm>> -> memref<128x32xf32, #tpu.memory_space<hbm>>
      tpu.enqueue_dma source(%arg7 : memref<128x32xf32, #tpu.memory_space<vmem>>) target(%dma_start3A_48 : memref<128x32xf32, #tpu.memory_space<hbm>>) target_semaphore(%arg13 : memref<!tpu.dma_semaphore, #tpu.memory_space<semaphore_mem>>)
      %add3A_49 = arith.constant 2 : i32
      %add3A_50 = arith.addi %mul3A_35, %add3A_49 : i32
      %lt3A = arith.constant 98 : i32
      %lt3A_51 = arith.cmpi slt, %add3A_50, %lt3A : i32
      %convert_element_type3A = arith.extui %lt3A_51 : i1 to i32
      %cond3A = arith.constant 0 : i32
      %cond3A_52 = arith.cmpi ne, %convert_element_type3A, %cond3A : i32
      scf.if %cond3A_52 {
        %add3A_81 = arith.constant 2 : i32
        %add3A_82 = arith.addi %mul3A_35, %add3A_81 : i32
        %mul3A_83 = arith.constant 128 : i32
        %mul3A_84 = arith.muli %add3A_82, %mul3A_83 : i32
        %add3A_85 = arith.addi %mul3A_2, %mul3A_84 : i32
        %dma_start3A_86 = tpu.memref_slice %arg3[%add3A_85] : memref<401408xi32, #tpu.memory_space<hbm>> -> memref<128xi32, #tpu.memory_space<hbm>>
        %dma_start3A_87 = tpu.memref_slice %arg3[%add3A_85] : memref<401408xi32, #tpu.memory_space<hbm>> -> memref<128xi32, #tpu.memory_space<hbm>>
        tpu.enqueue_dma source(%dma_start3A_87 : memref<128xi32, #tpu.memory_space<hbm>>) target(%arg5 : memref<128xi32, #tpu.memory_space<vmem>>) target_semaphore(%arg9 : memref<!tpu.dma_semaphore, #tpu.memory_space<semaphore_mem>>)
      } else {
      }
      %add3A_53 = arith.constant 1 : i32
      %add3A_54 = arith.addi %mul3A_35, %add3A_53 : i32
      %lt3A_55 = arith.constant 98 : i32
      %lt3A_56 = arith.cmpi slt, %add3A_54, %lt3A_55 : i32
      %convert_element_type3A_57 = arith.extui %lt3A_56 : i1 to i32
      %cond3A_58 = arith.constant 0 : i32
      %cond3A_59 = arith.cmpi ne, %convert_element_type3A_57, %cond3A_58 : i32
      scf.if %cond3A_59 {
        %add3A_81 = arith.constant 1 : i32
        %add3A_82 = arith.addi %mul3A_35, %add3A_81 : i32
        %dma_wait3A_83 = arith.constant 0 : i32
        %dma_wait3A_84 = tpu.memref_slice %arg3[%dma_wait3A_83] : memref<401408xi32, #tpu.memory_space<hbm>> -> memref<128xi32, #tpu.memory_space<hbm>>
        %dma_wait3A_85 = arith.constant 0 : i32
        %dma_wait3A_86 = tpu.memref_slice %arg3[%dma_wait3A_85] : memref<401408xi32, #tpu.memory_space<hbm>> -> memref<128xi32, #tpu.memory_space<hbm>>
        tpu.wait_dma2 semaphore(%arg10 : memref<!tpu.dma_semaphore, #tpu.memory_space<semaphore_mem>>) src(%dma_wait3A_86 : memref<128xi32, #tpu.memory_space<hbm>>) dst(%arg6 : memref<128xi32, #tpu.memory_space<vmem>>)
        %ge3A = arith.constant 2 : i32
        %ge3A_87 = arith.cmpi sge, %add3A_82, %ge3A : i32
        %convert_element_type3A_88 = arith.extui %ge3A_87 : i1 to i32
        %cond3A_89 = arith.constant 0 : i32
        %cond3A_90 = arith.cmpi ne, %convert_element_type3A_88, %cond3A_89 : i32
        scf.if %cond3A_90 {
          %dma_wait3A_94 = arith.constant 0 : i32
          %dma_wait3A_95 = arith.constant 0 : i32
          %dma_wait3A_96 = tpu.memref_slice %arg4[%dma_wait3A_94, %dma_wait3A_95] : memref<401408x32xf32, #tpu.memory_space<hbm>> -> memref<128x32xf32, #tpu.memory_space<hbm>>
          %dma_wait3A_97 = arith.constant 0 : i32
          %dma_wait3A_98 = arith.constant 0 : i32
          %dma_wait3A_99 = tpu.memref_slice %arg4[%dma_wait3A_97, %dma_wait3A_98] : memref<401408x32xf32, #tpu.memory_space<hbm>> -> memref<128x32xf32, #tpu.memory_space<hbm>>
          tpu.wait_dma2 semaphore(%arg14 : memref<!tpu.dma_semaphore, #tpu.memory_space<semaphore_mem>>) src(%arg8 : memref<128x32xf32, #tpu.memory_space<vmem>>) dst(%dma_wait3A_99 : memref<128x32xf32, #tpu.memory_space<hbm>>)
        } else {
        }
        %dma_start3A_91 = arith.constant 0 : i32
        %dma_start3A_92 = arith.constant 0 : i32
        %dma_start3A_93 = tpu.memref_slice %arg2[%dma_start3A_91, %dma_start3A_92] : memref<80008x32xf32, #tpu.memory_space<hbm>> -> memref<80008x32xf32, #tpu.memory_space<hbm>>
        tpu.enqueue_indirect_dma source(%dma_start3A_93 : memref<80008x32xf32, #tpu.memory_space<hbm>>) target(%arg8 : memref<128x32xf32, #tpu.memory_space<vmem>>) offsets(%arg6 : memref<128xi32, #tpu.memory_space<vmem>>) semaphore(%arg12 : memref<!tpu.dma_semaphore, #tpu.memory_space<semaphore_mem>>)
      } else {
      }
      %add3A_60 = arith.constant 1 : i32
      %add3A_61 = arith.addi %mul3A_35, %add3A_60 : i32
      %lt3A_62 = arith.constant 98 : i32
      %lt3A_63 = arith.cmpi slt, %add3A_61, %lt3A_62 : i32
      %convert_element_type3A_64 = arith.extui %lt3A_63 : i1 to i32
      %cond3A_65 = arith.constant 0 : i32
      %cond3A_66 = arith.cmpi ne, %convert_element_type3A_64, %cond3A_65 : i32
      scf.if %cond3A_66 {
        %add3A_81 = arith.constant 1 : i32
        %add3A_82 = arith.addi %mul3A_35, %add3A_81 : i32
        %mul3A_83 = arith.constant 128 : i32
        %mul3A_84 = arith.muli %add3A_82, %mul3A_83 : i32
        %add3A_85 = arith.addi %mul3A_2, %mul3A_84 : i32
        %dma_wait3A_86 = arith.constant 0 : i32
        %dma_wait3A_87 = arith.constant 0 : i32
        %dma_wait3A_88 = tpu.memref_slice %arg2[%dma_wait3A_86, %dma_wait3A_87] : memref<80008x32xf32, #tpu.memory_space<hbm>> -> memref<128x32xf32, #tpu.memory_space<hbm>>
        %dma_wait3A_89 = arith.constant 0 : i32
        %dma_wait3A_90 = arith.constant 0 : i32
        %dma_wait3A_91 = tpu.memref_slice %arg2[%dma_wait3A_89, %dma_wait3A_90] : memref<80008x32xf32, #tpu.memory_space<hbm>> -> memref<128x32xf32, #tpu.memory_space<hbm>>
        tpu.wait_dma2 semaphore(%arg12 : memref<!tpu.dma_semaphore, #tpu.memory_space<semaphore_mem>>) src(%dma_wait3A_91 : memref<128x32xf32, #tpu.memory_space<hbm>>) dst(%arg8 : memref<128x32xf32, #tpu.memory_space<vmem>>)
        %dma_start3A_92 = arith.constant 0 : i32
        %dma_start3A_93 = tpu.memref_slice %arg4[%add3A_85, %dma_start3A_92] : memref<401408x32xf32, #tpu.memory_space<hbm>> -> memref<128x32xf32, #tpu.memory_space<hbm>>
        %dma_start3A_94 = arith.constant 0 : i32
        %dma_start3A_95 = tpu.memref_slice %arg4[%add3A_85, %dma_start3A_94] : memref<401408x32xf32, #tpu.memory_space<hbm>> -> memref<128x32xf32, #tpu.memory_space<hbm>>
        tpu.enqueue_dma source(%arg8 : memref<128x32xf32, #tpu.memory_space<vmem>>) target(%dma_start3A_95 : memref<128x32xf32, #tpu.memory_space<hbm>>) target_semaphore(%arg14 : memref<!tpu.dma_semaphore, #tpu.memory_space<semaphore_mem>>)
      } else {
      }
      %add3A_67 = arith.constant 3 : i32
      %add3A_68 = arith.addi %mul3A_35, %add3A_67 : i32
      %lt3A_69 = arith.constant 98 : i32
      %lt3A_70 = arith.cmpi slt, %add3A_68, %lt3A_69 : i32
      %convert_element_type3A_71 = arith.extui %lt3A_70 : i1 to i32
      %cond3A_72 = arith.constant 0 : i32
      %cond3A_73 = arith.cmpi ne, %convert_element_type3A_71, %cond3A_72 : i32
      scf.if %cond3A_73 {
        %add3A_81 = arith.constant 3 : i32
        %add3A_82 = arith.addi %mul3A_35, %add3A_81 : i32
        %mul3A_83 = arith.constant 128 : i32
        %mul3A_84 = arith.muli %add3A_82, %mul3A_83 : i32
        %add3A_85 = arith.addi %mul3A_2, %mul3A_84 : i32
        %dma_start3A_86 = tpu.memref_slice %arg3[%add3A_85] : memref<401408xi32, #tpu.memory_space<hbm>> -> memref<128xi32, #tpu.memory_space<hbm>>
        %dma_start3A_87 = tpu.memref_slice %arg3[%add3A_85] : memref<401408xi32, #tpu.memory_space<hbm>> -> memref<128xi32, #tpu.memory_space<hbm>>
        tpu.enqueue_dma source(%dma_start3A_87 : memref<128xi32, #tpu.memory_space<hbm>>) target(%arg6 : memref<128xi32, #tpu.memory_space<vmem>>) target_semaphore(%arg10 : memref<!tpu.dma_semaphore, #tpu.memory_space<semaphore_mem>>)
      } else {
      }
      %add3A_74 = arith.constant 2 : i32
      %add3A_75 = arith.addi %mul3A_35, %add3A_74 : i32
      %lt3A_76 = arith.constant 98 : i32
      %lt3A_77 = arith.cmpi slt, %add3A_75, %lt3A_76 : i32
      %convert_element_type3A_78 = arith.extui %lt3A_77 : i1 to i32
      %cond3A_79 = arith.constant 0 : i32
      %cond3A_80 = arith.cmpi ne, %convert_element_type3A_78, %cond3A_79 : i32
      scf.if %cond3A_80 {
        %add3A_81 = arith.constant 2 : i32
        %add3A_82 = arith.addi %mul3A_35, %add3A_81 : i32
        %dma_wait3A_83 = arith.constant 0 : i32
        %dma_wait3A_84 = tpu.memref_slice %arg3[%dma_wait3A_83] : memref<401408xi32, #tpu.memory_space<hbm>> -> memref<128xi32, #tpu.memory_space<hbm>>
        %dma_wait3A_85 = arith.constant 0 : i32
        %dma_wait3A_86 = tpu.memref_slice %arg3[%dma_wait3A_85] : memref<401408xi32, #tpu.memory_space<hbm>> -> memref<128xi32, #tpu.memory_space<hbm>>
        tpu.wait_dma2 semaphore(%arg9 : memref<!tpu.dma_semaphore, #tpu.memory_space<semaphore_mem>>) src(%dma_wait3A_86 : memref<128xi32, #tpu.memory_space<hbm>>) dst(%arg5 : memref<128xi32, #tpu.memory_space<vmem>>)
        %ge3A = arith.constant 2 : i32
        %ge3A_87 = arith.cmpi sge, %add3A_82, %ge3A : i32
        %convert_element_type3A_88 = arith.extui %ge3A_87 : i1 to i32
        %cond3A_89 = arith.constant 0 : i32
        %cond3A_90 = arith.cmpi ne, %convert_element_type3A_88, %cond3A_89 : i32
        scf.if %cond3A_90 {
          %dma_wait3A_94 = arith.constant 0 : i32
          %dma_wait3A_95 = arith.constant 0 : i32
          %dma_wait3A_96 = tpu.memref_slice %arg4[%dma_wait3A_94, %dma_wait3A_95] : memref<401408x32xf32, #tpu.memory_space<hbm>> -> memref<128x32xf32, #tpu.memory_space<hbm>>
          %dma_wait3A_97 = arith.constant 0 : i32
          %dma_wait3A_98 = arith.constant 0 : i32
          %dma_wait3A_99 = tpu.memref_slice %arg4[%dma_wait3A_97, %dma_wait3A_98] : memref<401408x32xf32, #tpu.memory_space<hbm>> -> memref<128x32xf32, #tpu.memory_space<hbm>>
          tpu.wait_dma2 semaphore(%arg13 : memref<!tpu.dma_semaphore, #tpu.memory_space<semaphore_mem>>) src(%arg7 : memref<128x32xf32, #tpu.memory_space<vmem>>) dst(%dma_wait3A_99 : memref<128x32xf32, #tpu.memory_space<hbm>>)
        } else {
        }
        %dma_start3A_91 = arith.constant 0 : i32
        %dma_start3A_92 = arith.constant 0 : i32
        %dma_start3A_93 = tpu.memref_slice %arg2[%dma_start3A_91, %dma_start3A_92] : memref<80008x32xf32, #tpu.memory_space<hbm>> -> memref<80008x32xf32, #tpu.memory_space<hbm>>
        tpu.enqueue_indirect_dma source(%dma_start3A_93 : memref<80008x32xf32, #tpu.memory_space<hbm>>) target(%arg7 : memref<128x32xf32, #tpu.memory_space<vmem>>) offsets(%arg5 : memref<128xi32, #tpu.memory_space<vmem>>) semaphore(%arg11 : memref<!tpu.dma_semaphore, #tpu.memory_space<semaphore_mem>>)
      } else {
      }
    }
    %scan3A_20 = arith.constant 49 : i32
    %dma_wait3A_21 = arith.constant 0 : i32
    %dma_wait3A_22 = arith.constant 0 : i32
    %dma_wait3A_23 = tpu.memref_slice %arg4[%dma_wait3A_21, %dma_wait3A_22] : memref<401408x32xf32, #tpu.memory_space<hbm>> -> memref<128x32xf32, #tpu.memory_space<hbm>>
    %dma_wait3A_24 = arith.constant 0 : i32
    %dma_wait3A_25 = arith.constant 0 : i32
    %dma_wait3A_26 = tpu.memref_slice %arg4[%dma_wait3A_24, %dma_wait3A_25] : memref<401408x32xf32, #tpu.memory_space<hbm>> -> memref<128x32xf32, #tpu.memory_space<hbm>>
    tpu.wait_dma2 semaphore(%arg13 : memref<!tpu.dma_semaphore, #tpu.memory_space<semaphore_mem>>) src(%arg7 : memref<128x32xf32, #tpu.memory_space<vmem>>) dst(%dma_wait3A_26 : memref<128x32xf32, #tpu.memory_space<hbm>>)
    %dma_wait3A_27 = arith.constant 0 : i32
    %dma_wait3A_28 = arith.constant 0 : i32
    %dma_wait3A_29 = tpu.memref_slice %arg4[%dma_wait3A_27, %dma_wait3A_28] : memref<401408x32xf32, #tpu.memory_space<hbm>> -> memref<128x32xf32, #tpu.memory_space<hbm>>
    %dma_wait3A_30 = arith.constant 0 : i32
    %dma_wait3A_31 = arith.constant 0 : i32
    %dma_wait3A_32 = tpu.memref_slice %arg4[%dma_wait3A_30, %dma_wait3A_31] : memref<401408x32xf32, #tpu.memory_space<hbm>> -> memref<128x32xf32, #tpu.memory_space<hbm>>
    tpu.wait_dma2 semaphore(%arg14 : memref<!tpu.dma_semaphore, #tpu.memory_space<semaphore_mem>>) src(%arg8 : memref<128x32xf32, #tpu.memory_space<vmem>>) dst(%dma_wait3A_32 : memref<128x32xf32, #tpu.memory_space<hbm>>)
    return
  }
}

#map = affine_map<(d0, d1) -> (0)>
#map1 = affine_map<(d0, d1) -> (0, 0)>
#map2 = affine_map<(d0, d1) -> (0, 0, 0)>
module attributes {stable_mosaic.version = 14 : i64} {
  func.func @_deg_count(%arg0: i32, %arg1: i32, %arg2: memref<802816xi32, #tpu.memory_space<hbm>>, %arg3: memref<128x32xf32, #tpu.memory_space<hbm>>, %arg4: memref<3136x32xf32, #tpu.memory_space<hbm>>, %arg5: memref<2x50176x32xf32, #tpu.memory_space<hbm>>, %arg6: memref<50176x32xf32, #tpu.memory_space<vmem_shared>>, %arg7: memref<128xi32, #tpu.memory_space<vmem>>, %arg8: memref<128xi32, #tpu.memory_space<vmem>>, %arg9: memref<128x32xf32, #tpu.memory_space<vmem>>, %arg10: memref<!tpu.dma_semaphore, #tpu.memory_space<semaphore_mem>>, %arg11: memref<!tpu.dma_semaphore, #tpu.memory_space<semaphore_mem>>) attributes {dimension_semantics = [#tpu.dimension_semantics<core_parallel>, #tpu.dimension_semantics<subcore_parallel>], iteration_bounds = array<i64: 2, 16>, scalar_prefetch = 0 : i64, scratch_operands = 6 : i64, tpu.core_type = #tpu.core_type<sc_vector_subcore>, window_params = [{transform_indices = #map}, {transform_indices = #map1}, {transform_indices = #map1}, {transform_indices = #map2}]} {
    "tpu.region"() ({
      %run_scoped3A = tpu.sem_alloc : memref<!tpu.dma_semaphore, #tpu.memory_space<semaphore_mem>>
      tpu.enqueue_dma source(%arg3 : memref<128x32xf32, #tpu.memory_space<hbm>>) target(%arg9 : memref<128x32xf32, #tpu.memory_space<vmem>>) target_semaphore(%run_scoped3A : memref<!tpu.dma_semaphore, #tpu.memory_space<semaphore_mem>>)
      tpu.wait_dma2 semaphore(%run_scoped3A : memref<!tpu.dma_semaphore, #tpu.memory_space<semaphore_mem>>) src(%arg3 : memref<128x32xf32, #tpu.memory_space<hbm>>) dst(%arg9 : memref<128x32xf32, #tpu.memory_space<vmem>>)
      tpu.yield
    }) : () -> ()
    %mul3A = arith.constant 3136 : i32
    %mul3A_0 = arith.muli %arg1, %mul3A : i32
    "tpu.region"() ({
      %run_scoped3A = tpu.sem_alloc : memref<!tpu.dma_semaphore, #tpu.memory_space<semaphore_mem>>
      %dma_start3A_18 = arith.constant 0 : i32
      %dma_start3A_19 = tpu.memref_slice %arg6[%mul3A_0, %dma_start3A_18] : memref<50176x32xf32, #tpu.memory_space<vmem_shared>> -> memref<3136x32xf32, #tpu.memory_space<vmem_shared>>
      tpu.enqueue_dma source(%arg4 : memref<3136x32xf32, #tpu.memory_space<hbm>>) target(%dma_start3A_19 : memref<3136x32xf32, #tpu.memory_space<vmem_shared>>) target_semaphore(%run_scoped3A : memref<!tpu.dma_semaphore, #tpu.memory_space<semaphore_mem>>)
      %dma_wait3A = arith.constant 0 : i32
      %dma_wait3A_20 = tpu.memref_slice %arg6[%mul3A_0, %dma_wait3A] : memref<50176x32xf32, #tpu.memory_space<vmem_shared>> -> memref<3136x32xf32, #tpu.memory_space<vmem_shared>>
      tpu.wait_dma2 semaphore(%run_scoped3A : memref<!tpu.dma_semaphore, #tpu.memory_space<semaphore_mem>>) src(%arg4 : memref<3136x32xf32, #tpu.memory_space<hbm>>) dst(%dma_wait3A_20 : memref<3136x32xf32, #tpu.memory_space<vmem_shared>>)
      tpu.yield
    }) : () -> ()
    %barrier3A = arith.constant 0 : index
    tpu.barrier barrier_id(%barrier3A)
    %mul3A_1 = arith.constant 2 : i32
    %mul3A_2 = arith.muli %arg1, %mul3A_1 : i32
    %add3A = arith.addi %mul3A_2, %arg0 : i32
    %mul3A_3 = arith.constant 25088 : i32
    %mul3A_4 = arith.muli %add3A, %mul3A_3 : i32
    %add3A_5 = arith.constant 0 : i32
    %add3A_6 = arith.addi %mul3A_4, %add3A_5 : i32
    %dma_start3A = tpu.memref_slice %arg2[%add3A_6] : memref<802816xi32, #tpu.memory_space<hbm>> -> memref<128xi32, #tpu.memory_space<hbm>>
    %dma_start3A_7 = tpu.memref_slice %arg2[%add3A_6] : memref<802816xi32, #tpu.memory_space<hbm>> -> memref<128xi32, #tpu.memory_space<hbm>>
    tpu.enqueue_dma source(%dma_start3A_7 : memref<128xi32, #tpu.memory_space<hbm>>) target(%arg7 : memref<128xi32, #tpu.memory_space<vmem>>) target_semaphore(%arg10 : memref<!tpu.dma_semaphore, #tpu.memory_space<semaphore_mem>>)
    %scan3A = arith.constant 0 : i32
    %scan3A_8 = arith.constant 0 : i32
    %scan3A_9 = arith.constant 98 : i32
    %scan3A_10 = arith.addi %scan3A_8, %scan3A_9 : i32
    %scan3A_11 = arith.constant 1 : i32
    scf.for %scan3A_18 = %scan3A_8 to %scan3A_10 step %scan3A_11  : i32 {
      %mul3A_19 = arith.constant 2 : i32
      %mul3A_20 = arith.muli %mul3A_19, %scan3A_18 : i32
      %add3A_21 = arith.constant 1 : i32
      %add3A_22 = arith.addi %mul3A_20, %add3A_21 : i32
      %lt3A = arith.constant 196 : i32
      %lt3A_23 = arith.cmpi slt, %add3A_22, %lt3A : i32
      %convert_element_type3A = arith.extui %lt3A_23 : i1 to i32
      %cond3A = arith.constant 0 : i32
      %cond3A_24 = arith.cmpi ne, %convert_element_type3A, %cond3A : i32
      scf.if %cond3A_24 {
        %add3A_42 = arith.constant 1 : i32
        %add3A_43 = arith.addi %mul3A_20, %add3A_42 : i32
        %mul3A_44 = arith.constant 128 : i32
        %mul3A_45 = arith.muli %add3A_43, %mul3A_44 : i32
        %add3A_46 = arith.addi %mul3A_4, %mul3A_45 : i32
        %dma_start3A_47 = tpu.memref_slice %arg2[%add3A_46] : memref<802816xi32, #tpu.memory_space<hbm>> -> memref<128xi32, #tpu.memory_space<hbm>>
        %dma_start3A_48 = tpu.memref_slice %arg2[%add3A_46] : memref<802816xi32, #tpu.memory_space<hbm>> -> memref<128xi32, #tpu.memory_space<hbm>>
        tpu.enqueue_dma source(%dma_start3A_48 : memref<128xi32, #tpu.memory_space<hbm>>) target(%arg8 : memref<128xi32, #tpu.memory_space<vmem>>) target_semaphore(%arg11 : memref<!tpu.dma_semaphore, #tpu.memory_space<semaphore_mem>>)
      } else {
      }
      %dma_wait3A = arith.constant 0 : i32
      %dma_wait3A_25 = tpu.memref_slice %arg2[%dma_wait3A] : memref<802816xi32, #tpu.memory_space<hbm>> -> memref<128xi32, #tpu.memory_space<hbm>>
      %dma_wait3A_26 = arith.constant 0 : i32
      %dma_wait3A_27 = tpu.memref_slice %arg2[%dma_wait3A_26] : memref<802816xi32, #tpu.memory_space<hbm>> -> memref<128xi32, #tpu.memory_space<hbm>>
      tpu.wait_dma2 semaphore(%arg10 : memref<!tpu.dma_semaphore, #tpu.memory_space<semaphore_mem>>) src(%dma_wait3A_27 : memref<128xi32, #tpu.memory_space<hbm>>) dst(%arg7 : memref<128xi32, #tpu.memory_space<vmem>>)
      "tpu.region"() ({
        %run_scoped3A = tpu.sem_alloc : memref<!tpu.dma_semaphore, #tpu.memory_space<semaphore_mem>>
        %dma_start3A_42 = arith.constant 0 : i32
        %dma_start3A_43 = arith.constant 0 : i32
        %dma_start3A_44 = tpu.memref_slice %arg6[%dma_start3A_42, %dma_start3A_43] : memref<50176x32xf32, #tpu.memory_space<vmem_shared>> -> memref<50176x32xf32, #tpu.memory_space<vmem_shared>>
        tpu.enqueue_indirect_dma source(%arg9 : memref<128x32xf32, #tpu.memory_space<vmem>>) target(%dma_start3A_44 : memref<50176x32xf32, #tpu.memory_space<vmem_shared>>) offsets(%arg7 : memref<128xi32, #tpu.memory_space<vmem>>) semaphore(%run_scoped3A : memref<!tpu.dma_semaphore, #tpu.memory_space<semaphore_mem>>) {add = true}
        %dma_wait3A_45 = arith.constant 0 : i32
        %dma_wait3A_46 = arith.constant 0 : i32
        %dma_wait3A_47 = tpu.memref_slice %arg6[%dma_wait3A_45, %dma_wait3A_46] : memref<50176x32xf32, #tpu.memory_space<vmem_shared>> -> memref<50176x32xf32, #tpu.memory_space<vmem_shared>>
        tpu.wait_indirect_dma semaphore(%run_scoped3A : memref<!tpu.dma_semaphore, #tpu.memory_space<semaphore_mem>>) src(%arg9 : memref<128x32xf32, #tpu.memory_space<vmem>>) dst(%dma_wait3A_47 : memref<50176x32xf32, #tpu.memory_space<vmem_shared>>)
        tpu.yield
      }) : () -> ()
      %add3A_28 = arith.constant 2 : i32
      %add3A_29 = arith.addi %mul3A_20, %add3A_28 : i32
      %lt3A_30 = arith.constant 196 : i32
      %lt3A_31 = arith.cmpi slt, %add3A_29, %lt3A_30 : i32
      %convert_element_type3A_32 = arith.extui %lt3A_31 : i1 to i32
      %cond3A_33 = arith.constant 0 : i32
      %cond3A_34 = arith.cmpi ne, %convert_element_type3A_32, %cond3A_33 : i32
      scf.if %cond3A_34 {
        %add3A_42 = arith.constant 2 : i32
        %add3A_43 = arith.addi %mul3A_20, %add3A_42 : i32
        %mul3A_44 = arith.constant 128 : i32
        %mul3A_45 = arith.muli %add3A_43, %mul3A_44 : i32
        %add3A_46 = arith.addi %mul3A_4, %mul3A_45 : i32
        %dma_start3A_47 = tpu.memref_slice %arg2[%add3A_46] : memref<802816xi32, #tpu.memory_space<hbm>> -> memref<128xi32, #tpu.memory_space<hbm>>
        %dma_start3A_48 = tpu.memref_slice %arg2[%add3A_46] : memref<802816xi32, #tpu.memory_space<hbm>> -> memref<128xi32, #tpu.memory_space<hbm>>
        tpu.enqueue_dma source(%dma_start3A_48 : memref<128xi32, #tpu.memory_space<hbm>>) target(%arg7 : memref<128xi32, #tpu.memory_space<vmem>>) target_semaphore(%arg10 : memref<!tpu.dma_semaphore, #tpu.memory_space<semaphore_mem>>)
      } else {
      }
      %add3A_35 = arith.constant 1 : i32
      %add3A_36 = arith.addi %mul3A_20, %add3A_35 : i32
      %lt3A_37 = arith.constant 196 : i32
      %lt3A_38 = arith.cmpi slt, %add3A_36, %lt3A_37 : i32
      %convert_element_type3A_39 = arith.extui %lt3A_38 : i1 to i32
      %cond3A_40 = arith.constant 0 : i32
      %cond3A_41 = arith.cmpi ne, %convert_element_type3A_39, %cond3A_40 : i32
      scf.if %cond3A_41 {
        %dma_wait3A_42 = arith.constant 0 : i32
        %dma_wait3A_43 = tpu.memref_slice %arg2[%dma_wait3A_42] : memref<802816xi32, #tpu.memory_space<hbm>> -> memref<128xi32, #tpu.memory_space<hbm>>
        %dma_wait3A_44 = arith.constant 0 : i32
        %dma_wait3A_45 = tpu.memref_slice %arg2[%dma_wait3A_44] : memref<802816xi32, #tpu.memory_space<hbm>> -> memref<128xi32, #tpu.memory_space<hbm>>
        tpu.wait_dma2 semaphore(%arg11 : memref<!tpu.dma_semaphore, #tpu.memory_space<semaphore_mem>>) src(%dma_wait3A_45 : memref<128xi32, #tpu.memory_space<hbm>>) dst(%arg8 : memref<128xi32, #tpu.memory_space<vmem>>)
        "tpu.region"() ({
          %run_scoped3A = tpu.sem_alloc : memref<!tpu.dma_semaphore, #tpu.memory_space<semaphore_mem>>
          %dma_start3A_46 = arith.constant 0 : i32
          %dma_start3A_47 = arith.constant 0 : i32
          %dma_start3A_48 = tpu.memref_slice %arg6[%dma_start3A_46, %dma_start3A_47] : memref<50176x32xf32, #tpu.memory_space<vmem_shared>> -> memref<50176x32xf32, #tpu.memory_space<vmem_shared>>
          tpu.enqueue_indirect_dma source(%arg9 : memref<128x32xf32, #tpu.memory_space<vmem>>) target(%dma_start3A_48 : memref<50176x32xf32, #tpu.memory_space<vmem_shared>>) offsets(%arg8 : memref<128xi32, #tpu.memory_space<vmem>>) semaphore(%run_scoped3A : memref<!tpu.dma_semaphore, #tpu.memory_space<semaphore_mem>>) {add = true}
          %dma_wait3A_49 = arith.constant 0 : i32
          %dma_wait3A_50 = arith.constant 0 : i32
          %dma_wait3A_51 = tpu.memref_slice %arg6[%dma_wait3A_49, %dma_wait3A_50] : memref<50176x32xf32, #tpu.memory_space<vmem_shared>> -> memref<50176x32xf32, #tpu.memory_space<vmem_shared>>
          tpu.wait_indirect_dma semaphore(%run_scoped3A : memref<!tpu.dma_semaphore, #tpu.memory_space<semaphore_mem>>) src(%arg9 : memref<128x32xf32, #tpu.memory_space<vmem>>) dst(%dma_wait3A_51 : memref<50176x32xf32, #tpu.memory_space<vmem_shared>>)
          tpu.yield
        }) : () -> ()
      } else {
      }
    }
    %scan3A_12 = arith.constant 98 : i32
    %barrier3A_13 = arith.constant 0 : index
    tpu.barrier barrier_id(%barrier3A_13)
    %mul3A_14 = arith.constant 3136 : i32
    %mul3A_15 = arith.muli %arg1, %mul3A_14 : i32
    %mul3A_16 = arith.constant 3136 : i32
    %mul3A_17 = arith.muli %arg1, %mul3A_16 : i32
    "tpu.region"() ({
      %run_scoped3A = tpu.sem_alloc : memref<!tpu.dma_semaphore, #tpu.memory_space<semaphore_mem>>
      %dma_start3A_18 = arith.constant 0 : i32
      %dma_start3A_19 = tpu.memref_slice %arg5[%arg0, %mul3A_17, %dma_start3A_18] : memref<2x50176x32xf32, #tpu.memory_space<hbm>> -> memref<1x3136x32xf32, #tpu.memory_space<hbm>>
      %dma_start3A_20 = tpu.memref_squeeze %dma_start3A_19 : memref<1x3136x32xf32, #tpu.memory_space<hbm>> -> memref<3136x32xf32, #tpu.memory_space<hbm>>
      %dma_start3A_21 = arith.constant 0 : i32
      %dma_start3A_22 = tpu.memref_slice %arg6[%mul3A_15, %dma_start3A_21] : memref<50176x32xf32, #tpu.memory_space<vmem_shared>> -> memref<3136x32xf32, #tpu.memory_space<vmem_shared>>
      tpu.enqueue_dma source(%dma_start3A_22 : memref<3136x32xf32, #tpu.memory_space<vmem_shared>>) target(%dma_start3A_20 : memref<3136x32xf32, #tpu.memory_space<hbm>>) target_semaphore(%run_scoped3A : memref<!tpu.dma_semaphore, #tpu.memory_space<semaphore_mem>>)
      %dma_wait3A = arith.constant 0 : i32
      %dma_wait3A_23 = tpu.memref_slice %arg5[%arg0, %mul3A_17, %dma_wait3A] : memref<2x50176x32xf32, #tpu.memory_space<hbm>> -> memref<1x3136x32xf32, #tpu.memory_space<hbm>>
      %dma_wait3A_24 = tpu.memref_squeeze %dma_wait3A_23 : memref<1x3136x32xf32, #tpu.memory_space<hbm>> -> memref<3136x32xf32, #tpu.memory_space<hbm>>
      %dma_wait3A_25 = arith.constant 0 : i32
      %dma_wait3A_26 = tpu.memref_slice %arg6[%mul3A_15, %dma_wait3A_25] : memref<50176x32xf32, #tpu.memory_space<vmem_shared>> -> memref<3136x32xf32, #tpu.memory_space<vmem_shared>>
      tpu.wait_dma2 semaphore(%run_scoped3A : memref<!tpu.dma_semaphore, #tpu.memory_space<semaphore_mem>>) src(%dma_wait3A_26 : memref<3136x32xf32, #tpu.memory_space<vmem_shared>>) dst(%dma_wait3A_24 : memref<3136x32xf32, #tpu.memory_space<hbm>>)
      tpu.yield
    }) : () -> ()
    return
  }
}

#map = affine_map<(d0, d1) -> (0, 0)>
#map1 = affine_map<(d0, d1) -> (0)>
#map2 = affine_map<(d0, d1) -> (0, 0, 0)>
module attributes {stable_mosaic.version = 14 : i64} {
  func.func @_edge_agg(%arg0: i32, %arg1: i32, %arg2: memref<100352x32xf32, #tpu.memory_space<hbm>>, %arg3: memref<2x802816xi32, #tpu.memory_space<hbm>>, %arg4: memref<802816xi32, #tpu.memory_space<hbm>>, %arg5: memref<3136x32xf32, #tpu.memory_space<hbm>>, %arg6: memref<2x50176x32xf32, #tpu.memory_space<hbm>>, %arg7: memref<50176x32xf32, #tpu.memory_space<vmem_shared>>, %arg8: memref<256xi32, #tpu.memory_space<vmem>>, %arg9: memref<256xi32, #tpu.memory_space<vmem>>, %arg10: memref<128xi32, #tpu.memory_space<vmem>>, %arg11: memref<128xi32, #tpu.memory_space<vmem>>, %arg12: memref<128xi32, #tpu.memory_space<vmem>>, %arg13: memref<128xi32, #tpu.memory_space<vmem>>, %arg14: memref<2x128x32xf32, #tpu.memory_space<vmem>>, %arg15: memref<2x128x32xf32, #tpu.memory_space<vmem>>, %arg16: memref<!tpu.dma_semaphore, #tpu.memory_space<semaphore_mem>>, %arg17: memref<!tpu.dma_semaphore, #tpu.memory_space<semaphore_mem>>, %arg18: memref<!tpu.dma_semaphore, #tpu.memory_space<semaphore_mem>>, %arg19: memref<!tpu.dma_semaphore, #tpu.memory_space<semaphore_mem>>, %arg20: memref<!tpu.dma_semaphore, #tpu.memory_space<semaphore_mem>>, %arg21: memref<!tpu.dma_semaphore, #tpu.memory_space<semaphore_mem>>) attributes {dimension_semantics = [#tpu.dimension_semantics<core_parallel>, #tpu.dimension_semantics<subcore_parallel>], iteration_bounds = array<i64: 2, 16>, scalar_prefetch = 0 : i64, scratch_operands = 15 : i64, tpu.core_type = #tpu.core_type<sc_vector_subcore>, window_params = [{transform_indices = #map}, {transform_indices = #map}, {transform_indices = #map1}, {transform_indices = #map}, {transform_indices = #map2}]} {
    %mul3A = arith.constant 3136 : i32
    %mul3A_0 = arith.muli %arg1, %mul3A : i32
    "tpu.region"() ({
      %run_scoped3A = tpu.sem_alloc : memref<!tpu.dma_semaphore, #tpu.memory_space<semaphore_mem>>
      %dma_start3A_64 = arith.constant 0 : i32
      %dma_start3A_65 = tpu.memref_slice %arg7[%mul3A_0, %dma_start3A_64] : memref<50176x32xf32, #tpu.memory_space<vmem_shared>> -> memref<3136x32xf32, #tpu.memory_space<vmem_shared>>
      tpu.enqueue_dma source(%arg5 : memref<3136x32xf32, #tpu.memory_space<hbm>>) target(%dma_start3A_65 : memref<3136x32xf32, #tpu.memory_space<vmem_shared>>) target_semaphore(%run_scoped3A : memref<!tpu.dma_semaphore, #tpu.memory_space<semaphore_mem>>)
      %dma_wait3A_66 = arith.constant 0 : i32
      %dma_wait3A_67 = tpu.memref_slice %arg7[%mul3A_0, %dma_wait3A_66] : memref<50176x32xf32, #tpu.memory_space<vmem_shared>> -> memref<3136x32xf32, #tpu.memory_space<vmem_shared>>
      tpu.wait_dma2 semaphore(%run_scoped3A : memref<!tpu.dma_semaphore, #tpu.memory_space<semaphore_mem>>) src(%arg5 : memref<3136x32xf32, #tpu.memory_space<hbm>>) dst(%dma_wait3A_67 : memref<3136x32xf32, #tpu.memory_space<vmem_shared>>)
      tpu.yield
    }) : () -> ()
    %barrier3A = arith.constant 0 : index
    tpu.barrier barrier_id(%barrier3A)
    %mul3A_1 = arith.constant 50176 : i32
    %mul3A_2 = arith.muli %arg1, %mul3A_1 : i32
    %add3A = arith.constant 0 : i32
    %add3A_3 = arith.addi %mul3A_2, %add3A : i32
    %dma_start3A = tpu.memref_slice %arg3[%arg0, %add3A_3] : memref<2x802816xi32, #tpu.memory_space<hbm>> -> memref<1x256xi32, #tpu.memory_space<hbm>>
    %dma_start3A_4 = tpu.memref_squeeze %dma_start3A : memref<1x256xi32, #tpu.memory_space<hbm>> -> memref<256xi32, #tpu.memory_space<hbm>>
    %dma_start3A_5 = tpu.memref_slice %arg3[%arg0, %add3A_3] : memref<2x802816xi32, #tpu.memory_space<hbm>> -> memref<1x256xi32, #tpu.memory_space<hbm>>
    %dma_start3A_6 = tpu.memref_squeeze %dma_start3A_5 : memref<1x256xi32, #tpu.memory_space<hbm>> -> memref<256xi32, #tpu.memory_space<hbm>>
    tpu.enqueue_dma source(%dma_start3A_6 : memref<256xi32, #tpu.memory_space<hbm>>) target(%arg8 : memref<256xi32, #tpu.memory_space<vmem>>) target_semaphore(%arg16 : memref<!tpu.dma_semaphore, #tpu.memory_space<semaphore_mem>>)
    %add3A_7 = arith.constant 0 : i32
    %add3A_8 = arith.addi %add3A_3, %add3A_7 : i32
    %dma_start3A_9 = tpu.memref_slice %arg4[%add3A_8] : memref<802816xi32, #tpu.memory_space<hbm>> -> memref<128xi32, #tpu.memory_space<hbm>>
    %dma_start3A_10 = tpu.memref_slice %arg4[%add3A_8] : memref<802816xi32, #tpu.memory_space<hbm>> -> memref<128xi32, #tpu.memory_space<hbm>>
    tpu.enqueue_dma source(%dma_start3A_10 : memref<128xi32, #tpu.memory_space<hbm>>) target(%arg10 : memref<128xi32, #tpu.memory_space<vmem>>) target_semaphore(%arg18 : memref<!tpu.dma_semaphore, #tpu.memory_space<semaphore_mem>>)
    %add3A_11 = arith.constant 128 : i32
    %add3A_12 = arith.addi %add3A_3, %add3A_11 : i32
    %dma_start3A_13 = tpu.memref_slice %arg4[%add3A_12] : memref<802816xi32, #tpu.memory_space<hbm>> -> memref<128xi32, #tpu.memory_space<hbm>>
    %dma_start3A_14 = tpu.memref_slice %arg4[%add3A_12] : memref<802816xi32, #tpu.memory_space<hbm>> -> memref<128xi32, #tpu.memory_space<hbm>>
    tpu.enqueue_dma source(%dma_start3A_14 : memref<128xi32, #tpu.memory_space<hbm>>) target(%arg11 : memref<128xi32, #tpu.memory_space<vmem>>) target_semaphore(%arg18 : memref<!tpu.dma_semaphore, #tpu.memory_space<semaphore_mem>>)
    %add3A_15 = arith.constant 256 : i32
    %add3A_16 = arith.addi %mul3A_2, %add3A_15 : i32
    %dma_start3A_17 = tpu.memref_slice %arg3[%arg0, %add3A_16] : memref<2x802816xi32, #tpu.memory_space<hbm>> -> memref<1x256xi32, #tpu.memory_space<hbm>>
    %dma_start3A_18 = tpu.memref_squeeze %dma_start3A_17 : memref<1x256xi32, #tpu.memory_space<hbm>> -> memref<256xi32, #tpu.memory_space<hbm>>
    %dma_start3A_19 = tpu.memref_slice %arg3[%arg0, %add3A_16] : memref<2x802816xi32, #tpu.memory_space<hbm>> -> memref<1x256xi32, #tpu.memory_space<hbm>>
    %dma_start3A_20 = tpu.memref_squeeze %dma_start3A_19 : memref<1x256xi32, #tpu.memory_space<hbm>> -> memref<256xi32, #tpu.memory_space<hbm>>
    tpu.enqueue_dma source(%dma_start3A_20 : memref<256xi32, #tpu.memory_space<hbm>>) target(%arg9 : memref<256xi32, #tpu.memory_space<vmem>>) target_semaphore(%arg17 : memref<!tpu.dma_semaphore, #tpu.memory_space<semaphore_mem>>)
    %add3A_21 = arith.constant 0 : i32
    %add3A_22 = arith.addi %add3A_16, %add3A_21 : i32
    %dma_start3A_23 = tpu.memref_slice %arg4[%add3A_22] : memref<802816xi32, #tpu.memory_space<hbm>> -> memref<128xi32, #tpu.memory_space<hbm>>
    %dma_start3A_24 = tpu.memref_slice %arg4[%add3A_22] : memref<802816xi32, #tpu.memory_space<hbm>> -> memref<128xi32, #tpu.memory_space<hbm>>
    tpu.enqueue_dma source(%dma_start3A_24 : memref<128xi32, #tpu.memory_space<hbm>>) target(%arg12 : memref<128xi32, #tpu.memory_space<vmem>>) target_semaphore(%arg19 : memref<!tpu.dma_semaphore, #tpu.memory_space<semaphore_mem>>)
    %add3A_25 = arith.constant 128 : i32
    %add3A_26 = arith.addi %add3A_16, %add3A_25 : i32
    %dma_start3A_27 = tpu.memref_slice %arg4[%add3A_26] : memref<802816xi32, #tpu.memory_space<hbm>> -> memref<128xi32, #tpu.memory_space<hbm>>
    %dma_start3A_28 = tpu.memref_slice %arg4[%add3A_26] : memref<802816xi32, #tpu.memory_space<hbm>> -> memref<128xi32, #tpu.memory_space<hbm>>
    tpu.enqueue_dma source(%dma_start3A_28 : memref<128xi32, #tpu.memory_space<hbm>>) target(%arg13 : memref<128xi32, #tpu.memory_space<vmem>>) target_semaphore(%arg19 : memref<!tpu.dma_semaphore, #tpu.memory_space<semaphore_mem>>)
    %dma_wait3A = arith.constant 0 : i32
    %dma_wait3A_29 = tpu.memref_slice %arg3[%arg0, %dma_wait3A] : memref<2x802816xi32, #tpu.memory_space<hbm>> -> memref<1x256xi32, #tpu.memory_space<hbm>>
    %dma_wait3A_30 = tpu.memref_squeeze %dma_wait3A_29 : memref<1x256xi32, #tpu.memory_space<hbm>> -> memref<256xi32, #tpu.memory_space<hbm>>
    %dma_wait3A_31 = arith.constant 0 : i32
    %dma_wait3A_32 = tpu.memref_slice %arg3[%arg0, %dma_wait3A_31] : memref<2x802816xi32, #tpu.memory_space<hbm>> -> memref<1x256xi32, #tpu.memory_space<hbm>>
    %dma_wait3A_33 = tpu.memref_squeeze %dma_wait3A_32 : memref<1x256xi32, #tpu.memory_space<hbm>> -> memref<256xi32, #tpu.memory_space<hbm>>
    tpu.wait_dma2 semaphore(%arg16 : memref<!tpu.dma_semaphore, #tpu.memory_space<semaphore_mem>>) src(%dma_wait3A_33 : memref<256xi32, #tpu.memory_space<hbm>>) dst(%arg8 : memref<256xi32, #tpu.memory_space<vmem>>)
    %dma_start3A_34 = arith.constant 0 : i32
    %dma_start3A_35 = arith.constant 0 : i32
    %dma_start3A_36 = arith.constant 0 : i32
    %dma_start3A_37 = tpu.memref_slice %arg14[%dma_start3A_34, %dma_start3A_35, %dma_start3A_36] : memref<2x128x32xf32, #tpu.memory_space<vmem>> -> memref<1x128x32xf32, #tpu.memory_space<vmem>>
    %dma_start3A_38 = tpu.memref_squeeze %dma_start3A_37 : memref<1x128x32xf32, #tpu.memory_space<vmem>> -> memref<128x32xf32, #tpu.memory_space<vmem>>
    %dma_start3A_39 = arith.constant 0 : i32
    %dma_start3A_40 = tpu.memref_slice %arg8[%dma_start3A_39] : memref<256xi32, #tpu.memory_space<vmem>> -> memref<128xi32, #tpu.memory_space<vmem>>
    %dma_start3A_41 = arith.constant 0 : i32
    %dma_start3A_42 = arith.constant 0 : i32
    %dma_start3A_43 = tpu.memref_slice %arg2[%dma_start3A_41, %dma_start3A_42] : memref<100352x32xf32, #tpu.memory_space<hbm>> -> memref<100352x32xf32, #tpu.memory_space<hbm>>
    tpu.enqueue_indirect_dma source(%dma_start3A_43 : memref<100352x32xf32, #tpu.memory_space<hbm>>) target(%dma_start3A_38 : memref<128x32xf32, #tpu.memory_space<vmem>>) offsets(%dma_start3A_40 : memref<128xi32, #tpu.memory_space<vmem>>) semaphore(%arg20 : memref<!tpu.dma_semaphore, #tpu.memory_space<semaphore_mem>>)
    %dma_start3A_44 = arith.constant 1 : i32
    %dma_start3A_45 = arith.constant 0 : i32
    %dma_start3A_46 = arith.constant 0 : i32
    %dma_start3A_47 = tpu.memref_slice %arg14[%dma_start3A_44, %dma_start3A_45, %dma_start3A_46] : memref<2x128x32xf32, #tpu.memory_space<vmem>> -> memref<1x128x32xf32, #tpu.memory_space<vmem>>
    %dma_start3A_48 = tpu.memref_squeeze %dma_start3A_47 : memref<1x128x32xf32, #tpu.memory_space<vmem>> -> memref<128x32xf32, #tpu.memory_space<vmem>>
    %dma_start3A_49 = arith.constant 128 : i32
    %dma_start3A_50 = tpu.memref_slice %arg8[%dma_start3A_49] : memref<256xi32, #tpu.memory_space<vmem>> -> memref<128xi32, #tpu.memory_space<vmem>>
    %dma_start3A_51 = arith.constant 0 : i32
    %dma_start3A_52 = arith.constant 0 : i32
    %dma_start3A_53 = tpu.memref_slice %arg2[%dma_start3A_51, %dma_start3A_52] : memref<100352x32xf32, #tpu.memory_space<hbm>> -> memref<100352x32xf32, #tpu.memory_space<hbm>>
    tpu.enqueue_indirect_dma source(%dma_start3A_53 : memref<100352x32xf32, #tpu.memory_space<hbm>>) target(%dma_start3A_48 : memref<128x32xf32, #tpu.memory_space<vmem>>) offsets(%dma_start3A_50 : memref<128xi32, #tpu.memory_space<vmem>>) semaphore(%arg20 : memref<!tpu.dma_semaphore, #tpu.memory_space<semaphore_mem>>)
    %scan3A = arith.constant 0 : i32
    %scan3A_54 = arith.constant 0 : i32
    %scan3A_55 = arith.constant 98 : i32
    %scan3A_56 = arith.addi %scan3A_54, %scan3A_55 : i32
    %scan3A_57 = arith.constant 1 : i32
    scf.for %scan3A_64 = %scan3A_54 to %scan3A_56 step %scan3A_57  : i32 {
      %mul3A_65 = arith.constant 2 : i32
      %mul3A_66 = arith.muli %mul3A_65, %scan3A_64 : i32
      %dma_wait3A_67 = arith.constant 0 : i32
      %dma_wait3A_68 = arith.constant 0 : i32
      %dma_wait3A_69 = arith.constant 0 : i32
      %dma_wait3A_70 = tpu.memref_slice %arg14[%dma_wait3A_67, %dma_wait3A_68, %dma_wait3A_69] : memref<2x128x32xf32, #tpu.memory_space<vmem>> -> memref<1x128x32xf32, #tpu.memory_space<vmem>>
      %dma_wait3A_71 = tpu.memref_squeeze %dma_wait3A_70 : memref<1x128x32xf32, #tpu.memory_space<vmem>> -> memref<128x32xf32, #tpu.memory_space<vmem>>
      %dma_wait3A_72 = arith.constant 0 : i32
      %dma_wait3A_73 = arith.constant 0 : i32
      %dma_wait3A_74 = tpu.memref_slice %arg2[%dma_wait3A_72, %dma_wait3A_73] : memref<100352x32xf32, #tpu.memory_space<hbm>> -> memref<128x32xf32, #tpu.memory_space<hbm>>
      %dma_wait3A_75 = arith.constant 0 : i32
      %dma_wait3A_76 = arith.constant 0 : i32
      %dma_wait3A_77 = tpu.memref_slice %arg14[%dma_wait3A_67, %dma_wait3A_75, %dma_wait3A_76] : memref<2x128x32xf32, #tpu.memory_space<vmem>> -> memref<1x128x32xf32, #tpu.memory_space<vmem>>
      %dma_wait3A_78 = tpu.memref_squeeze %dma_wait3A_77 : memref<1x128x32xf32, #tpu.memory_space<vmem>> -> memref<128x32xf32, #tpu.memory_space<vmem>>
      %dma_wait3A_79 = arith.constant 0 : i32
      %dma_wait3A_80 = arith.constant 0 : i32
      %dma_wait3A_81 = tpu.memref_slice %arg2[%dma_wait3A_79, %dma_wait3A_80] : memref<100352x32xf32, #tpu.memory_space<hbm>> -> memref<128x32xf32, #tpu.memory_space<hbm>>
      tpu.wait_dma2 semaphore(%arg20 : memref<!tpu.dma_semaphore, #tpu.memory_space<semaphore_mem>>) src(%dma_wait3A_81 : memref<128x32xf32, #tpu.memory_space<hbm>>) dst(%dma_wait3A_78 : memref<128x32xf32, #tpu.memory_space<vmem>>)
      %dma_wait3A_82 = arith.constant 1 : i32
      %dma_wait3A_83 = arith.constant 0 : i32
      %dma_wait3A_84 = arith.constant 0 : i32
      %dma_wait3A_85 = tpu.memref_slice %arg14[%dma_wait3A_82, %dma_wait3A_83, %dma_wait3A_84] : memref<2x128x32xf32, #tpu.memory_space<vmem>> -> memref<1x128x32xf32, #tpu.memory_space<vmem>>
      %dma_wait3A_86 = tpu.memref_squeeze %dma_wait3A_85 : memref<1x128x32xf32, #tpu.memory_space<vmem>> -> memref<128x32xf32, #tpu.memory_space<vmem>>
      %dma_wait3A_87 = arith.constant 0 : i32
      %dma_wait3A_88 = arith.constant 0 : i32
      %dma_wait3A_89 = tpu.memref_slice %arg2[%dma_wait3A_87, %dma_wait3A_88] : memref<100352x32xf32, #tpu.memory_space<hbm>> -> memref<128x32xf32, #tpu.memory_space<hbm>>
      %dma_wait3A_90 = arith.constant 0 : i32
      %dma_wait3A_91 = arith.constant 0 : i32
      %dma_wait3A_92 = tpu.memref_slice %arg14[%dma_wait3A_82, %dma_wait3A_90, %dma_wait3A_91] : memref<2x128x32xf32, #tpu.memory_space<vmem>> -> memref<1x128x32xf32, #tpu.memory_space<vmem>>
      %dma_wait3A_93 = tpu.memref_squeeze %dma_wait3A_92 : memref<1x128x32xf32, #tpu.memory_space<vmem>> -> memref<128x32xf32, #tpu.memory_space<vmem>>
      %dma_wait3A_94 = arith.constant 0 : i32
      %dma_wait3A_95 = arith.constant 0 : i32
      %dma_wait3A_96 = tpu.memref_slice %arg2[%dma_wait3A_94, %dma_wait3A_95] : memref<100352x32xf32, #tpu.memory_space<hbm>> -> memref<128x32xf32, #tpu.memory_space<hbm>>
      tpu.wait_dma2 semaphore(%arg20 : memref<!tpu.dma_semaphore, #tpu.memory_space<semaphore_mem>>) src(%dma_wait3A_96 : memref<128x32xf32, #tpu.memory_space<hbm>>) dst(%dma_wait3A_93 : memref<128x32xf32, #tpu.memory_space<vmem>>)
      %dma_wait3A_97 = arith.constant 0 : i32
      %dma_wait3A_98 = tpu.memref_slice %arg4[%dma_wait3A_97] : memref<802816xi32, #tpu.memory_space<hbm>> -> memref<128xi32, #tpu.memory_space<hbm>>
      %dma_wait3A_99 = arith.constant 0 : i32
      %dma_wait3A_100 = tpu.memref_slice %arg4[%dma_wait3A_99] : memref<802816xi32, #tpu.memory_space<hbm>> -> memref<128xi32, #tpu.memory_space<hbm>>
      tpu.wait_dma2 semaphore(%arg18 : memref<!tpu.dma_semaphore, #tpu.memory_space<semaphore_mem>>) src(%dma_wait3A_100 : memref<128xi32, #tpu.memory_space<hbm>>) dst(%arg10 : memref<128xi32, #tpu.memory_space<vmem>>)
      %dma_wait3A_101 = arith.constant 0 : i32
      %dma_wait3A_102 = tpu.memref_slice %arg4[%dma_wait3A_101] : memref<802816xi32, #tpu.memory_space<hbm>> -> memref<128xi32, #tpu.memory_space<hbm>>
      %dma_wait3A_103 = arith.constant 0 : i32
      %dma_wait3A_104 = tpu.memref_slice %arg4[%dma_wait3A_103] : memref<802816xi32, #tpu.memory_space<hbm>> -> memref<128xi32, #tpu.memory_space<hbm>>
      tpu.wait_dma2 semaphore(%arg18 : memref<!tpu.dma_semaphore, #tpu.memory_space<semaphore_mem>>) src(%dma_wait3A_104 : memref<128xi32, #tpu.memory_space<hbm>>) dst(%arg11 : memref<128xi32, #tpu.memory_space<vmem>>)
      %run_scoped3A = arith.constant 0 : i32
      "tpu.region"() ({
        %run_scoped3A_138 = tpu.sem_alloc : memref<!tpu.dma_semaphore, #tpu.memory_space<semaphore_mem>>
        %dma_start3A_139 = arith.constant 0 : i32
        %dma_start3A_140 = arith.constant 0 : i32
        %dma_start3A_141 = tpu.memref_slice %arg14[%run_scoped3A, %dma_start3A_139, %dma_start3A_140] : memref<2x128x32xf32, #tpu.memory_space<vmem>> -> memref<1x128x32xf32, #tpu.memory_space<vmem>>
        %dma_start3A_142 = tpu.memref_squeeze %dma_start3A_141 : memref<1x128x32xf32, #tpu.memory_space<vmem>> -> memref<128x32xf32, #tpu.memory_space<vmem>>
        %dma_start3A_143 = arith.constant 0 : i32
        %dma_start3A_144 = arith.constant 0 : i32
        %dma_start3A_145 = tpu.memref_slice %arg7[%dma_start3A_143, %dma_start3A_144] : memref<50176x32xf32, #tpu.memory_space<vmem_shared>> -> memref<50176x32xf32, #tpu.memory_space<vmem_shared>>
        tpu.enqueue_indirect_dma source(%dma_start3A_142 : memref<128x32xf32, #tpu.memory_space<vmem>>) target(%dma_start3A_145 : memref<50176x32xf32, #tpu.memory_space<vmem_shared>>) offsets(%arg10 : memref<128xi32, #tpu.memory_space<vmem>>) semaphore(%run_scoped3A_138 : memref<!tpu.dma_semaphore, #tpu.memory_space<semaphore_mem>>) {add = true}
        %dma_wait3A_146 = arith.constant 0 : i32
        %dma_wait3A_147 = arith.constant 0 : i32
        %dma_wait3A_148 = tpu.memref_slice %arg14[%run_scoped3A, %dma_wait3A_146, %dma_wait3A_147] : memref<2x128x32xf32, #tpu.memory_space<vmem>> -> memref<1x128x32xf32, #tpu.memory_space<vmem>>
        %dma_wait3A_149 = tpu.memref_squeeze %dma_wait3A_148 : memref<1x128x32xf32, #tpu.memory_space<vmem>> -> memref<128x32xf32, #tpu.memory_space<vmem>>
        %dma_wait3A_150 = arith.constant 0 : i32
        %dma_wait3A_151 = arith.constant 0 : i32
        %dma_wait3A_152 = tpu.memref_slice %arg7[%dma_wait3A_150, %dma_wait3A_151] : memref<50176x32xf32, #tpu.memory_space<vmem_shared>> -> memref<50176x32xf32, #tpu.memory_space<vmem_shared>>
        tpu.wait_indirect_dma semaphore(%run_scoped3A_138 : memref<!tpu.dma_semaphore, #tpu.memory_space<semaphore_mem>>) src(%dma_wait3A_149 : memref<128x32xf32, #tpu.memory_space<vmem>>) dst(%dma_wait3A_152 : memref<50176x32xf32, #tpu.memory_space<vmem_shared>>)
        tpu.yield
      }) : () -> ()
      %run_scoped3A_105 = arith.constant 1 : i32
      "tpu.region"() ({
        %run_scoped3A_138 = tpu.sem_alloc : memref<!tpu.dma_semaphore, #tpu.memory_space<semaphore_mem>>
        %dma_start3A_139 = arith.constant 0 : i32
        %dma_start3A_140 = arith.constant 0 : i32
        %dma_start3A_141 = tpu.memref_slice %arg14[%run_scoped3A_105, %dma_start3A_139, %dma_start3A_140] : memref<2x128x32xf32, #tpu.memory_space<vmem>> -> memref<1x128x32xf32, #tpu.memory_space<vmem>>
        %dma_start3A_142 = tpu.memref_squeeze %dma_start3A_141 : memref<1x128x32xf32, #tpu.memory_space<vmem>> -> memref<128x32xf32, #tpu.memory_space<vmem>>
        %dma_start3A_143 = arith.constant 0 : i32
        %dma_start3A_144 = arith.constant 0 : i32
        %dma_start3A_145 = tpu.memref_slice %arg7[%dma_start3A_143, %dma_start3A_144] : memref<50176x32xf32, #tpu.memory_space<vmem_shared>> -> memref<50176x32xf32, #tpu.memory_space<vmem_shared>>
        tpu.enqueue_indirect_dma source(%dma_start3A_142 : memref<128x32xf32, #tpu.memory_space<vmem>>) target(%dma_start3A_145 : memref<50176x32xf32, #tpu.memory_space<vmem_shared>>) offsets(%arg11 : memref<128xi32, #tpu.memory_space<vmem>>) semaphore(%run_scoped3A_138 : memref<!tpu.dma_semaphore, #tpu.memory_space<semaphore_mem>>) {add = true}
        %dma_wait3A_146 = arith.constant 0 : i32
        %dma_wait3A_147 = arith.constant 0 : i32
        %dma_wait3A_148 = tpu.memref_slice %arg14[%run_scoped3A_105, %dma_wait3A_146, %dma_wait3A_147] : memref<2x128x32xf32, #tpu.memory_space<vmem>> -> memref<1x128x32xf32, #tpu.memory_space<vmem>>
        %dma_wait3A_149 = tpu.memref_squeeze %dma_wait3A_148 : memref<1x128x32xf32, #tpu.memory_space<vmem>> -> memref<128x32xf32, #tpu.memory_space<vmem>>
        %dma_wait3A_150 = arith.constant 0 : i32
        %dma_wait3A_151 = arith.constant 0 : i32
        %dma_wait3A_152 = tpu.memref_slice %arg7[%dma_wait3A_150, %dma_wait3A_151] : memref<50176x32xf32, #tpu.memory_space<vmem_shared>> -> memref<50176x32xf32, #tpu.memory_space<vmem_shared>>
        tpu.wait_indirect_dma semaphore(%run_scoped3A_138 : memref<!tpu.dma_semaphore, #tpu.memory_space<semaphore_mem>>) src(%dma_wait3A_149 : memref<128x32xf32, #tpu.memory_space<vmem>>) dst(%dma_wait3A_152 : memref<50176x32xf32, #tpu.memory_space<vmem_shared>>)
        tpu.yield
      }) : () -> ()
      %add3A_106 = arith.constant 2 : i32
      %add3A_107 = arith.addi %mul3A_66, %add3A_106 : i32
      %lt3A = arith.constant 196 : i32
      %lt3A_108 = arith.cmpi slt, %add3A_107, %lt3A : i32
      %convert_element_type3A = arith.extui %lt3A_108 : i1 to i32
      %cond3A = arith.constant 0 : i32
      %cond3A_109 = arith.cmpi ne, %convert_element_type3A, %cond3A : i32
      scf.if %cond3A_109 {
        %add3A_138 = arith.constant 2 : i32
        %add3A_139 = arith.addi %mul3A_66, %add3A_138 : i32
        %mul3A_140 = arith.constant 256 : i32
        %mul3A_141 = arith.muli %add3A_139, %mul3A_140 : i32
        %add3A_142 = arith.addi %mul3A_2, %mul3A_141 : i32
        %dma_start3A_143 = tpu.memref_slice %arg3[%arg0, %add3A_142] : memref<2x802816xi32, #tpu.memory_space<hbm>> -> memref<1x256xi32, #tpu.memory_space<hbm>>
        %dma_start3A_144 = tpu.memref_squeeze %dma_start3A_143 : memref<1x256xi32, #tpu.memory_space<hbm>> -> memref<256xi32, #tpu.memory_space<hbm>>
        %dma_start3A_145 = tpu.memref_slice %arg3[%arg0, %add3A_142] : memref<2x802816xi32, #tpu.memory_space<hbm>> -> memref<1x256xi32, #tpu.memory_space<hbm>>
        %dma_start3A_146 = tpu.memref_squeeze %dma_start3A_145 : memref<1x256xi32, #tpu.memory_space<hbm>> -> memref<256xi32, #tpu.memory_space<hbm>>
        tpu.enqueue_dma source(%dma_start3A_146 : memref<256xi32, #tpu.memory_space<hbm>>) target(%arg8 : memref<256xi32, #tpu.memory_space<vmem>>) target_semaphore(%arg16 : memref<!tpu.dma_semaphore, #tpu.memory_space<semaphore_mem>>)
        %add3A_147 = arith.constant 0 : i32
        %add3A_148 = arith.addi %add3A_142, %add3A_147 : i32
        %dma_start3A_149 = tpu.memref_slice %arg4[%add3A_148] : memref<802816xi32, #tpu.memory_space<hbm>> -> memref<128xi32, #tpu.memory_space<hbm>>
        %dma_start3A_150 = tpu.memref_slice %arg4[%add3A_148] : memref<802816xi32, #tpu.memory_space<hbm>> -> memref<128xi32, #tpu.memory_space<hbm>>
        tpu.enqueue_dma source(%dma_start3A_150 : memref<128xi32, #tpu.memory_space<hbm>>) target(%arg10 : memref<128xi32, #tpu.memory_space<vmem>>) target_semaphore(%arg18 : memref<!tpu.dma_semaphore, #tpu.memory_space<semaphore_mem>>)
        %add3A_151 = arith.constant 128 : i32
        %add3A_152 = arith.addi %add3A_142, %add3A_151 : i32
        %dma_start3A_153 = tpu.memref_slice %arg4[%add3A_152] : memref<802816xi32, #tpu.memory_space<hbm>> -> memref<128xi32, #tpu.memory_space<hbm>>
        %dma_start3A_154 = tpu.memref_slice %arg4[%add3A_152] : memref<802816xi32, #tpu.memory_space<hbm>> -> memref<128xi32, #tpu.memory_space<hbm>>
        tpu.enqueue_dma source(%dma_start3A_154 : memref<128xi32, #tpu.memory_space<hbm>>) target(%arg11 : memref<128xi32, #tpu.memory_space<vmem>>) target_semaphore(%arg18 : memref<!tpu.dma_semaphore, #tpu.memory_space<semaphore_mem>>)
      } else {
      }
      %add3A_110 = arith.constant 1 : i32
      %add3A_111 = arith.addi %mul3A_66, %add3A_110 : i32
      %lt3A_112 = arith.constant 196 : i32
      %lt3A_113 = arith.cmpi slt, %add3A_111, %lt3A_112 : i32
      %convert_element_type3A_114 = arith.extui %lt3A_113 : i1 to i32
      %cond3A_115 = arith.constant 0 : i32
      %cond3A_116 = arith.cmpi ne, %convert_element_type3A_114, %cond3A_115 : i32
      scf.if %cond3A_116 {
        %add3A_138 = arith.constant 1 : i32
        %add3A_139 = arith.addi %mul3A_66, %add3A_138 : i32
        %dma_wait3A_140 = arith.constant 0 : i32
        %dma_wait3A_141 = tpu.memref_slice %arg3[%arg0, %dma_wait3A_140] : memref<2x802816xi32, #tpu.memory_space<hbm>> -> memref<1x256xi32, #tpu.memory_space<hbm>>
        %dma_wait3A_142 = tpu.memref_squeeze %dma_wait3A_141 : memref<1x256xi32, #tpu.memory_space<hbm>> -> memref<256xi32, #tpu.memory_space<hbm>>
        %dma_wait3A_143 = arith.constant 0 : i32
        %dma_wait3A_144 = tpu.memref_slice %arg3[%arg0, %dma_wait3A_143] : memref<2x802816xi32, #tpu.memory_space<hbm>> -> memref<1x256xi32, #tpu.memory_space<hbm>>
        %dma_wait3A_145 = tpu.memref_squeeze %dma_wait3A_144 : memref<1x256xi32, #tpu.memory_space<hbm>> -> memref<256xi32, #tpu.memory_space<hbm>>
        tpu.wait_dma2 semaphore(%arg17 : memref<!tpu.dma_semaphore, #tpu.memory_space<semaphore_mem>>) src(%dma_wait3A_145 : memref<256xi32, #tpu.memory_space<hbm>>) dst(%arg9 : memref<256xi32, #tpu.memory_space<vmem>>)
        %dma_start3A_146 = arith.constant 0 : i32
        %dma_start3A_147 = arith.constant 0 : i32
        %dma_start3A_148 = arith.constant 0 : i32
        %dma_start3A_149 = tpu.memref_slice %arg15[%dma_start3A_146, %dma_start3A_147, %dma_start3A_148] : memref<2x128x32xf32, #tpu.memory_space<vmem>> -> memref<1x128x32xf32, #tpu.memory_space<vmem>>
        %dma_start3A_150 = tpu.memref_squeeze %dma_start3A_149 : memref<1x128x32xf32, #tpu.memory_space<vmem>> -> memref<128x32xf32, #tpu.memory_space<vmem>>
        %dma_start3A_151 = arith.constant 0 : i32
        %dma_start3A_152 = tpu.memref_slice %arg9[%dma_start3A_151] : memref<256xi32, #tpu.memory_space<vmem>> -> memref<128xi32, #tpu.memory_space<vmem>>
        %dma_start3A_153 = arith.constant 0 : i32
        %dma_start3A_154 = arith.constant 0 : i32
        %dma_start3A_155 = tpu.memref_slice %arg2[%dma_start3A_153, %dma_start3A_154] : memref<100352x32xf32, #tpu.memory_space<hbm>> -> memref<100352x32xf32, #tpu.memory_space<hbm>>
        tpu.enqueue_indirect_dma source(%dma_start3A_155 : memref<100352x32xf32, #tpu.memory_space<hbm>>) target(%dma_start3A_150 : memref<128x32xf32, #tpu.memory_space<vmem>>) offsets(%dma_start3A_152 : memref<128xi32, #tpu.memory_space<vmem>>) semaphore(%arg21 : memref<!tpu.dma_semaphore, #tpu.memory_space<semaphore_mem>>)
        %dma_start3A_156 = arith.constant 1 : i32
        %dma_start3A_157 = arith.constant 0 : i32
        %dma_start3A_158 = arith.constant 0 : i32
        %dma_start3A_159 = tpu.memref_slice %arg15[%dma_start3A_156, %dma_start3A_157, %dma_start3A_158] : memref<2x128x32xf32, #tpu.memory_space<vmem>> -> memref<1x128x32xf32, #tpu.memory_space<vmem>>
        %dma_start3A_160 = tpu.memref_squeeze %dma_start3A_159 : memref<1x128x32xf32, #tpu.memory_space<vmem>> -> memref<128x32xf32, #tpu.memory_space<vmem>>
        %dma_start3A_161 = arith.constant 128 : i32
        %dma_start3A_162 = tpu.memref_slice %arg9[%dma_start3A_161] : memref<256xi32, #tpu.memory_space<vmem>> -> memref<128xi32, #tpu.memory_space<vmem>>
        %dma_start3A_163 = arith.constant 0 : i32
        %dma_start3A_164 = arith.constant 0 : i32
        %dma_start3A_165 = tpu.memref_slice %arg2[%dma_start3A_163, %dma_start3A_164] : memref<100352x32xf32, #tpu.memory_space<hbm>> -> memref<100352x32xf32, #tpu.memory_space<hbm>>
        tpu.enqueue_indirect_dma source(%dma_start3A_165 : memref<100352x32xf32, #tpu.memory_space<hbm>>) target(%dma_start3A_160 : memref<128x32xf32, #tpu.memory_space<vmem>>) offsets(%dma_start3A_162 : memref<128xi32, #tpu.memory_space<vmem>>) semaphore(%arg21 : memref<!tpu.dma_semaphore, #tpu.memory_space<semaphore_mem>>)
      } else {
      }
      %add3A_117 = arith.constant 1 : i32
      %add3A_118 = arith.addi %mul3A_66, %add3A_117 : i32
      %lt3A_119 = arith.constant 196 : i32
      %lt3A_120 = arith.cmpi slt, %add3A_118, %lt3A_119 : i32
      %convert_element_type3A_121 = arith.extui %lt3A_120 : i1 to i32
      %cond3A_122 = arith.constant 0 : i32
      %cond3A_123 = arith.cmpi ne, %convert_element_type3A_121, %cond3A_122 : i32
      scf.if %cond3A_123 {
        %add3A_138 = arith.constant 1 : i32
        %add3A_139 = arith.addi %mul3A_66, %add3A_138 : i32
        %dma_wait3A_140 = arith.constant 0 : i32
        %dma_wait3A_141 = arith.constant 0 : i32
        %dma_wait3A_142 = arith.constant 0 : i32
        %dma_wait3A_143 = tpu.memref_slice %arg15[%dma_wait3A_140, %dma_wait3A_141, %dma_wait3A_142] : memref<2x128x32xf32, #tpu.memory_space<vmem>> -> memref<1x128x32xf32, #tpu.memory_space<vmem>>
        %dma_wait3A_144 = tpu.memref_squeeze %dma_wait3A_143 : memref<1x128x32xf32, #tpu.memory_space<vmem>> -> memref<128x32xf32, #tpu.memory_space<vmem>>
        %dma_wait3A_145 = arith.constant 0 : i32
        %dma_wait3A_146 = arith.constant 0 : i32
        %dma_wait3A_147 = tpu.memref_slice %arg2[%dma_wait3A_145, %dma_wait3A_146] : memref<100352x32xf32, #tpu.memory_space<hbm>> -> memref<128x32xf32, #tpu.memory_space<hbm>>
        %dma_wait3A_148 = arith.constant 0 : i32
        %dma_wait3A_149 = arith.constant 0 : i32
        %dma_wait3A_150 = tpu.memref_slice %arg15[%dma_wait3A_140, %dma_wait3A_148, %dma_wait3A_149] : memref<2x128x32xf32, #tpu.memory_space<vmem>> -> memref<1x128x32xf32, #tpu.memory_space<vmem>>
        %dma_wait3A_151 = tpu.memref_squeeze %dma_wait3A_150 : memref<1x128x32xf32, #tpu.memory_space<vmem>> -> memref<128x32xf32, #tpu.memory_space<vmem>>
        %dma_wait3A_152 = arith.constant 0 : i32
        %dma_wait3A_153 = arith.constant 0 : i32
        %dma_wait3A_154 = tpu.memref_slice %arg2[%dma_wait3A_152, %dma_wait3A_153] : memref<100352x32xf32, #tpu.memory_space<hbm>> -> memref<128x32xf32, #tpu.memory_space<hbm>>
        tpu.wait_dma2 semaphore(%arg21 : memref<!tpu.dma_semaphore, #tpu.memory_space<semaphore_mem>>) src(%dma_wait3A_154 : memref<128x32xf32, #tpu.memory_space<hbm>>) dst(%dma_wait3A_151 : memref<128x32xf32, #tpu.memory_space<vmem>>)
        %dma_wait3A_155 = arith.constant 1 : i32
        %dma_wait3A_156 = arith.constant 0 : i32
        %dma_wait3A_157 = arith.constant 0 : i32
        %dma_wait3A_158 = tpu.memref_slice %arg15[%dma_wait3A_155, %dma_wait3A_156, %dma_wait3A_157] : memref<2x128x32xf32, #tpu.memory_space<vmem>> -> memref<1x128x32xf32, #tpu.memory_space<vmem>>
        %dma_wait3A_159 = tpu.memref_squeeze %dma_wait3A_158 : memref<1x128x32xf32, #tpu.memory_space<vmem>> -> memref<128x32xf32, #tpu.memory_space<vmem>>
        %dma_wait3A_160 = arith.constant 0 : i32
        %dma_wait3A_161 = arith.constant 0 : i32
        %dma_wait3A_162 = tpu.memref_slice %arg2[%dma_wait3A_160, %dma_wait3A_161] : memref<100352x32xf32, #tpu.memory_space<hbm>> -> memref<128x32xf32, #tpu.memory_space<hbm>>
        %dma_wait3A_163 = arith.constant 0 : i32
        %dma_wait3A_164 = arith.constant 0 : i32
        %dma_wait3A_165 = tpu.memref_slice %arg15[%dma_wait3A_155, %dma_wait3A_163, %dma_wait3A_164] : memref<2x128x32xf32, #tpu.memory_space<vmem>> -> memref<1x128x32xf32, #tpu.memory_space<vmem>>
        %dma_wait3A_166 = tpu.memref_squeeze %dma_wait3A_165 : memref<1x128x32xf32, #tpu.memory_space<vmem>> -> memref<128x32xf32, #tpu.memory_space<vmem>>
        %dma_wait3A_167 = arith.constant 0 : i32
        %dma_wait3A_168 = arith.constant 0 : i32
        %dma_wait3A_169 = tpu.memref_slice %arg2[%dma_wait3A_167, %dma_wait3A_168] : memref<100352x32xf32, #tpu.memory_space<hbm>> -> memref<128x32xf32, #tpu.memory_space<hbm>>
        tpu.wait_dma2 semaphore(%arg21 : memref<!tpu.dma_semaphore, #tpu.memory_space<semaphore_mem>>) src(%dma_wait3A_169 : memref<128x32xf32, #tpu.memory_space<hbm>>) dst(%dma_wait3A_166 : memref<128x32xf32, #tpu.memory_space<vmem>>)
        %dma_wait3A_170 = arith.constant 0 : i32
        %dma_wait3A_171 = tpu.memref_slice %arg4[%dma_wait3A_170] : memref<802816xi32, #tpu.memory_space<hbm>> -> memref<128xi32, #tpu.memory_space<hbm>>
        %dma_wait3A_172 = arith.constant 0 : i32
        %dma_wait3A_173 = tpu.memref_slice %arg4[%dma_wait3A_172] : memref<802816xi32, #tpu.memory_space<hbm>> -> memref<128xi32, #tpu.memory_space<hbm>>
        tpu.wait_dma2 semaphore(%arg19 : memref<!tpu.dma_semaphore, #tpu.memory_space<semaphore_mem>>) src(%dma_wait3A_173 : memref<128xi32, #tpu.memory_space<hbm>>) dst(%arg12 : memref<128xi32, #tpu.memory_space<vmem>>)
        %dma_wait3A_174 = arith.constant 0 : i32
        %dma_wait3A_175 = tpu.memref_slice %arg4[%dma_wait3A_174] : memref<802816xi32, #tpu.memory_space<hbm>> -> memref<128xi32, #tpu.memory_space<hbm>>
        %dma_wait3A_176 = arith.constant 0 : i32
        %dma_wait3A_177 = tpu.memref_slice %arg4[%dma_wait3A_176] : memref<802816xi32, #tpu.memory_space<hbm>> -> memref<128xi32, #tpu.memory_space<hbm>>
        tpu.wait_dma2 semaphore(%arg19 : memref<!tpu.dma_semaphore, #tpu.memory_space<semaphore_mem>>) src(%dma_wait3A_177 : memref<128xi32, #tpu.memory_space<hbm>>) dst(%arg13 : memref<128xi32, #tpu.memory_space<vmem>>)
        %run_scoped3A_178 = arith.constant 0 : i32
        "tpu.region"() ({
          %run_scoped3A_180 = tpu.sem_alloc : memref<!tpu.dma_semaphore, #tpu.memory_space<semaphore_mem>>
          %dma_start3A_181 = arith.constant 0 : i32
          %dma_start3A_182 = arith.constant 0 : i32
          %dma_start3A_183 = tpu.memref_slice %arg15[%run_scoped3A_178, %dma_start3A_181, %dma_start3A_182] : memref<2x128x32xf32, #tpu.memory_space<vmem>> -> memref<1x128x32xf32, #tpu.memory_space<vmem>>
          %dma_start3A_184 = tpu.memref_squeeze %dma_start3A_183 : memref<1x128x32xf32, #tpu.memory_space<vmem>> -> memref<128x32xf32, #tpu.memory_space<vmem>>
          %dma_start3A_185 = arith.constant 0 : i32
          %dma_start3A_186 = arith.constant 0 : i32
          %dma_start3A_187 = tpu.memref_slice %arg7[%dma_start3A_185, %dma_start3A_186] : memref<50176x32xf32, #tpu.memory_space<vmem_shared>> -> memref<50176x32xf32, #tpu.memory_space<vmem_shared>>
          tpu.enqueue_indirect_dma source(%dma_start3A_184 : memref<128x32xf32, #tpu.memory_space<vmem>>) target(%dma_start3A_187 : memref<50176x32xf32, #tpu.memory_space<vmem_shared>>) offsets(%arg12 : memref<128xi32, #tpu.memory_space<vmem>>) semaphore(%run_scoped3A_180 : memref<!tpu.dma_semaphore, #tpu.memory_space<semaphore_mem>>) {add = true}
          %dma_wait3A_188 = arith.constant 0 : i32
          %dma_wait3A_189 = arith.constant 0 : i32
          %dma_wait3A_190 = tpu.memref_slice %arg15[%run_scoped3A_178, %dma_wait3A_188, %dma_wait3A_189] : memref<2x128x32xf32, #tpu.memory_space<vmem>> -> memref<1x128x32xf32, #tpu.memory_space<vmem>>
          %dma_wait3A_191 = tpu.memref_squeeze %dma_wait3A_190 : memref<1x128x32xf32, #tpu.memory_space<vmem>> -> memref<128x32xf32, #tpu.memory_space<vmem>>
          %dma_wait3A_192 = arith.constant 0 : i32
          %dma_wait3A_193 = arith.constant 0 : i32
          %dma_wait3A_194 = tpu.memref_slice %arg7[%dma_wait3A_192, %dma_wait3A_193] : memref<50176x32xf32, #tpu.memory_space<vmem_shared>> -> memref<50176x32xf32, #tpu.memory_space<vmem_shared>>
          tpu.wait_indirect_dma semaphore(%run_scoped3A_180 : memref<!tpu.dma_semaphore, #tpu.memory_space<semaphore_mem>>) src(%dma_wait3A_191 : memref<128x32xf32, #tpu.memory_space<vmem>>) dst(%dma_wait3A_194 : memref<50176x32xf32, #tpu.memory_space<vmem_shared>>)
          tpu.yield
        }) : () -> ()
        %run_scoped3A_179 = arith.constant 1 : i32
        "tpu.region"() ({
          %run_scoped3A_180 = tpu.sem_alloc : memref<!tpu.dma_semaphore, #tpu.memory_space<semaphore_mem>>
          %dma_start3A_181 = arith.constant 0 : i32
          %dma_start3A_182 = arith.constant 0 : i32
          %dma_start3A_183 = tpu.memref_slice %arg15[%run_scoped3A_179, %dma_start3A_181, %dma_start3A_182] : memref<2x128x32xf32, #tpu.memory_space<vmem>> -> memref<1x128x32xf32, #tpu.memory_space<vmem>>
          %dma_start3A_184 = tpu.memref_squeeze %dma_start3A_183 : memref<1x128x32xf32, #tpu.memory_space<vmem>> -> memref<128x32xf32, #tpu.memory_space<vmem>>
          %dma_start3A_185 = arith.constant 0 : i32
          %dma_start3A_186 = arith.constant 0 : i32
          %dma_start3A_187 = tpu.memref_slice %arg7[%dma_start3A_185, %dma_start3A_186] : memref<50176x32xf32, #tpu.memory_space<vmem_shared>> -> memref<50176x32xf32, #tpu.memory_space<vmem_shared>>
          tpu.enqueue_indirect_dma source(%dma_start3A_184 : memref<128x32xf32, #tpu.memory_space<vmem>>) target(%dma_start3A_187 : memref<50176x32xf32, #tpu.memory_space<vmem_shared>>) offsets(%arg13 : memref<128xi32, #tpu.memory_space<vmem>>) semaphore(%run_scoped3A_180 : memref<!tpu.dma_semaphore, #tpu.memory_space<semaphore_mem>>) {add = true}
          %dma_wait3A_188 = arith.constant 0 : i32
          %dma_wait3A_189 = arith.constant 0 : i32
          %dma_wait3A_190 = tpu.memref_slice %arg15[%run_scoped3A_179, %dma_wait3A_188, %dma_wait3A_189] : memref<2x128x32xf32, #tpu.memory_space<vmem>> -> memref<1x128x32xf32, #tpu.memory_space<vmem>>
          %dma_wait3A_191 = tpu.memref_squeeze %dma_wait3A_190 : memref<1x128x32xf32, #tpu.memory_space<vmem>> -> memref<128x32xf32, #tpu.memory_space<vmem>>
          %dma_wait3A_192 = arith.constant 0 : i32
          %dma_wait3A_193 = arith.constant 0 : i32
          %dma_wait3A_194 = tpu.memref_slice %arg7[%dma_wait3A_192, %dma_wait3A_193] : memref<50176x32xf32, #tpu.memory_space<vmem_shared>> -> memref<50176x32xf32, #tpu.memory_space<vmem_shared>>
          tpu.wait_indirect_dma semaphore(%run_scoped3A_180 : memref<!tpu.dma_semaphore, #tpu.memory_space<semaphore_mem>>) src(%dma_wait3A_191 : memref<128x32xf32, #tpu.memory_space<vmem>>) dst(%dma_wait3A_194 : memref<50176x32xf32, #tpu.memory_space<vmem_shared>>)
          tpu.yield
        }) : () -> ()
      } else {
      }
      %add3A_124 = arith.constant 3 : i32
      %add3A_125 = arith.addi %mul3A_66, %add3A_124 : i32
      %lt3A_126 = arith.constant 196 : i32
      %lt3A_127 = arith.cmpi slt, %add3A_125, %lt3A_126 : i32
      %convert_element_type3A_128 = arith.extui %lt3A_127 : i1 to i32
      %cond3A_129 = arith.constant 0 : i32
      %cond3A_130 = arith.cmpi ne, %convert_element_type3A_128, %cond3A_129 : i32
      scf.if %cond3A_130 {
        %add3A_138 = arith.constant 3 : i32
        %add3A_139 = arith.addi %mul3A_66, %add3A_138 : i32
        %mul3A_140 = arith.constant 256 : i32
        %mul3A_141 = arith.muli %add3A_139, %mul3A_140 : i32
        %add3A_142 = arith.addi %mul3A_2, %mul3A_141 : i32
        %dma_start3A_143 = tpu.memref_slice %arg3[%arg0, %add3A_142] : memref<2x802816xi32, #tpu.memory_space<hbm>> -> memref<1x256xi32, #tpu.memory_space<hbm>>
        %dma_start3A_144 = tpu.memref_squeeze %dma_start3A_143 : memref<1x256xi32, #tpu.memory_space<hbm>> -> memref<256xi32, #tpu.memory_space<hbm>>
        %dma_start3A_145 = tpu.memref_slice %arg3[%arg0, %add3A_142] : memref<2x802816xi32, #tpu.memory_space<hbm>> -> memref<1x256xi32, #tpu.memory_space<hbm>>
        %dma_start3A_146 = tpu.memref_squeeze %dma_start3A_145 : memref<1x256xi32, #tpu.memory_space<hbm>> -> memref<256xi32, #tpu.memory_space<hbm>>
        tpu.enqueue_dma source(%dma_start3A_146 : memref<256xi32, #tpu.memory_space<hbm>>) target(%arg9 : memref<256xi32, #tpu.memory_space<vmem>>) target_semaphore(%arg17 : memref<!tpu.dma_semaphore, #tpu.memory_space<semaphore_mem>>)
        %add3A_147 = arith.constant 0 : i32
        %add3A_148 = arith.addi %add3A_142, %add3A_147 : i32
        %dma_start3A_149 = tpu.memref_slice %arg4[%add3A_148] : memref<802816xi32, #tpu.memory_space<hbm>> -> memref<128xi32, #tpu.memory_space<hbm>>
        %dma_start3A_150 = tpu.memref_slice %arg4[%add3A_148] : memref<802816xi32, #tpu.memory_space<hbm>> -> memref<128xi32, #tpu.memory_space<hbm>>
        tpu.enqueue_dma source(%dma_start3A_150 : memref<128xi32, #tpu.memory_space<hbm>>) target(%arg12 : memref<128xi32, #tpu.memory_space<vmem>>) target_semaphore(%arg19 : memref<!tpu.dma_semaphore, #tpu.memory_space<semaphore_mem>>)
        %add3A_151 = arith.constant 128 : i32
        %add3A_152 = arith.addi %add3A_142, %add3A_151 : i32
        %dma_start3A_153 = tpu.memref_slice %arg4[%add3A_152] : memref<802816xi32, #tpu.memory_space<hbm>> -> memref<128xi32, #tpu.memory_space<hbm>>
        %dma_start3A_154 = tpu.memref_slice %arg4[%add3A_152] : memref<802816xi32, #tpu.memory_space<hbm>> -> memref<128xi32, #tpu.memory_space<hbm>>
        tpu.enqueue_dma source(%dma_start3A_154 : memref<128xi32, #tpu.memory_space<hbm>>) target(%arg13 : memref<128xi32, #tpu.memory_space<vmem>>) target_semaphore(%arg19 : memref<!tpu.dma_semaphore, #tpu.memory_space<semaphore_mem>>)
      } else {
      }
      %add3A_131 = arith.constant 2 : i32
      %add3A_132 = arith.addi %mul3A_66, %add3A_131 : i32
      %lt3A_133 = arith.constant 196 : i32
      %lt3A_134 = arith.cmpi slt, %add3A_132, %lt3A_133 : i32
      %convert_element_type3A_135 = arith.extui %lt3A_134 : i1 to i32
      %cond3A_136 = arith.constant 0 : i32
      %cond3A_137 = arith.cmpi ne, %convert_element_type3A_135, %cond3A_136 : i32
      scf.if %cond3A_137 {
        %add3A_138 = arith.constant 2 : i32
        %add3A_139 = arith.addi %mul3A_66, %add3A_138 : i32
        %dma_wait3A_140 = arith.constant 0 : i32
        %dma_wait3A_141 = tpu.memref_slice %arg3[%arg0, %dma_wait3A_140] : memref<2x802816xi32, #tpu.memory_space<hbm>> -> memref<1x256xi32, #tpu.memory_space<hbm>>
        %dma_wait3A_142 = tpu.memref_squeeze %dma_wait3A_141 : memref<1x256xi32, #tpu.memory_space<hbm>> -> memref<256xi32, #tpu.memory_space<hbm>>
        %dma_wait3A_143 = arith.constant 0 : i32
        %dma_wait3A_144 = tpu.memref_slice %arg3[%arg0, %dma_wait3A_143] : memref<2x802816xi32, #tpu.memory_space<hbm>> -> memref<1x256xi32, #tpu.memory_space<hbm>>
        %dma_wait3A_145 = tpu.memref_squeeze %dma_wait3A_144 : memref<1x256xi32, #tpu.memory_space<hbm>> -> memref<256xi32, #tpu.memory_space<hbm>>
        tpu.wait_dma2 semaphore(%arg16 : memref<!tpu.dma_semaphore, #tpu.memory_space<semaphore_mem>>) src(%dma_wait3A_145 : memref<256xi32, #tpu.memory_space<hbm>>) dst(%arg8 : memref<256xi32, #tpu.memory_space<vmem>>)
        %dma_start3A_146 = arith.constant 0 : i32
        %dma_start3A_147 = arith.constant 0 : i32
        %dma_start3A_148 = arith.constant 0 : i32
        %dma_start3A_149 = tpu.memref_slice %arg14[%dma_start3A_146, %dma_start3A_147, %dma_start3A_148] : memref<2x128x32xf32, #tpu.memory_space<vmem>> -> memref<1x128x32xf32, #tpu.memory_space<vmem>>
        %dma_start3A_150 = tpu.memref_squeeze %dma_start3A_149 : memref<1x128x32xf32, #tpu.memory_space<vmem>> -> memref<128x32xf32, #tpu.memory_space<vmem>>
        %dma_start3A_151 = arith.constant 0 : i32
        %dma_start3A_152 = tpu.memref_slice %arg8[%dma_start3A_151] : memref<256xi32, #tpu.memory_space<vmem>> -> memref<128xi32, #tpu.memory_space<vmem>>
        %dma_start3A_153 = arith.constant 0 : i32
        %dma_start3A_154 = arith.constant 0 : i32
        %dma_start3A_155 = tpu.memref_slice %arg2[%dma_start3A_153, %dma_start3A_154] : memref<100352x32xf32, #tpu.memory_space<hbm>> -> memref<100352x32xf32, #tpu.memory_space<hbm>>
        tpu.enqueue_indirect_dma source(%dma_start3A_155 : memref<100352x32xf32, #tpu.memory_space<hbm>>) target(%dma_start3A_150 : memref<128x32xf32, #tpu.memory_space<vmem>>) offsets(%dma_start3A_152 : memref<128xi32, #tpu.memory_space<vmem>>) semaphore(%arg20 : memref<!tpu.dma_semaphore, #tpu.memory_space<semaphore_mem>>)
        %dma_start3A_156 = arith.constant 1 : i32
        %dma_start3A_157 = arith.constant 0 : i32
        %dma_start3A_158 = arith.constant 0 : i32
        %dma_start3A_159 = tpu.memref_slice %arg14[%dma_start3A_156, %dma_start3A_157, %dma_start3A_158] : memref<2x128x32xf32, #tpu.memory_space<vmem>> -> memref<1x128x32xf32, #tpu.memory_space<vmem>>
        %dma_start3A_160 = tpu.memref_squeeze %dma_start3A_159 : memref<1x128x32xf32, #tpu.memory_space<vmem>> -> memref<128x32xf32, #tpu.memory_space<vmem>>
        %dma_start3A_161 = arith.constant 128 : i32
        %dma_start3A_162 = tpu.memref_slice %arg8[%dma_start3A_161] : memref<256xi32, #tpu.memory_space<vmem>> -> memref<128xi32, #tpu.memory_space<vmem>>
        %dma_start3A_163 = arith.constant 0 : i32
        %dma_start3A_164 = arith.constant 0 : i32
        %dma_start3A_165 = tpu.memref_slice %arg2[%dma_start3A_163, %dma_start3A_164] : memref<100352x32xf32, #tpu.memory_space<hbm>> -> memref<100352x32xf32, #tpu.memory_space<hbm>>
        tpu.enqueue_indirect_dma source(%dma_start3A_165 : memref<100352x32xf32, #tpu.memory_space<hbm>>) target(%dma_start3A_160 : memref<128x32xf32, #tpu.memory_space<vmem>>) offsets(%dma_start3A_162 : memref<128xi32, #tpu.memory_space<vmem>>) semaphore(%arg20 : memref<!tpu.dma_semaphore, #tpu.memory_space<semaphore_mem>>)
      } else {
      }
    }
    %scan3A_58 = arith.constant 98 : i32
    %barrier3A_59 = arith.constant 0 : index
    tpu.barrier barrier_id(%barrier3A_59)
    %mul3A_60 = arith.constant 3136 : i32
    %mul3A_61 = arith.muli %arg1, %mul3A_60 : i32
    %mul3A_62 = arith.constant 3136 : i32
    %mul3A_63 = arith.muli %arg1, %mul3A_62 : i32
    "tpu.region"() ({
      %run_scoped3A = tpu.sem_alloc : memref<!tpu.dma_semaphore, #tpu.memory_space<semaphore_mem>>
      %dma_start3A_64 = arith.constant 0 : i32
      %dma_start3A_65 = tpu.memref_slice %arg6[%arg0, %mul3A_63, %dma_start3A_64] : memref<2x50176x32xf32, #tpu.memory_space<hbm>> -> memref<1x3136x32xf32, #tpu.memory_space<hbm>>
      %dma_start3A_66 = tpu.memref_squeeze %dma_start3A_65 : memref<1x3136x32xf32, #tpu.memory_space<hbm>> -> memref<3136x32xf32, #tpu.memory_space<hbm>>
      %dma_start3A_67 = arith.constant 0 : i32
      %dma_start3A_68 = tpu.memref_slice %arg7[%mul3A_61, %dma_start3A_67] : memref<50176x32xf32, #tpu.memory_space<vmem_shared>> -> memref<3136x32xf32, #tpu.memory_space<vmem_shared>>
      tpu.enqueue_dma source(%dma_start3A_68 : memref<3136x32xf32, #tpu.memory_space<vmem_shared>>) target(%dma_start3A_66 : memref<3136x32xf32, #tpu.memory_space<hbm>>) target_semaphore(%run_scoped3A : memref<!tpu.dma_semaphore, #tpu.memory_space<semaphore_mem>>)
      %dma_wait3A_69 = arith.constant 0 : i32
      %dma_wait3A_70 = tpu.memref_slice %arg6[%arg0, %mul3A_63, %dma_wait3A_69] : memref<2x50176x32xf32, #tpu.memory_space<hbm>> -> memref<1x3136x32xf32, #tpu.memory_space<hbm>>
      %dma_wait3A_71 = tpu.memref_squeeze %dma_wait3A_70 : memref<1x3136x32xf32, #tpu.memory_space<hbm>> -> memref<3136x32xf32, #tpu.memory_space<hbm>>
      %dma_wait3A_72 = arith.constant 0 : i32
      %dma_wait3A_73 = tpu.memref_slice %arg7[%mul3A_61, %dma_wait3A_72] : memref<50176x32xf32, #tpu.memory_space<vmem_shared>> -> memref<3136x32xf32, #tpu.memory_space<vmem_shared>>
      tpu.wait_dma2 semaphore(%run_scoped3A : memref<!tpu.dma_semaphore, #tpu.memory_space<semaphore_mem>>) src(%dma_wait3A_73 : memref<3136x32xf32, #tpu.memory_space<vmem_shared>>) dst(%dma_wait3A_71 : memref<3136x32xf32, #tpu.memory_space<hbm>>)
      tpu.yield
    }) : () -> ()
    return
  }
}

#map = affine_map<(d0, d1) -> (0, 0)>
#map1 = affine_map<(d0, d1) -> (0)>
#map2 = affine_map<(d0, d1) -> (0, 0, 0)>
module attributes {stable_mosaic.version = 14 : i64} {
  func.func @_edge_agg(%arg0: i32, %arg1: i32, %arg2: memref<100352x32xf32, #tpu.memory_space<hbm>>, %arg3: memref<2x802816xi32, #tpu.memory_space<hbm>>, %arg4: memref<802816xi32, #tpu.memory_space<hbm>>, %arg5: memref<3136x32xf32, #tpu.memory_space<hbm>>, %arg6: memref<2x50176x32xf32, #tpu.memory_space<hbm>>, %arg7: memref<50176x32xf32, #tpu.memory_space<vmem_shared>>, %arg8: memref<256xi32, #tpu.memory_space<vmem>>, %arg9: memref<256xi32, #tpu.memory_space<vmem>>, %arg10: memref<128xi32, #tpu.memory_space<vmem>>, %arg11: memref<128xi32, #tpu.memory_space<vmem>>, %arg12: memref<128xi32, #tpu.memory_space<vmem>>, %arg13: memref<128xi32, #tpu.memory_space<vmem>>, %arg14: memref<2x128x32xf32, #tpu.memory_space<vmem>>, %arg15: memref<2x128x32xf32, #tpu.memory_space<vmem>>, %arg16: memref<!tpu.dma_semaphore, #tpu.memory_space<semaphore_mem>>, %arg17: memref<!tpu.dma_semaphore, #tpu.memory_space<semaphore_mem>>, %arg18: memref<!tpu.dma_semaphore, #tpu.memory_space<semaphore_mem>>, %arg19: memref<!tpu.dma_semaphore, #tpu.memory_space<semaphore_mem>>, %arg20: memref<!tpu.dma_semaphore, #tpu.memory_space<semaphore_mem>>, %arg21: memref<!tpu.dma_semaphore, #tpu.memory_space<semaphore_mem>>) attributes {dimension_semantics = [#tpu.dimension_semantics<core_parallel>, #tpu.dimension_semantics<subcore_parallel>], iteration_bounds = array<i64: 2, 16>, scalar_prefetch = 0 : i64, scratch_operands = 15 : i64, tpu.core_type = #tpu.core_type<sc_vector_subcore>, window_params = [{transform_indices = #map}, {transform_indices = #map}, {transform_indices = #map1}, {transform_indices = #map}, {transform_indices = #map2}]} {
    %mul3A = arith.constant 3136 : i32
    %mul3A_0 = arith.muli %arg1, %mul3A : i32
    "tpu.region"() ({
      %run_scoped3A = tpu.sem_alloc : memref<!tpu.dma_semaphore, #tpu.memory_space<semaphore_mem>>
      %dma_start3A_64 = arith.constant 0 : i32
      %dma_start3A_65 = tpu.memref_slice %arg7[%mul3A_0, %dma_start3A_64] : memref<50176x32xf32, #tpu.memory_space<vmem_shared>> -> memref<3136x32xf32, #tpu.memory_space<vmem_shared>>
      tpu.enqueue_dma source(%arg5 : memref<3136x32xf32, #tpu.memory_space<hbm>>) target(%dma_start3A_65 : memref<3136x32xf32, #tpu.memory_space<vmem_shared>>) target_semaphore(%run_scoped3A : memref<!tpu.dma_semaphore, #tpu.memory_space<semaphore_mem>>)
      %dma_wait3A_66 = arith.constant 0 : i32
      %dma_wait3A_67 = tpu.memref_slice %arg7[%mul3A_0, %dma_wait3A_66] : memref<50176x32xf32, #tpu.memory_space<vmem_shared>> -> memref<3136x32xf32, #tpu.memory_space<vmem_shared>>
      tpu.wait_dma2 semaphore(%run_scoped3A : memref<!tpu.dma_semaphore, #tpu.memory_space<semaphore_mem>>) src(%arg5 : memref<3136x32xf32, #tpu.memory_space<hbm>>) dst(%dma_wait3A_67 : memref<3136x32xf32, #tpu.memory_space<vmem_shared>>)
      tpu.yield
    }) : () -> ()
    %barrier3A = arith.constant 0 : index
    tpu.barrier barrier_id(%barrier3A)
    %mul3A_1 = arith.constant 50176 : i32
    %mul3A_2 = arith.muli %arg1, %mul3A_1 : i32
    %add3A = arith.constant 0 : i32
    %add3A_3 = arith.addi %mul3A_2, %add3A : i32
    %dma_start3A = tpu.memref_slice %arg3[%arg0, %add3A_3] : memref<2x802816xi32, #tpu.memory_space<hbm>> -> memref<1x256xi32, #tpu.memory_space<hbm>>
    %dma_start3A_4 = tpu.memref_squeeze %dma_start3A : memref<1x256xi32, #tpu.memory_space<hbm>> -> memref<256xi32, #tpu.memory_space<hbm>>
    %dma_start3A_5 = tpu.memref_slice %arg3[%arg0, %add3A_3] : memref<2x802816xi32, #tpu.memory_space<hbm>> -> memref<1x256xi32, #tpu.memory_space<hbm>>
    %dma_start3A_6 = tpu.memref_squeeze %dma_start3A_5 : memref<1x256xi32, #tpu.memory_space<hbm>> -> memref<256xi32, #tpu.memory_space<hbm>>
    tpu.enqueue_dma source(%dma_start3A_6 : memref<256xi32, #tpu.memory_space<hbm>>) target(%arg8 : memref<256xi32, #tpu.memory_space<vmem>>) target_semaphore(%arg16 : memref<!tpu.dma_semaphore, #tpu.memory_space<semaphore_mem>>)
    %add3A_7 = arith.constant 0 : i32
    %add3A_8 = arith.addi %add3A_3, %add3A_7 : i32
    %dma_start3A_9 = tpu.memref_slice %arg4[%add3A_8] : memref<802816xi32, #tpu.memory_space<hbm>> -> memref<128xi32, #tpu.memory_space<hbm>>
    %dma_start3A_10 = tpu.memref_slice %arg4[%add3A_8] : memref<802816xi32, #tpu.memory_space<hbm>> -> memref<128xi32, #tpu.memory_space<hbm>>
    tpu.enqueue_dma source(%dma_start3A_10 : memref<128xi32, #tpu.memory_space<hbm>>) target(%arg10 : memref<128xi32, #tpu.memory_space<vmem>>) target_semaphore(%arg18 : memref<!tpu.dma_semaphore, #tpu.memory_space<semaphore_mem>>)
    %add3A_11 = arith.constant 128 : i32
    %add3A_12 = arith.addi %add3A_3, %add3A_11 : i32
    %dma_start3A_13 = tpu.memref_slice %arg4[%add3A_12] : memref<802816xi32, #tpu.memory_space<hbm>> -> memref<128xi32, #tpu.memory_space<hbm>>
    %dma_start3A_14 = tpu.memref_slice %arg4[%add3A_12] : memref<802816xi32, #tpu.memory_space<hbm>> -> memref<128xi32, #tpu.memory_space<hbm>>
    tpu.enqueue_dma source(%dma_start3A_14 : memref<128xi32, #tpu.memory_space<hbm>>) target(%arg11 : memref<128xi32, #tpu.memory_space<vmem>>) target_semaphore(%arg18 : memref<!tpu.dma_semaphore, #tpu.memory_space<semaphore_mem>>)
    %add3A_15 = arith.constant 256 : i32
    %add3A_16 = arith.addi %mul3A_2, %add3A_15 : i32
    %dma_start3A_17 = tpu.memref_slice %arg3[%arg0, %add3A_16] : memref<2x802816xi32, #tpu.memory_space<hbm>> -> memref<1x256xi32, #tpu.memory_space<hbm>>
    %dma_start3A_18 = tpu.memref_squeeze %dma_start3A_17 : memref<1x256xi32, #tpu.memory_space<hbm>> -> memref<256xi32, #tpu.memory_space<hbm>>
    %dma_start3A_19 = tpu.memref_slice %arg3[%arg0, %add3A_16] : memref<2x802816xi32, #tpu.memory_space<hbm>> -> memref<1x256xi32, #tpu.memory_space<hbm>>
    %dma_start3A_20 = tpu.memref_squeeze %dma_start3A_19 : memref<1x256xi32, #tpu.memory_space<hbm>> -> memref<256xi32, #tpu.memory_space<hbm>>
    tpu.enqueue_dma source(%dma_start3A_20 : memref<256xi32, #tpu.memory_space<hbm>>) target(%arg9 : memref<256xi32, #tpu.memory_space<vmem>>) target_semaphore(%arg17 : memref<!tpu.dma_semaphore, #tpu.memory_space<semaphore_mem>>)
    %add3A_21 = arith.constant 0 : i32
    %add3A_22 = arith.addi %add3A_16, %add3A_21 : i32
    %dma_start3A_23 = tpu.memref_slice %arg4[%add3A_22] : memref<802816xi32, #tpu.memory_space<hbm>> -> memref<128xi32, #tpu.memory_space<hbm>>
    %dma_start3A_24 = tpu.memref_slice %arg4[%add3A_22] : memref<802816xi32, #tpu.memory_space<hbm>> -> memref<128xi32, #tpu.memory_space<hbm>>
    tpu.enqueue_dma source(%dma_start3A_24 : memref<128xi32, #tpu.memory_space<hbm>>) target(%arg12 : memref<128xi32, #tpu.memory_space<vmem>>) target_semaphore(%arg19 : memref<!tpu.dma_semaphore, #tpu.memory_space<semaphore_mem>>)
    %add3A_25 = arith.constant 128 : i32
    %add3A_26 = arith.addi %add3A_16, %add3A_25 : i32
    %dma_start3A_27 = tpu.memref_slice %arg4[%add3A_26] : memref<802816xi32, #tpu.memory_space<hbm>> -> memref<128xi32, #tpu.memory_space<hbm>>
    %dma_start3A_28 = tpu.memref_slice %arg4[%add3A_26] : memref<802816xi32, #tpu.memory_space<hbm>> -> memref<128xi32, #tpu.memory_space<hbm>>
    tpu.enqueue_dma source(%dma_start3A_28 : memref<128xi32, #tpu.memory_space<hbm>>) target(%arg13 : memref<128xi32, #tpu.memory_space<vmem>>) target_semaphore(%arg19 : memref<!tpu.dma_semaphore, #tpu.memory_space<semaphore_mem>>)
    %dma_wait3A = arith.constant 0 : i32
    %dma_wait3A_29 = tpu.memref_slice %arg3[%arg0, %dma_wait3A] : memref<2x802816xi32, #tpu.memory_space<hbm>> -> memref<1x256xi32, #tpu.memory_space<hbm>>
    %dma_wait3A_30 = tpu.memref_squeeze %dma_wait3A_29 : memref<1x256xi32, #tpu.memory_space<hbm>> -> memref<256xi32, #tpu.memory_space<hbm>>
    %dma_wait3A_31 = arith.constant 0 : i32
    %dma_wait3A_32 = tpu.memref_slice %arg3[%arg0, %dma_wait3A_31] : memref<2x802816xi32, #tpu.memory_space<hbm>> -> memref<1x256xi32, #tpu.memory_space<hbm>>
    %dma_wait3A_33 = tpu.memref_squeeze %dma_wait3A_32 : memref<1x256xi32, #tpu.memory_space<hbm>> -> memref<256xi32, #tpu.memory_space<hbm>>
    tpu.wait_dma2 semaphore(%arg16 : memref<!tpu.dma_semaphore, #tpu.memory_space<semaphore_mem>>) src(%dma_wait3A_33 : memref<256xi32, #tpu.memory_space<hbm>>) dst(%arg8 : memref<256xi32, #tpu.memory_space<vmem>>)
    %dma_start3A_34 = arith.constant 0 : i32
    %dma_start3A_35 = arith.constant 0 : i32
    %dma_start3A_36 = arith.constant 0 : i32
    %dma_start3A_37 = tpu.memref_slice %arg14[%dma_start3A_34, %dma_start3A_35, %dma_start3A_36] : memref<2x128x32xf32, #tpu.memory_space<vmem>> -> memref<1x128x32xf32, #tpu.memory_space<vmem>>
    %dma_start3A_38 = tpu.memref_squeeze %dma_start3A_37 : memref<1x128x32xf32, #tpu.memory_space<vmem>> -> memref<128x32xf32, #tpu.memory_space<vmem>>
    %dma_start3A_39 = arith.constant 0 : i32
    %dma_start3A_40 = tpu.memref_slice %arg8[%dma_start3A_39] : memref<256xi32, #tpu.memory_space<vmem>> -> memref<128xi32, #tpu.memory_space<vmem>>
    %dma_start3A_41 = arith.constant 0 : i32
    %dma_start3A_42 = arith.constant 0 : i32
    %dma_start3A_43 = tpu.memref_slice %arg2[%dma_start3A_41, %dma_start3A_42] : memref<100352x32xf32, #tpu.memory_space<hbm>> -> memref<100352x32xf32, #tpu.memory_space<hbm>>
    tpu.enqueue_indirect_dma source(%dma_start3A_43 : memref<100352x32xf32, #tpu.memory_space<hbm>>) target(%dma_start3A_38 : memref<128x32xf32, #tpu.memory_space<vmem>>) offsets(%dma_start3A_40 : memref<128xi32, #tpu.memory_space<vmem>>) semaphore(%arg20 : memref<!tpu.dma_semaphore, #tpu.memory_space<semaphore_mem>>)
    %dma_start3A_44 = arith.constant 1 : i32
    %dma_start3A_45 = arith.constant 0 : i32
    %dma_start3A_46 = arith.constant 0 : i32
    %dma_start3A_47 = tpu.memref_slice %arg14[%dma_start3A_44, %dma_start3A_45, %dma_start3A_46] : memref<2x128x32xf32, #tpu.memory_space<vmem>> -> memref<1x128x32xf32, #tpu.memory_space<vmem>>
    %dma_start3A_48 = tpu.memref_squeeze %dma_start3A_47 : memref<1x128x32xf32, #tpu.memory_space<vmem>> -> memref<128x32xf32, #tpu.memory_space<vmem>>
    %dma_start3A_49 = arith.constant 128 : i32
    %dma_start3A_50 = tpu.memref_slice %arg8[%dma_start3A_49] : memref<256xi32, #tpu.memory_space<vmem>> -> memref<128xi32, #tpu.memory_space<vmem>>
    %dma_start3A_51 = arith.constant 0 : i32
    %dma_start3A_52 = arith.constant 0 : i32
    %dma_start3A_53 = tpu.memref_slice %arg2[%dma_start3A_51, %dma_start3A_52] : memref<100352x32xf32, #tpu.memory_space<hbm>> -> memref<100352x32xf32, #tpu.memory_space<hbm>>
    tpu.enqueue_indirect_dma source(%dma_start3A_53 : memref<100352x32xf32, #tpu.memory_space<hbm>>) target(%dma_start3A_48 : memref<128x32xf32, #tpu.memory_space<vmem>>) offsets(%dma_start3A_50 : memref<128xi32, #tpu.memory_space<vmem>>) semaphore(%arg20 : memref<!tpu.dma_semaphore, #tpu.memory_space<semaphore_mem>>)
    %scan3A = arith.constant 0 : i32
    %scan3A_54 = arith.constant 0 : i32
    %scan3A_55 = arith.constant 98 : i32
    %scan3A_56 = arith.addi %scan3A_54, %scan3A_55 : i32
    %scan3A_57 = arith.constant 1 : i32
    scf.for %scan3A_64 = %scan3A_54 to %scan3A_56 step %scan3A_57  : i32 {
      %mul3A_65 = arith.constant 2 : i32
      %mul3A_66 = arith.muli %mul3A_65, %scan3A_64 : i32
      %dma_wait3A_67 = arith.constant 0 : i32
      %dma_wait3A_68 = arith.constant 0 : i32
      %dma_wait3A_69 = arith.constant 0 : i32
      %dma_wait3A_70 = tpu.memref_slice %arg14[%dma_wait3A_67, %dma_wait3A_68, %dma_wait3A_69] : memref<2x128x32xf32, #tpu.memory_space<vmem>> -> memref<1x128x32xf32, #tpu.memory_space<vmem>>
      %dma_wait3A_71 = tpu.memref_squeeze %dma_wait3A_70 : memref<1x128x32xf32, #tpu.memory_space<vmem>> -> memref<128x32xf32, #tpu.memory_space<vmem>>
      %dma_wait3A_72 = arith.constant 0 : i32
      %dma_wait3A_73 = arith.constant 0 : i32
      %dma_wait3A_74 = tpu.memref_slice %arg2[%dma_wait3A_72, %dma_wait3A_73] : memref<100352x32xf32, #tpu.memory_space<hbm>> -> memref<128x32xf32, #tpu.memory_space<hbm>>
      %dma_wait3A_75 = arith.constant 0 : i32
      %dma_wait3A_76 = arith.constant 0 : i32
      %dma_wait3A_77 = tpu.memref_slice %arg14[%dma_wait3A_67, %dma_wait3A_75, %dma_wait3A_76] : memref<2x128x32xf32, #tpu.memory_space<vmem>> -> memref<1x128x32xf32, #tpu.memory_space<vmem>>
      %dma_wait3A_78 = tpu.memref_squeeze %dma_wait3A_77 : memref<1x128x32xf32, #tpu.memory_space<vmem>> -> memref<128x32xf32, #tpu.memory_space<vmem>>
      %dma_wait3A_79 = arith.constant 0 : i32
      %dma_wait3A_80 = arith.constant 0 : i32
      %dma_wait3A_81 = tpu.memref_slice %arg2[%dma_wait3A_79, %dma_wait3A_80] : memref<100352x32xf32, #tpu.memory_space<hbm>> -> memref<128x32xf32, #tpu.memory_space<hbm>>
      tpu.wait_dma2 semaphore(%arg20 : memref<!tpu.dma_semaphore, #tpu.memory_space<semaphore_mem>>) src(%dma_wait3A_81 : memref<128x32xf32, #tpu.memory_space<hbm>>) dst(%dma_wait3A_78 : memref<128x32xf32, #tpu.memory_space<vmem>>)
      %dma_wait3A_82 = arith.constant 1 : i32
      %dma_wait3A_83 = arith.constant 0 : i32
      %dma_wait3A_84 = arith.constant 0 : i32
      %dma_wait3A_85 = tpu.memref_slice %arg14[%dma_wait3A_82, %dma_wait3A_83, %dma_wait3A_84] : memref<2x128x32xf32, #tpu.memory_space<vmem>> -> memref<1x128x32xf32, #tpu.memory_space<vmem>>
      %dma_wait3A_86 = tpu.memref_squeeze %dma_wait3A_85 : memref<1x128x32xf32, #tpu.memory_space<vmem>> -> memref<128x32xf32, #tpu.memory_space<vmem>>
      %dma_wait3A_87 = arith.constant 0 : i32
      %dma_wait3A_88 = arith.constant 0 : i32
      %dma_wait3A_89 = tpu.memref_slice %arg2[%dma_wait3A_87, %dma_wait3A_88] : memref<100352x32xf32, #tpu.memory_space<hbm>> -> memref<128x32xf32, #tpu.memory_space<hbm>>
      %dma_wait3A_90 = arith.constant 0 : i32
      %dma_wait3A_91 = arith.constant 0 : i32
      %dma_wait3A_92 = tpu.memref_slice %arg14[%dma_wait3A_82, %dma_wait3A_90, %dma_wait3A_91] : memref<2x128x32xf32, #tpu.memory_space<vmem>> -> memref<1x128x32xf32, #tpu.memory_space<vmem>>
      %dma_wait3A_93 = tpu.memref_squeeze %dma_wait3A_92 : memref<1x128x32xf32, #tpu.memory_space<vmem>> -> memref<128x32xf32, #tpu.memory_space<vmem>>
      %dma_wait3A_94 = arith.constant 0 : i32
      %dma_wait3A_95 = arith.constant 0 : i32
      %dma_wait3A_96 = tpu.memref_slice %arg2[%dma_wait3A_94, %dma_wait3A_95] : memref<100352x32xf32, #tpu.memory_space<hbm>> -> memref<128x32xf32, #tpu.memory_space<hbm>>
      tpu.wait_dma2 semaphore(%arg20 : memref<!tpu.dma_semaphore, #tpu.memory_space<semaphore_mem>>) src(%dma_wait3A_96 : memref<128x32xf32, #tpu.memory_space<hbm>>) dst(%dma_wait3A_93 : memref<128x32xf32, #tpu.memory_space<vmem>>)
      %dma_wait3A_97 = arith.constant 0 : i32
      %dma_wait3A_98 = tpu.memref_slice %arg4[%dma_wait3A_97] : memref<802816xi32, #tpu.memory_space<hbm>> -> memref<128xi32, #tpu.memory_space<hbm>>
      %dma_wait3A_99 = arith.constant 0 : i32
      %dma_wait3A_100 = tpu.memref_slice %arg4[%dma_wait3A_99] : memref<802816xi32, #tpu.memory_space<hbm>> -> memref<128xi32, #tpu.memory_space<hbm>>
      tpu.wait_dma2 semaphore(%arg18 : memref<!tpu.dma_semaphore, #tpu.memory_space<semaphore_mem>>) src(%dma_wait3A_100 : memref<128xi32, #tpu.memory_space<hbm>>) dst(%arg10 : memref<128xi32, #tpu.memory_space<vmem>>)
      %dma_wait3A_101 = arith.constant 0 : i32
      %dma_wait3A_102 = tpu.memref_slice %arg4[%dma_wait3A_101] : memref<802816xi32, #tpu.memory_space<hbm>> -> memref<128xi32, #tpu.memory_space<hbm>>
      %dma_wait3A_103 = arith.constant 0 : i32
      %dma_wait3A_104 = tpu.memref_slice %arg4[%dma_wait3A_103] : memref<802816xi32, #tpu.memory_space<hbm>> -> memref<128xi32, #tpu.memory_space<hbm>>
      tpu.wait_dma2 semaphore(%arg18 : memref<!tpu.dma_semaphore, #tpu.memory_space<semaphore_mem>>) src(%dma_wait3A_104 : memref<128xi32, #tpu.memory_space<hbm>>) dst(%arg11 : memref<128xi32, #tpu.memory_space<vmem>>)
      %run_scoped3A = arith.constant 0 : i32
      "tpu.region"() ({
        %run_scoped3A_138 = tpu.sem_alloc : memref<!tpu.dma_semaphore, #tpu.memory_space<semaphore_mem>>
        %dma_start3A_139 = arith.constant 0 : i32
        %dma_start3A_140 = arith.constant 0 : i32
        %dma_start3A_141 = tpu.memref_slice %arg14[%run_scoped3A, %dma_start3A_139, %dma_start3A_140] : memref<2x128x32xf32, #tpu.memory_space<vmem>> -> memref<1x128x32xf32, #tpu.memory_space<vmem>>
        %dma_start3A_142 = tpu.memref_squeeze %dma_start3A_141 : memref<1x128x32xf32, #tpu.memory_space<vmem>> -> memref<128x32xf32, #tpu.memory_space<vmem>>
        %dma_start3A_143 = arith.constant 0 : i32
        %dma_start3A_144 = arith.constant 0 : i32
        %dma_start3A_145 = tpu.memref_slice %arg7[%dma_start3A_143, %dma_start3A_144] : memref<50176x32xf32, #tpu.memory_space<vmem_shared>> -> memref<50176x32xf32, #tpu.memory_space<vmem_shared>>
        tpu.enqueue_indirect_dma source(%dma_start3A_142 : memref<128x32xf32, #tpu.memory_space<vmem>>) target(%dma_start3A_145 : memref<50176x32xf32, #tpu.memory_space<vmem_shared>>) offsets(%arg10 : memref<128xi32, #tpu.memory_space<vmem>>) semaphore(%run_scoped3A_138 : memref<!tpu.dma_semaphore, #tpu.memory_space<semaphore_mem>>) {add = true}
        %dma_wait3A_146 = arith.constant 0 : i32
        %dma_wait3A_147 = arith.constant 0 : i32
        %dma_wait3A_148 = tpu.memref_slice %arg14[%run_scoped3A, %dma_wait3A_146, %dma_wait3A_147] : memref<2x128x32xf32, #tpu.memory_space<vmem>> -> memref<1x128x32xf32, #tpu.memory_space<vmem>>
        %dma_wait3A_149 = tpu.memref_squeeze %dma_wait3A_148 : memref<1x128x32xf32, #tpu.memory_space<vmem>> -> memref<128x32xf32, #tpu.memory_space<vmem>>
        %dma_wait3A_150 = arith.constant 0 : i32
        %dma_wait3A_151 = arith.constant 0 : i32
        %dma_wait3A_152 = tpu.memref_slice %arg7[%dma_wait3A_150, %dma_wait3A_151] : memref<50176x32xf32, #tpu.memory_space<vmem_shared>> -> memref<50176x32xf32, #tpu.memory_space<vmem_shared>>
        tpu.wait_indirect_dma semaphore(%run_scoped3A_138 : memref<!tpu.dma_semaphore, #tpu.memory_space<semaphore_mem>>) src(%dma_wait3A_149 : memref<128x32xf32, #tpu.memory_space<vmem>>) dst(%dma_wait3A_152 : memref<50176x32xf32, #tpu.memory_space<vmem_shared>>)
        tpu.yield
      }) : () -> ()
      %run_scoped3A_105 = arith.constant 1 : i32
      "tpu.region"() ({
        %run_scoped3A_138 = tpu.sem_alloc : memref<!tpu.dma_semaphore, #tpu.memory_space<semaphore_mem>>
        %dma_start3A_139 = arith.constant 0 : i32
        %dma_start3A_140 = arith.constant 0 : i32
        %dma_start3A_141 = tpu.memref_slice %arg14[%run_scoped3A_105, %dma_start3A_139, %dma_start3A_140] : memref<2x128x32xf32, #tpu.memory_space<vmem>> -> memref<1x128x32xf32, #tpu.memory_space<vmem>>
        %dma_start3A_142 = tpu.memref_squeeze %dma_start3A_141 : memref<1x128x32xf32, #tpu.memory_space<vmem>> -> memref<128x32xf32, #tpu.memory_space<vmem>>
        %dma_start3A_143 = arith.constant 0 : i32
        %dma_start3A_144 = arith.constant 0 : i32
        %dma_start3A_145 = tpu.memref_slice %arg7[%dma_start3A_143, %dma_start3A_144] : memref<50176x32xf32, #tpu.memory_space<vmem_shared>> -> memref<50176x32xf32, #tpu.memory_space<vmem_shared>>
        tpu.enqueue_indirect_dma source(%dma_start3A_142 : memref<128x32xf32, #tpu.memory_space<vmem>>) target(%dma_start3A_145 : memref<50176x32xf32, #tpu.memory_space<vmem_shared>>) offsets(%arg11 : memref<128xi32, #tpu.memory_space<vmem>>) semaphore(%run_scoped3A_138 : memref<!tpu.dma_semaphore, #tpu.memory_space<semaphore_mem>>) {add = true}
        %dma_wait3A_146 = arith.constant 0 : i32
        %dma_wait3A_147 = arith.constant 0 : i32
        %dma_wait3A_148 = tpu.memref_slice %arg14[%run_scoped3A_105, %dma_wait3A_146, %dma_wait3A_147] : memref<2x128x32xf32, #tpu.memory_space<vmem>> -> memref<1x128x32xf32, #tpu.memory_space<vmem>>
        %dma_wait3A_149 = tpu.memref_squeeze %dma_wait3A_148 : memref<1x128x32xf32, #tpu.memory_space<vmem>> -> memref<128x32xf32, #tpu.memory_space<vmem>>
        %dma_wait3A_150 = arith.constant 0 : i32
        %dma_wait3A_151 = arith.constant 0 : i32
        %dma_wait3A_152 = tpu.memref_slice %arg7[%dma_wait3A_150, %dma_wait3A_151] : memref<50176x32xf32, #tpu.memory_space<vmem_shared>> -> memref<50176x32xf32, #tpu.memory_space<vmem_shared>>
        tpu.wait_indirect_dma semaphore(%run_scoped3A_138 : memref<!tpu.dma_semaphore, #tpu.memory_space<semaphore_mem>>) src(%dma_wait3A_149 : memref<128x32xf32, #tpu.memory_space<vmem>>) dst(%dma_wait3A_152 : memref<50176x32xf32, #tpu.memory_space<vmem_shared>>)
        tpu.yield
      }) : () -> ()
      %add3A_106 = arith.constant 2 : i32
      %add3A_107 = arith.addi %mul3A_66, %add3A_106 : i32
      %lt3A = arith.constant 196 : i32
      %lt3A_108 = arith.cmpi slt, %add3A_107, %lt3A : i32
      %convert_element_type3A = arith.extui %lt3A_108 : i1 to i32
      %cond3A = arith.constant 0 : i32
      %cond3A_109 = arith.cmpi ne, %convert_element_type3A, %cond3A : i32
      scf.if %cond3A_109 {
        %add3A_138 = arith.constant 2 : i32
        %add3A_139 = arith.addi %mul3A_66, %add3A_138 : i32
        %mul3A_140 = arith.constant 256 : i32
        %mul3A_141 = arith.muli %add3A_139, %mul3A_140 : i32
        %add3A_142 = arith.addi %mul3A_2, %mul3A_141 : i32
        %dma_start3A_143 = tpu.memref_slice %arg3[%arg0, %add3A_142] : memref<2x802816xi32, #tpu.memory_space<hbm>> -> memref<1x256xi32, #tpu.memory_space<hbm>>
        %dma_start3A_144 = tpu.memref_squeeze %dma_start3A_143 : memref<1x256xi32, #tpu.memory_space<hbm>> -> memref<256xi32, #tpu.memory_space<hbm>>
        %dma_start3A_145 = tpu.memref_slice %arg3[%arg0, %add3A_142] : memref<2x802816xi32, #tpu.memory_space<hbm>> -> memref<1x256xi32, #tpu.memory_space<hbm>>
        %dma_start3A_146 = tpu.memref_squeeze %dma_start3A_145 : memref<1x256xi32, #tpu.memory_space<hbm>> -> memref<256xi32, #tpu.memory_space<hbm>>
        tpu.enqueue_dma source(%dma_start3A_146 : memref<256xi32, #tpu.memory_space<hbm>>) target(%arg8 : memref<256xi32, #tpu.memory_space<vmem>>) target_semaphore(%arg16 : memref<!tpu.dma_semaphore, #tpu.memory_space<semaphore_mem>>)
        %add3A_147 = arith.constant 0 : i32
        %add3A_148 = arith.addi %add3A_142, %add3A_147 : i32
        %dma_start3A_149 = tpu.memref_slice %arg4[%add3A_148] : memref<802816xi32, #tpu.memory_space<hbm>> -> memref<128xi32, #tpu.memory_space<hbm>>
        %dma_start3A_150 = tpu.memref_slice %arg4[%add3A_148] : memref<802816xi32, #tpu.memory_space<hbm>> -> memref<128xi32, #tpu.memory_space<hbm>>
        tpu.enqueue_dma source(%dma_start3A_150 : memref<128xi32, #tpu.memory_space<hbm>>) target(%arg10 : memref<128xi32, #tpu.memory_space<vmem>>) target_semaphore(%arg18 : memref<!tpu.dma_semaphore, #tpu.memory_space<semaphore_mem>>)
        %add3A_151 = arith.constant 128 : i32
        %add3A_152 = arith.addi %add3A_142, %add3A_151 : i32
        %dma_start3A_153 = tpu.memref_slice %arg4[%add3A_152] : memref<802816xi32, #tpu.memory_space<hbm>> -> memref<128xi32, #tpu.memory_space<hbm>>
        %dma_start3A_154 = tpu.memref_slice %arg4[%add3A_152] : memref<802816xi32, #tpu.memory_space<hbm>> -> memref<128xi32, #tpu.memory_space<hbm>>
        tpu.enqueue_dma source(%dma_start3A_154 : memref<128xi32, #tpu.memory_space<hbm>>) target(%arg11 : memref<128xi32, #tpu.memory_space<vmem>>) target_semaphore(%arg18 : memref<!tpu.dma_semaphore, #tpu.memory_space<semaphore_mem>>)
      } else {
      }
      %add3A_110 = arith.constant 1 : i32
      %add3A_111 = arith.addi %mul3A_66, %add3A_110 : i32
      %lt3A_112 = arith.constant 196 : i32
      %lt3A_113 = arith.cmpi slt, %add3A_111, %lt3A_112 : i32
      %convert_element_type3A_114 = arith.extui %lt3A_113 : i1 to i32
      %cond3A_115 = arith.constant 0 : i32
      %cond3A_116 = arith.cmpi ne, %convert_element_type3A_114, %cond3A_115 : i32
      scf.if %cond3A_116 {
        %add3A_138 = arith.constant 1 : i32
        %add3A_139 = arith.addi %mul3A_66, %add3A_138 : i32
        %dma_wait3A_140 = arith.constant 0 : i32
        %dma_wait3A_141 = tpu.memref_slice %arg3[%arg0, %dma_wait3A_140] : memref<2x802816xi32, #tpu.memory_space<hbm>> -> memref<1x256xi32, #tpu.memory_space<hbm>>
        %dma_wait3A_142 = tpu.memref_squeeze %dma_wait3A_141 : memref<1x256xi32, #tpu.memory_space<hbm>> -> memref<256xi32, #tpu.memory_space<hbm>>
        %dma_wait3A_143 = arith.constant 0 : i32
        %dma_wait3A_144 = tpu.memref_slice %arg3[%arg0, %dma_wait3A_143] : memref<2x802816xi32, #tpu.memory_space<hbm>> -> memref<1x256xi32, #tpu.memory_space<hbm>>
        %dma_wait3A_145 = tpu.memref_squeeze %dma_wait3A_144 : memref<1x256xi32, #tpu.memory_space<hbm>> -> memref<256xi32, #tpu.memory_space<hbm>>
        tpu.wait_dma2 semaphore(%arg17 : memref<!tpu.dma_semaphore, #tpu.memory_space<semaphore_mem>>) src(%dma_wait3A_145 : memref<256xi32, #tpu.memory_space<hbm>>) dst(%arg9 : memref<256xi32, #tpu.memory_space<vmem>>)
        %dma_start3A_146 = arith.constant 0 : i32
        %dma_start3A_147 = arith.constant 0 : i32
        %dma_start3A_148 = arith.constant 0 : i32
        %dma_start3A_149 = tpu.memref_slice %arg15[%dma_start3A_146, %dma_start3A_147, %dma_start3A_148] : memref<2x128x32xf32, #tpu.memory_space<vmem>> -> memref<1x128x32xf32, #tpu.memory_space<vmem>>
        %dma_start3A_150 = tpu.memref_squeeze %dma_start3A_149 : memref<1x128x32xf32, #tpu.memory_space<vmem>> -> memref<128x32xf32, #tpu.memory_space<vmem>>
        %dma_start3A_151 = arith.constant 0 : i32
        %dma_start3A_152 = tpu.memref_slice %arg9[%dma_start3A_151] : memref<256xi32, #tpu.memory_space<vmem>> -> memref<128xi32, #tpu.memory_space<vmem>>
        %dma_start3A_153 = arith.constant 0 : i32
        %dma_start3A_154 = arith.constant 0 : i32
        %dma_start3A_155 = tpu.memref_slice %arg2[%dma_start3A_153, %dma_start3A_154] : memref<100352x32xf32, #tpu.memory_space<hbm>> -> memref<100352x32xf32, #tpu.memory_space<hbm>>
        tpu.enqueue_indirect_dma source(%dma_start3A_155 : memref<100352x32xf32, #tpu.memory_space<hbm>>) target(%dma_start3A_150 : memref<128x32xf32, #tpu.memory_space<vmem>>) offsets(%dma_start3A_152 : memref<128xi32, #tpu.memory_space<vmem>>) semaphore(%arg21 : memref<!tpu.dma_semaphore, #tpu.memory_space<semaphore_mem>>)
        %dma_start3A_156 = arith.constant 1 : i32
        %dma_start3A_157 = arith.constant 0 : i32
        %dma_start3A_158 = arith.constant 0 : i32
        %dma_start3A_159 = tpu.memref_slice %arg15[%dma_start3A_156, %dma_start3A_157, %dma_start3A_158] : memref<2x128x32xf32, #tpu.memory_space<vmem>> -> memref<1x128x32xf32, #tpu.memory_space<vmem>>
        %dma_start3A_160 = tpu.memref_squeeze %dma_start3A_159 : memref<1x128x32xf32, #tpu.memory_space<vmem>> -> memref<128x32xf32, #tpu.memory_space<vmem>>
        %dma_start3A_161 = arith.constant 128 : i32
        %dma_start3A_162 = tpu.memref_slice %arg9[%dma_start3A_161] : memref<256xi32, #tpu.memory_space<vmem>> -> memref<128xi32, #tpu.memory_space<vmem>>
        %dma_start3A_163 = arith.constant 0 : i32
        %dma_start3A_164 = arith.constant 0 : i32
        %dma_start3A_165 = tpu.memref_slice %arg2[%dma_start3A_163, %dma_start3A_164] : memref<100352x32xf32, #tpu.memory_space<hbm>> -> memref<100352x32xf32, #tpu.memory_space<hbm>>
        tpu.enqueue_indirect_dma source(%dma_start3A_165 : memref<100352x32xf32, #tpu.memory_space<hbm>>) target(%dma_start3A_160 : memref<128x32xf32, #tpu.memory_space<vmem>>) offsets(%dma_start3A_162 : memref<128xi32, #tpu.memory_space<vmem>>) semaphore(%arg21 : memref<!tpu.dma_semaphore, #tpu.memory_space<semaphore_mem>>)
      } else {
      }
      %add3A_117 = arith.constant 1 : i32
      %add3A_118 = arith.addi %mul3A_66, %add3A_117 : i32
      %lt3A_119 = arith.constant 196 : i32
      %lt3A_120 = arith.cmpi slt, %add3A_118, %lt3A_119 : i32
      %convert_element_type3A_121 = arith.extui %lt3A_120 : i1 to i32
      %cond3A_122 = arith.constant 0 : i32
      %cond3A_123 = arith.cmpi ne, %convert_element_type3A_121, %cond3A_122 : i32
      scf.if %cond3A_123 {
        %add3A_138 = arith.constant 1 : i32
        %add3A_139 = arith.addi %mul3A_66, %add3A_138 : i32
        %dma_wait3A_140 = arith.constant 0 : i32
        %dma_wait3A_141 = arith.constant 0 : i32
        %dma_wait3A_142 = arith.constant 0 : i32
        %dma_wait3A_143 = tpu.memref_slice %arg15[%dma_wait3A_140, %dma_wait3A_141, %dma_wait3A_142] : memref<2x128x32xf32, #tpu.memory_space<vmem>> -> memref<1x128x32xf32, #tpu.memory_space<vmem>>
        %dma_wait3A_144 = tpu.memref_squeeze %dma_wait3A_143 : memref<1x128x32xf32, #tpu.memory_space<vmem>> -> memref<128x32xf32, #tpu.memory_space<vmem>>
        %dma_wait3A_145 = arith.constant 0 : i32
        %dma_wait3A_146 = arith.constant 0 : i32
        %dma_wait3A_147 = tpu.memref_slice %arg2[%dma_wait3A_145, %dma_wait3A_146] : memref<100352x32xf32, #tpu.memory_space<hbm>> -> memref<128x32xf32, #tpu.memory_space<hbm>>
        %dma_wait3A_148 = arith.constant 0 : i32
        %dma_wait3A_149 = arith.constant 0 : i32
        %dma_wait3A_150 = tpu.memref_slice %arg15[%dma_wait3A_140, %dma_wait3A_148, %dma_wait3A_149] : memref<2x128x32xf32, #tpu.memory_space<vmem>> -> memref<1x128x32xf32, #tpu.memory_space<vmem>>
        %dma_wait3A_151 = tpu.memref_squeeze %dma_wait3A_150 : memref<1x128x32xf32, #tpu.memory_space<vmem>> -> memref<128x32xf32, #tpu.memory_space<vmem>>
        %dma_wait3A_152 = arith.constant 0 : i32
        %dma_wait3A_153 = arith.constant 0 : i32
        %dma_wait3A_154 = tpu.memref_slice %arg2[%dma_wait3A_152, %dma_wait3A_153] : memref<100352x32xf32, #tpu.memory_space<hbm>> -> memref<128x32xf32, #tpu.memory_space<hbm>>
        tpu.wait_dma2 semaphore(%arg21 : memref<!tpu.dma_semaphore, #tpu.memory_space<semaphore_mem>>) src(%dma_wait3A_154 : memref<128x32xf32, #tpu.memory_space<hbm>>) dst(%dma_wait3A_151 : memref<128x32xf32, #tpu.memory_space<vmem>>)
        %dma_wait3A_155 = arith.constant 1 : i32
        %dma_wait3A_156 = arith.constant 0 : i32
        %dma_wait3A_157 = arith.constant 0 : i32
        %dma_wait3A_158 = tpu.memref_slice %arg15[%dma_wait3A_155, %dma_wait3A_156, %dma_wait3A_157] : memref<2x128x32xf32, #tpu.memory_space<vmem>> -> memref<1x128x32xf32, #tpu.memory_space<vmem>>
        %dma_wait3A_159 = tpu.memref_squeeze %dma_wait3A_158 : memref<1x128x32xf32, #tpu.memory_space<vmem>> -> memref<128x32xf32, #tpu.memory_space<vmem>>
        %dma_wait3A_160 = arith.constant 0 : i32
        %dma_wait3A_161 = arith.constant 0 : i32
        %dma_wait3A_162 = tpu.memref_slice %arg2[%dma_wait3A_160, %dma_wait3A_161] : memref<100352x32xf32, #tpu.memory_space<hbm>> -> memref<128x32xf32, #tpu.memory_space<hbm>>
        %dma_wait3A_163 = arith.constant 0 : i32
        %dma_wait3A_164 = arith.constant 0 : i32
        %dma_wait3A_165 = tpu.memref_slice %arg15[%dma_wait3A_155, %dma_wait3A_163, %dma_wait3A_164] : memref<2x128x32xf32, #tpu.memory_space<vmem>> -> memref<1x128x32xf32, #tpu.memory_space<vmem>>
        %dma_wait3A_166 = tpu.memref_squeeze %dma_wait3A_165 : memref<1x128x32xf32, #tpu.memory_space<vmem>> -> memref<128x32xf32, #tpu.memory_space<vmem>>
        %dma_wait3A_167 = arith.constant 0 : i32
        %dma_wait3A_168 = arith.constant 0 : i32
        %dma_wait3A_169 = tpu.memref_slice %arg2[%dma_wait3A_167, %dma_wait3A_168] : memref<100352x32xf32, #tpu.memory_space<hbm>> -> memref<128x32xf32, #tpu.memory_space<hbm>>
        tpu.wait_dma2 semaphore(%arg21 : memref<!tpu.dma_semaphore, #tpu.memory_space<semaphore_mem>>) src(%dma_wait3A_169 : memref<128x32xf32, #tpu.memory_space<hbm>>) dst(%dma_wait3A_166 : memref<128x32xf32, #tpu.memory_space<vmem>>)
        %dma_wait3A_170 = arith.constant 0 : i32
        %dma_wait3A_171 = tpu.memref_slice %arg4[%dma_wait3A_170] : memref<802816xi32, #tpu.memory_space<hbm>> -> memref<128xi32, #tpu.memory_space<hbm>>
        %dma_wait3A_172 = arith.constant 0 : i32
        %dma_wait3A_173 = tpu.memref_slice %arg4[%dma_wait3A_172] : memref<802816xi32, #tpu.memory_space<hbm>> -> memref<128xi32, #tpu.memory_space<hbm>>
        tpu.wait_dma2 semaphore(%arg19 : memref<!tpu.dma_semaphore, #tpu.memory_space<semaphore_mem>>) src(%dma_wait3A_173 : memref<128xi32, #tpu.memory_space<hbm>>) dst(%arg12 : memref<128xi32, #tpu.memory_space<vmem>>)
        %dma_wait3A_174 = arith.constant 0 : i32
        %dma_wait3A_175 = tpu.memref_slice %arg4[%dma_wait3A_174] : memref<802816xi32, #tpu.memory_space<hbm>> -> memref<128xi32, #tpu.memory_space<hbm>>
        %dma_wait3A_176 = arith.constant 0 : i32
        %dma_wait3A_177 = tpu.memref_slice %arg4[%dma_wait3A_176] : memref<802816xi32, #tpu.memory_space<hbm>> -> memref<128xi32, #tpu.memory_space<hbm>>
        tpu.wait_dma2 semaphore(%arg19 : memref<!tpu.dma_semaphore, #tpu.memory_space<semaphore_mem>>) src(%dma_wait3A_177 : memref<128xi32, #tpu.memory_space<hbm>>) dst(%arg13 : memref<128xi32, #tpu.memory_space<vmem>>)
        %run_scoped3A_178 = arith.constant 0 : i32
        "tpu.region"() ({
          %run_scoped3A_180 = tpu.sem_alloc : memref<!tpu.dma_semaphore, #tpu.memory_space<semaphore_mem>>
          %dma_start3A_181 = arith.constant 0 : i32
          %dma_start3A_182 = arith.constant 0 : i32
          %dma_start3A_183 = tpu.memref_slice %arg15[%run_scoped3A_178, %dma_start3A_181, %dma_start3A_182] : memref<2x128x32xf32, #tpu.memory_space<vmem>> -> memref<1x128x32xf32, #tpu.memory_space<vmem>>
          %dma_start3A_184 = tpu.memref_squeeze %dma_start3A_183 : memref<1x128x32xf32, #tpu.memory_space<vmem>> -> memref<128x32xf32, #tpu.memory_space<vmem>>
          %dma_start3A_185 = arith.constant 0 : i32
          %dma_start3A_186 = arith.constant 0 : i32
          %dma_start3A_187 = tpu.memref_slice %arg7[%dma_start3A_185, %dma_start3A_186] : memref<50176x32xf32, #tpu.memory_space<vmem_shared>> -> memref<50176x32xf32, #tpu.memory_space<vmem_shared>>
          tpu.enqueue_indirect_dma source(%dma_start3A_184 : memref<128x32xf32, #tpu.memory_space<vmem>>) target(%dma_start3A_187 : memref<50176x32xf32, #tpu.memory_space<vmem_shared>>) offsets(%arg12 : memref<128xi32, #tpu.memory_space<vmem>>) semaphore(%run_scoped3A_180 : memref<!tpu.dma_semaphore, #tpu.memory_space<semaphore_mem>>) {add = true}
          %dma_wait3A_188 = arith.constant 0 : i32
          %dma_wait3A_189 = arith.constant 0 : i32
          %dma_wait3A_190 = tpu.memref_slice %arg15[%run_scoped3A_178, %dma_wait3A_188, %dma_wait3A_189] : memref<2x128x32xf32, #tpu.memory_space<vmem>> -> memref<1x128x32xf32, #tpu.memory_space<vmem>>
          %dma_wait3A_191 = tpu.memref_squeeze %dma_wait3A_190 : memref<1x128x32xf32, #tpu.memory_space<vmem>> -> memref<128x32xf32, #tpu.memory_space<vmem>>
          %dma_wait3A_192 = arith.constant 0 : i32
          %dma_wait3A_193 = arith.constant 0 : i32
          %dma_wait3A_194 = tpu.memref_slice %arg7[%dma_wait3A_192, %dma_wait3A_193] : memref<50176x32xf32, #tpu.memory_space<vmem_shared>> -> memref<50176x32xf32, #tpu.memory_space<vmem_shared>>
          tpu.wait_indirect_dma semaphore(%run_scoped3A_180 : memref<!tpu.dma_semaphore, #tpu.memory_space<semaphore_mem>>) src(%dma_wait3A_191 : memref<128x32xf32, #tpu.memory_space<vmem>>) dst(%dma_wait3A_194 : memref<50176x32xf32, #tpu.memory_space<vmem_shared>>)
          tpu.yield
        }) : () -> ()
        %run_scoped3A_179 = arith.constant 1 : i32
        "tpu.region"() ({
          %run_scoped3A_180 = tpu.sem_alloc : memref<!tpu.dma_semaphore, #tpu.memory_space<semaphore_mem>>
          %dma_start3A_181 = arith.constant 0 : i32
          %dma_start3A_182 = arith.constant 0 : i32
          %dma_start3A_183 = tpu.memref_slice %arg15[%run_scoped3A_179, %dma_start3A_181, %dma_start3A_182] : memref<2x128x32xf32, #tpu.memory_space<vmem>> -> memref<1x128x32xf32, #tpu.memory_space<vmem>>
          %dma_start3A_184 = tpu.memref_squeeze %dma_start3A_183 : memref<1x128x32xf32, #tpu.memory_space<vmem>> -> memref<128x32xf32, #tpu.memory_space<vmem>>
          %dma_start3A_185 = arith.constant 0 : i32
          %dma_start3A_186 = arith.constant 0 : i32
          %dma_start3A_187 = tpu.memref_slice %arg7[%dma_start3A_185, %dma_start3A_186] : memref<50176x32xf32, #tpu.memory_space<vmem_shared>> -> memref<50176x32xf32, #tpu.memory_space<vmem_shared>>
          tpu.enqueue_indirect_dma source(%dma_start3A_184 : memref<128x32xf32, #tpu.memory_space<vmem>>) target(%dma_start3A_187 : memref<50176x32xf32, #tpu.memory_space<vmem_shared>>) offsets(%arg13 : memref<128xi32, #tpu.memory_space<vmem>>) semaphore(%run_scoped3A_180 : memref<!tpu.dma_semaphore, #tpu.memory_space<semaphore_mem>>) {add = true}
          %dma_wait3A_188 = arith.constant 0 : i32
          %dma_wait3A_189 = arith.constant 0 : i32
          %dma_wait3A_190 = tpu.memref_slice %arg15[%run_scoped3A_179, %dma_wait3A_188, %dma_wait3A_189] : memref<2x128x32xf32, #tpu.memory_space<vmem>> -> memref<1x128x32xf32, #tpu.memory_space<vmem>>
          %dma_wait3A_191 = tpu.memref_squeeze %dma_wait3A_190 : memref<1x128x32xf32, #tpu.memory_space<vmem>> -> memref<128x32xf32, #tpu.memory_space<vmem>>
          %dma_wait3A_192 = arith.constant 0 : i32
          %dma_wait3A_193 = arith.constant 0 : i32
          %dma_wait3A_194 = tpu.memref_slice %arg7[%dma_wait3A_192, %dma_wait3A_193] : memref<50176x32xf32, #tpu.memory_space<vmem_shared>> -> memref<50176x32xf32, #tpu.memory_space<vmem_shared>>
          tpu.wait_indirect_dma semaphore(%run_scoped3A_180 : memref<!tpu.dma_semaphore, #tpu.memory_space<semaphore_mem>>) src(%dma_wait3A_191 : memref<128x32xf32, #tpu.memory_space<vmem>>) dst(%dma_wait3A_194 : memref<50176x32xf32, #tpu.memory_space<vmem_shared>>)
          tpu.yield
        }) : () -> ()
      } else {
      }
      %add3A_124 = arith.constant 3 : i32
      %add3A_125 = arith.addi %mul3A_66, %add3A_124 : i32
      %lt3A_126 = arith.constant 196 : i32
      %lt3A_127 = arith.cmpi slt, %add3A_125, %lt3A_126 : i32
      %convert_element_type3A_128 = arith.extui %lt3A_127 : i1 to i32
      %cond3A_129 = arith.constant 0 : i32
      %cond3A_130 = arith.cmpi ne, %convert_element_type3A_128, %cond3A_129 : i32
      scf.if %cond3A_130 {
        %add3A_138 = arith.constant 3 : i32
        %add3A_139 = arith.addi %mul3A_66, %add3A_138 : i32
        %mul3A_140 = arith.constant 256 : i32
        %mul3A_141 = arith.muli %add3A_139, %mul3A_140 : i32
        %add3A_142 = arith.addi %mul3A_2, %mul3A_141 : i32
        %dma_start3A_143 = tpu.memref_slice %arg3[%arg0, %add3A_142] : memref<2x802816xi32, #tpu.memory_space<hbm>> -> memref<1x256xi32, #tpu.memory_space<hbm>>
        %dma_start3A_144 = tpu.memref_squeeze %dma_start3A_143 : memref<1x256xi32, #tpu.memory_space<hbm>> -> memref<256xi32, #tpu.memory_space<hbm>>
        %dma_start3A_145 = tpu.memref_slice %arg3[%arg0, %add3A_142] : memref<2x802816xi32, #tpu.memory_space<hbm>> -> memref<1x256xi32, #tpu.memory_space<hbm>>
        %dma_start3A_146 = tpu.memref_squeeze %dma_start3A_145 : memref<1x256xi32, #tpu.memory_space<hbm>> -> memref<256xi32, #tpu.memory_space<hbm>>
        tpu.enqueue_dma source(%dma_start3A_146 : memref<256xi32, #tpu.memory_space<hbm>>) target(%arg9 : memref<256xi32, #tpu.memory_space<vmem>>) target_semaphore(%arg17 : memref<!tpu.dma_semaphore, #tpu.memory_space<semaphore_mem>>)
        %add3A_147 = arith.constant 0 : i32
        %add3A_148 = arith.addi %add3A_142, %add3A_147 : i32
        %dma_start3A_149 = tpu.memref_slice %arg4[%add3A_148] : memref<802816xi32, #tpu.memory_space<hbm>> -> memref<128xi32, #tpu.memory_space<hbm>>
        %dma_start3A_150 = tpu.memref_slice %arg4[%add3A_148] : memref<802816xi32, #tpu.memory_space<hbm>> -> memref<128xi32, #tpu.memory_space<hbm>>
        tpu.enqueue_dma source(%dma_start3A_150 : memref<128xi32, #tpu.memory_space<hbm>>) target(%arg12 : memref<128xi32, #tpu.memory_space<vmem>>) target_semaphore(%arg19 : memref<!tpu.dma_semaphore, #tpu.memory_space<semaphore_mem>>)
        %add3A_151 = arith.constant 128 : i32
        %add3A_152 = arith.addi %add3A_142, %add3A_151 : i32
        %dma_start3A_153 = tpu.memref_slice %arg4[%add3A_152] : memref<802816xi32, #tpu.memory_space<hbm>> -> memref<128xi32, #tpu.memory_space<hbm>>
        %dma_start3A_154 = tpu.memref_slice %arg4[%add3A_152] : memref<802816xi32, #tpu.memory_space<hbm>> -> memref<128xi32, #tpu.memory_space<hbm>>
        tpu.enqueue_dma source(%dma_start3A_154 : memref<128xi32, #tpu.memory_space<hbm>>) target(%arg13 : memref<128xi32, #tpu.memory_space<vmem>>) target_semaphore(%arg19 : memref<!tpu.dma_semaphore, #tpu.memory_space<semaphore_mem>>)
      } else {
      }
      %add3A_131 = arith.constant 2 : i32
      %add3A_132 = arith.addi %mul3A_66, %add3A_131 : i32
      %lt3A_133 = arith.constant 196 : i32
      %lt3A_134 = arith.cmpi slt, %add3A_132, %lt3A_133 : i32
      %convert_element_type3A_135 = arith.extui %lt3A_134 : i1 to i32
      %cond3A_136 = arith.constant 0 : i32
      %cond3A_137 = arith.cmpi ne, %convert_element_type3A_135, %cond3A_136 : i32
      scf.if %cond3A_137 {
        %add3A_138 = arith.constant 2 : i32
        %add3A_139 = arith.addi %mul3A_66, %add3A_138 : i32
        %dma_wait3A_140 = arith.constant 0 : i32
        %dma_wait3A_141 = tpu.memref_slice %arg3[%arg0, %dma_wait3A_140] : memref<2x802816xi32, #tpu.memory_space<hbm>> -> memref<1x256xi32, #tpu.memory_space<hbm>>
        %dma_wait3A_142 = tpu.memref_squeeze %dma_wait3A_141 : memref<1x256xi32, #tpu.memory_space<hbm>> -> memref<256xi32, #tpu.memory_space<hbm>>
        %dma_wait3A_143 = arith.constant 0 : i32
        %dma_wait3A_144 = tpu.memref_slice %arg3[%arg0, %dma_wait3A_143] : memref<2x802816xi32, #tpu.memory_space<hbm>> -> memref<1x256xi32, #tpu.memory_space<hbm>>
        %dma_wait3A_145 = tpu.memref_squeeze %dma_wait3A_144 : memref<1x256xi32, #tpu.memory_space<hbm>> -> memref<256xi32, #tpu.memory_space<hbm>>
        tpu.wait_dma2 semaphore(%arg16 : memref<!tpu.dma_semaphore, #tpu.memory_space<semaphore_mem>>) src(%dma_wait3A_145 : memref<256xi32, #tpu.memory_space<hbm>>) dst(%arg8 : memref<256xi32, #tpu.memory_space<vmem>>)
        %dma_start3A_146 = arith.constant 0 : i32
        %dma_start3A_147 = arith.constant 0 : i32
        %dma_start3A_148 = arith.constant 0 : i32
        %dma_start3A_149 = tpu.memref_slice %arg14[%dma_start3A_146, %dma_start3A_147, %dma_start3A_148] : memref<2x128x32xf32, #tpu.memory_space<vmem>> -> memref<1x128x32xf32, #tpu.memory_space<vmem>>
        %dma_start3A_150 = tpu.memref_squeeze %dma_start3A_149 : memref<1x128x32xf32, #tpu.memory_space<vmem>> -> memref<128x32xf32, #tpu.memory_space<vmem>>
        %dma_start3A_151 = arith.constant 0 : i32
        %dma_start3A_152 = tpu.memref_slice %arg8[%dma_start3A_151] : memref<256xi32, #tpu.memory_space<vmem>> -> memref<128xi32, #tpu.memory_space<vmem>>
        %dma_start3A_153 = arith.constant 0 : i32
        %dma_start3A_154 = arith.constant 0 : i32
        %dma_start3A_155 = tpu.memref_slice %arg2[%dma_start3A_153, %dma_start3A_154] : memref<100352x32xf32, #tpu.memory_space<hbm>> -> memref<100352x32xf32, #tpu.memory_space<hbm>>
        tpu.enqueue_indirect_dma source(%dma_start3A_155 : memref<100352x32xf32, #tpu.memory_space<hbm>>) target(%dma_start3A_150 : memref<128x32xf32, #tpu.memory_space<vmem>>) offsets(%dma_start3A_152 : memref<128xi32, #tpu.memory_space<vmem>>) semaphore(%arg20 : memref<!tpu.dma_semaphore, #tpu.memory_space<semaphore_mem>>)
        %dma_start3A_156 = arith.constant 1 : i32
        %dma_start3A_157 = arith.constant 0 : i32
        %dma_start3A_158 = arith.constant 0 : i32
        %dma_start3A_159 = tpu.memref_slice %arg14[%dma_start3A_156, %dma_start3A_157, %dma_start3A_158] : memref<2x128x32xf32, #tpu.memory_space<vmem>> -> memref<1x128x32xf32, #tpu.memory_space<vmem>>
        %dma_start3A_160 = tpu.memref_squeeze %dma_start3A_159 : memref<1x128x32xf32, #tpu.memory_space<vmem>> -> memref<128x32xf32, #tpu.memory_space<vmem>>
        %dma_start3A_161 = arith.constant 128 : i32
        %dma_start3A_162 = tpu.memref_slice %arg8[%dma_start3A_161] : memref<256xi32, #tpu.memory_space<vmem>> -> memref<128xi32, #tpu.memory_space<vmem>>
        %dma_start3A_163 = arith.constant 0 : i32
        %dma_start3A_164 = arith.constant 0 : i32
        %dma_start3A_165 = tpu.memref_slice %arg2[%dma_start3A_163, %dma_start3A_164] : memref<100352x32xf32, #tpu.memory_space<hbm>> -> memref<100352x32xf32, #tpu.memory_space<hbm>>
        tpu.enqueue_indirect_dma source(%dma_start3A_165 : memref<100352x32xf32, #tpu.memory_space<hbm>>) target(%dma_start3A_160 : memref<128x32xf32, #tpu.memory_space<vmem>>) offsets(%dma_start3A_162 : memref<128xi32, #tpu.memory_space<vmem>>) semaphore(%arg20 : memref<!tpu.dma_semaphore, #tpu.memory_space<semaphore_mem>>)
      } else {
      }
    }
    %scan3A_58 = arith.constant 98 : i32
    %barrier3A_59 = arith.constant 0 : index
    tpu.barrier barrier_id(%barrier3A_59)
    %mul3A_60 = arith.constant 3136 : i32
    %mul3A_61 = arith.muli %arg1, %mul3A_60 : i32
    %mul3A_62 = arith.constant 3136 : i32
    %mul3A_63 = arith.muli %arg1, %mul3A_62 : i32
    "tpu.region"() ({
      %run_scoped3A = tpu.sem_alloc : memref<!tpu.dma_semaphore, #tpu.memory_space<semaphore_mem>>
      %dma_start3A_64 = arith.constant 0 : i32
      %dma_start3A_65 = tpu.memref_slice %arg6[%arg0, %mul3A_63, %dma_start3A_64] : memref<2x50176x32xf32, #tpu.memory_space<hbm>> -> memref<1x3136x32xf32, #tpu.memory_space<hbm>>
      %dma_start3A_66 = tpu.memref_squeeze %dma_start3A_65 : memref<1x3136x32xf32, #tpu.memory_space<hbm>> -> memref<3136x32xf32, #tpu.memory_space<hbm>>
      %dma_start3A_67 = arith.constant 0 : i32
      %dma_start3A_68 = tpu.memref_slice %arg7[%mul3A_61, %dma_start3A_67] : memref<50176x32xf32, #tpu.memory_space<vmem_shared>> -> memref<3136x32xf32, #tpu.memory_space<vmem_shared>>
      tpu.enqueue_dma source(%dma_start3A_68 : memref<3136x32xf32, #tpu.memory_space<vmem_shared>>) target(%dma_start3A_66 : memref<3136x32xf32, #tpu.memory_space<hbm>>) target_semaphore(%run_scoped3A : memref<!tpu.dma_semaphore, #tpu.memory_space<semaphore_mem>>)
      %dma_wait3A_69 = arith.constant 0 : i32
      %dma_wait3A_70 = tpu.memref_slice %arg6[%arg0, %mul3A_63, %dma_wait3A_69] : memref<2x50176x32xf32, #tpu.memory_space<hbm>> -> memref<1x3136x32xf32, #tpu.memory_space<hbm>>
      %dma_wait3A_71 = tpu.memref_squeeze %dma_wait3A_70 : memref<1x3136x32xf32, #tpu.memory_space<hbm>> -> memref<3136x32xf32, #tpu.memory_space<hbm>>
      %dma_wait3A_72 = arith.constant 0 : i32
      %dma_wait3A_73 = tpu.memref_slice %arg7[%mul3A_61, %dma_wait3A_72] : memref<50176x32xf32, #tpu.memory_space<vmem_shared>> -> memref<3136x32xf32, #tpu.memory_space<vmem_shared>>
      tpu.wait_dma2 semaphore(%run_scoped3A : memref<!tpu.dma_semaphore, #tpu.memory_space<semaphore_mem>>) src(%dma_wait3A_73 : memref<3136x32xf32, #tpu.memory_space<vmem_shared>>) dst(%dma_wait3A_71 : memref<3136x32xf32, #tpu.memory_space<hbm>>)
      tpu.yield
    }) : () -> ()
    return
  }
}

module attributes {stable_mosaic.version = 14 : i64} {
  func.func @_enc_body(%arg0: i32, %arg1: memref<512x16xf32, #tpu.memory_space<vmem>>, %arg2: memref<1024x128xf32, #tpu.memory_space<vmem>>, %arg3: memref<16x32xf32, #tpu.memory_space<vmem>>, %arg4: memref<1x32xf32, #tpu.memory_space<vmem>>, %arg5: memref<32x64xf32, #tpu.memory_space<vmem>>, %arg6: memref<256x64xf32, #tpu.memory_space<vmem>>, %arg7: memref<1x64xf32, #tpu.memory_space<vmem>>, %arg8: memref<2x512x32xf32, #tpu.memory_space<vmem>>) attributes {dimension_semantics = [#tpu.dimension_semantics<arbitrary>], iteration_bounds = array<i64: 98>, scalar_prefetch = 0 : i64, scratch_operands = 0 : i64, tpu.core_type = #tpu.core_type<tc>, window_params = [{transform_indices = @transform_0, window_bounds = array<i64: 512, 16>}, {transform_indices = @transform_1, window_bounds = array<i64: 1024, 128>}, {pipeline_mode = #tpu.pipeline_mode<synchronous>, transform_indices = @transform_2, window_bounds = array<i64: 16, 32>}, {pipeline_mode = #tpu.pipeline_mode<synchronous>, transform_indices = @transform_3, window_bounds = array<i64: 1, 32>}, {pipeline_mode = #tpu.pipeline_mode<synchronous>, transform_indices = @transform_4, window_bounds = array<i64: 32, 64>}, {pipeline_mode = #tpu.pipeline_mode<synchronous>, transform_indices = @transform_5, window_bounds = array<i64: 256, 64>}, {pipeline_mode = #tpu.pipeline_mode<synchronous>, transform_indices = @transform_6, window_bounds = array<i64: 1, 64>}, {transform_indices = @transform_7, window_bounds = array<i64: 2, 512, 32>}]} {
    %get3A = arith.constant 0 : index
    %get3A_0 = arith.constant 0 : index
    %get3A_1 = vector.load %arg2[%get3A, %get3A_0] : memref<1024x128xf32, #tpu.memory_space<vmem>>, vector<1024x128xf32>
    %reshape3A = vector.shape_cast %get3A_1 : vector<1024x128xf32> to vector<512x256xf32>
    %get3A_2 = arith.constant 0 : index
    %get3A_3 = arith.constant 0 : index
    %get3A_4 = vector.load %arg1[%get3A_2, %get3A_3] : memref<512x16xf32, #tpu.memory_space<vmem>>, vector<512x16xf32>
    %get3A_5 = arith.constant 0 : index
    %get3A_6 = arith.constant 0 : index
    %get3A_7 = vector.load %arg3[%get3A_5, %get3A_6] : memref<16x32xf32, #tpu.memory_space<vmem>>, vector<16x32xf32>
    %dot_general3A = arith.constant dense<0.000000e+00> : vector<512x32xf32>
    %dot_general3A_8 = tpu.matmul %get3A_4, %get3A_7, %dot_general3A {dimension_numbers = #tpu.dot_dimension_numbers<[1], [0], [0], [1], [0, 0, 1, 1], [], []>, transpose_lhs_hint = false} : vector<512x16xf32>, vector<16x32xf32>, vector<512x32xf32> -> vector<512x32xf32>
    %get3A_9 = arith.constant 0 : index
    %get3A_10 = arith.constant 0 : index
    %get3A_11 = vector.load %arg4[%get3A_9, %get3A_10] : memref<1x32xf32, #tpu.memory_space<vmem>>, vector<1x32xf32>
    %add3A = vector.broadcast %get3A_11 : vector<1x32xf32> to vector<512x32xf32>
    %add3A_12 = arith.addf %dot_general3A_8, %add3A : vector<512x32xf32>
    %max3A = arith.constant 0.000000e+00 : f32
    %max3A_13 = vector.broadcast %max3A : f32 to vector<512x32xf32>
    %max3A_14 = arith.maximumf %add3A_12, %max3A_13 : vector<512x32xf32>
    %get3A_15 = arith.constant 0 : index
    %get3A_16 = arith.constant 0 : index
    %get3A_17 = vector.load %arg5[%get3A_15, %get3A_16] : memref<32x64xf32, #tpu.memory_space<vmem>>, vector<32x64xf32>
    %dot_general3A_18 = arith.constant dense<0.000000e+00> : vector<512x64xf32>
    %dot_general3A_19 = tpu.matmul %max3A_14, %get3A_17, %dot_general3A_18 {dimension_numbers = #tpu.dot_dimension_numbers<[1], [0], [0], [1], [0, 0, 1, 1], [], []>, transpose_lhs_hint = false} : vector<512x32xf32>, vector<32x64xf32>, vector<512x64xf32> -> vector<512x64xf32>
    %get3A_20 = arith.constant 0 : index
    %get3A_21 = arith.constant 0 : index
    %get3A_22 = vector.load %arg6[%get3A_20, %get3A_21] : memref<256x64xf32, #tpu.memory_space<vmem>>, vector<256x64xf32>
    %dot_general3A_23 = arith.constant dense<0.000000e+00> : vector<512x64xf32>
    %dot_general3A_24 = tpu.matmul %reshape3A, %get3A_22, %dot_general3A_23 {dimension_numbers = #tpu.dot_dimension_numbers<[1], [0], [0], [1], [0, 0, 1, 1], [], []>, transpose_lhs_hint = false} : vector<512x256xf32>, vector<256x64xf32>, vector<512x64xf32> -> vector<512x64xf32>
    %add3A_25 = arith.addf %dot_general3A_19, %dot_general3A_24 : vector<512x64xf32>
    %get3A_26 = arith.constant 0 : index
    %get3A_27 = arith.constant 0 : index
    %get3A_28 = vector.load %arg7[%get3A_26, %get3A_27] : memref<1x64xf32, #tpu.memory_space<vmem>>, vector<1x64xf32>
    %add3A_29 = vector.broadcast %get3A_28 : vector<1x64xf32> to vector<512x64xf32>
    %add3A_30 = arith.addf %add3A_25, %add3A_29 : vector<512x64xf32>
    %max3A_31 = arith.constant 0.000000e+00 : f32
    %max3A_32 = vector.broadcast %max3A_31 : f32 to vector<512x64xf32>
    %max3A_33 = arith.maximumf %add3A_30, %max3A_32 : vector<512x64xf32>
    %slice3A = vector.extract_strided_slice %max3A_33 {offsets = [0, 0], sizes = [512, 32], strides = [1, 1]} : vector<512x64xf32> to vector<512x32xf32>
    %swap3A = arith.constant 0 : index
    %swap3A_34 = arith.constant 0 : index
    %swap3A_35 = arith.constant 0 : index
    %swap3A_36 = vector.load %arg8[%swap3A, %swap3A_34, %swap3A_35] : memref<2x512x32xf32, #tpu.memory_space<vmem>>, vector<1x512x32xf32>
    %swap3A_37 = vector.shape_cast %swap3A_36 : vector<1x512x32xf32> to vector<512x32xf32>
    %swap3A_38 = vector.shape_cast %slice3A : vector<512x32xf32> to vector<1x512x32xf32>
    tpu.vector_store %arg8[%swap3A, %swap3A_34, %swap3A_35], %swap3A_38 {strides = array<i32>} : memref<2x512x32xf32, #tpu.memory_space<vmem>>, vector<1x512x32xf32>,
    %slice3A_39 = vector.extract_strided_slice %max3A_33 {offsets = [0, 32], sizes = [512, 32], strides = [1, 1]} : vector<512x64xf32> to vector<512x32xf32>
    %swap3A_40 = arith.constant 1 : index
    %swap3A_41 = arith.constant 0 : index
    %swap3A_42 = arith.constant 0 : index
    %swap3A_43 = vector.load %arg8[%swap3A_40, %swap3A_41, %swap3A_42] : memref<2x512x32xf32, #tpu.memory_space<vmem>>, vector<1x512x32xf32>
    %swap3A_44 = vector.shape_cast %swap3A_43 : vector<1x512x32xf32> to vector<512x32xf32>
    %swap3A_45 = vector.shape_cast %slice3A_39 : vector<512x32xf32> to vector<1x512x32xf32>
    tpu.vector_store %arg8[%swap3A_40, %swap3A_41, %swap3A_42], %swap3A_45 {strides = array<i32>} : memref<2x512x32xf32, #tpu.memory_space<vmem>>, vector<1x512x32xf32>,
    return
  }
  func.func @transform_0(%arg0: i32) -> (i32, i32) {
    %c0_i32 = arith.constant 0 : i32
    %c0_i32_0 = arith.constant 0 : i32
    return %arg0, %c0_i32 : i32, i32
  }
  func.func @transform_1(%arg0: i32) -> (i32, i32) {
    %c0_i32 = arith.constant 0 : i32
    %c0_i32_0 = arith.constant 0 : i32
    return %arg0, %c0_i32 : i32, i32
  }
  func.func @transform_2(%arg0: i32) -> (i32, i32) {
    %c0_i32 = arith.constant 0 : i32
    %c0_i32_0 = arith.constant 0 : i32
    %c0_i32_1 = arith.constant 0 : i32
    return %c0_i32, %c0_i32_0 : i32, i32
  }
  func.func @transform_3(%arg0: i32) -> (i32, i32) {
    %c0_i32 = arith.constant 0 : i32
    %c0_i32_0 = arith.constant 0 : i32
    %c0_i32_1 = arith.constant 0 : i32
    return %c0_i32, %c0_i32_0 : i32, i32
  }
  func.func @transform_4(%arg0: i32) -> (i32, i32) {
    %c0_i32 = arith.constant 0 : i32
    %c0_i32_0 = arith.constant 0 : i32
    %c0_i32_1 = arith.constant 0 : i32
    return %c0_i32, %c0_i32_0 : i32, i32
  }
  func.func @transform_5(%arg0: i32) -> (i32, i32) {
    %c0_i32 = arith.constant 0 : i32
    %c0_i32_0 = arith.constant 0 : i32
    %c0_i32_1 = arith.constant 0 : i32
    return %c0_i32, %c0_i32_0 : i32, i32
  }
  func.func @transform_6(%arg0: i32) -> (i32, i32) {
    %c0_i32 = arith.constant 0 : i32
    %c0_i32_0 = arith.constant 0 : i32
    %c0_i32_1 = arith.constant 0 : i32
    return %c0_i32, %c0_i32_0 : i32, i32
  }
  func.func @transform_7(%arg0: i32) -> (i32, i32, i32) {
    %c0_i32 = arith.constant 0 : i32
    %c0_i32_0 = arith.constant 0 : i32
    %c0_i32_1 = arith.constant 0 : i32
    return %c0_i32, %arg0, %c0_i32_0 : i32, i32, i32
  }
}

module attributes {stable_mosaic.version = 14 : i64} {
  func.func @_layer_body(%arg0: i32, %arg1: memref<2x512x32xf32, #tpu.memory_space<vmem>>, %arg2: memref<2x512x32xf32, #tpu.memory_space<vmem>>, %arg3: memref<2x512x32xf32, #tpu.memory_space<vmem>>, %arg4: memref<64x64xf32, #tpu.memory_space<vmem>>, %arg5: memref<1x64xf32, #tpu.memory_space<vmem>>, %arg6: memref<1x64xf32, #tpu.memory_space<vmem>>, %arg7: memref<1x64xf32, #tpu.memory_space<vmem>>, %arg8: memref<2x512x32xf32, #tpu.memory_space<vmem>>) attributes {dimension_semantics = [#tpu.dimension_semantics<arbitrary>], iteration_bounds = array<i64: 98>, scalar_prefetch = 0 : i64, scratch_operands = 0 : i64, tpu.core_type = #tpu.core_type<tc>, window_params = [{transform_indices = @transform_0, window_bounds = array<i64: 2, 512, 32>}, {transform_indices = @transform_1, window_bounds = array<i64: 2, 512, 32>}, {transform_indices = @transform_2, window_bounds = array<i64: 2, 512, 32>}, {pipeline_mode = #tpu.pipeline_mode<synchronous>, transform_indices = @transform_3, window_bounds = array<i64: 64, 64>}, {pipeline_mode = #tpu.pipeline_mode<synchronous>, transform_indices = @transform_4, window_bounds = array<i64: 1, 64>}, {pipeline_mode = #tpu.pipeline_mode<synchronous>, transform_indices = @transform_5, window_bounds = array<i64: 1, 64>}, {pipeline_mode = #tpu.pipeline_mode<synchronous>, transform_indices = @transform_6, window_bounds = array<i64: 1, 64>}, {transform_indices = @transform_7, window_bounds = array<i64: 2, 512, 32>}]} {
    %get3A = arith.constant 0 : index
    %get3A_0 = arith.constant 0 : index
    %get3A_1 = arith.constant 0 : index
    %get3A_2 = vector.load %arg1[%get3A, %get3A_0, %get3A_1] : memref<2x512x32xf32, #tpu.memory_space<vmem>>, vector<1x512x32xf32>
    %get3A_3 = vector.shape_cast %get3A_2 : vector<1x512x32xf32> to vector<512x32xf32>
    %get3A_4 = arith.constant 1 : index
    %get3A_5 = arith.constant 0 : index
    %get3A_6 = arith.constant 0 : index
    %get3A_7 = vector.load %arg1[%get3A_4, %get3A_5, %get3A_6] : memref<2x512x32xf32, #tpu.memory_space<vmem>>, vector<1x512x32xf32>
    %get3A_8 = vector.shape_cast %get3A_7 : vector<1x512x32xf32> to vector<512x32xf32>
    %concatenate3A = tpu.concatenate %get3A_3, %get3A_8 in 1 : vector<512x32xf32>, vector<512x32xf32> -> vector<512x64xf32>
    %get3A_9 = arith.constant 0 : index
    %get3A_10 = arith.constant 0 : index
    %get3A_11 = arith.constant 0 : index
    %get3A_12 = vector.load %arg2[%get3A_9, %get3A_10, %get3A_11] : memref<2x512x32xf32, #tpu.memory_space<vmem>>, vector<1x512x32xf32>
    %get3A_13 = vector.shape_cast %get3A_12 : vector<1x512x32xf32> to vector<512x32xf32>
    %slice3A = vector.extract_strided_slice %get3A_13 {offsets = [0, 0], sizes = [512, 1], strides = [1, 1]} : vector<512x32xf32> to vector<512x1xf32>
    %get3A_14 = arith.constant 1 : index
    %get3A_15 = arith.constant 0 : index
    %get3A_16 = arith.constant 0 : index
    %get3A_17 = vector.load %arg2[%get3A_14, %get3A_15, %get3A_16] : memref<2x512x32xf32, #tpu.memory_space<vmem>>, vector<1x512x32xf32>
    %get3A_18 = vector.shape_cast %get3A_17 : vector<1x512x32xf32> to vector<512x32xf32>
    %slice3A_19 = vector.extract_strided_slice %get3A_18 {offsets = [0, 0], sizes = [512, 1], strides = [1, 1]} : vector<512x32xf32> to vector<512x1xf32>
    %add3A = arith.addf %slice3A, %slice3A_19 : vector<512x1xf32>
    %max3A = arith.constant 1.000000e+00 : f32
    %max3A_20 = vector.broadcast %max3A : f32 to vector<512x1xf32>
    %max3A_21 = arith.maximumf %add3A, %max3A_20 : vector<512x1xf32>
    %div3A = arith.constant 1.000000e+00 : f32
    %div3A_22 = vector.broadcast %div3A : f32 to vector<512x1xf32>
    %div3A_23 = arith.divf %div3A_22, %max3A_21 : vector<512x1xf32>
    %mul3A = vector.broadcast %div3A_23 : vector<512x1xf32> to vector<512x64xf32>
    %mul3A_24 = arith.mulf %concatenate3A, %mul3A : vector<512x64xf32>
    %get3A_25 = arith.constant 0 : index
    %get3A_26 = arith.constant 0 : index
    %get3A_27 = arith.constant 0 : index
    %get3A_28 = vector.load %arg3[%get3A_25, %get3A_26, %get3A_27] : memref<2x512x32xf32, #tpu.memory_space<vmem>>, vector<1x512x32xf32>
    %get3A_29 = vector.shape_cast %get3A_28 : vector<1x512x32xf32> to vector<512x32xf32>
    %get3A_30 = arith.constant 1 : index
    %get3A_31 = arith.constant 0 : index
    %get3A_32 = arith.constant 0 : index
    %get3A_33 = vector.load %arg3[%get3A_30, %get3A_31, %get3A_32] : memref<2x512x32xf32, #tpu.memory_space<vmem>>, vector<1x512x32xf32>
    %get3A_34 = vector.shape_cast %get3A_33 : vector<1x512x32xf32> to vector<512x32xf32>
    %concatenate3A_35 = tpu.concatenate %get3A_29, %get3A_34 in 1 : vector<512x32xf32>, vector<512x32xf32> -> vector<512x64xf32>
    %get3A_36 = arith.constant 0 : index
    %get3A_37 = arith.constant 0 : index
    %get3A_38 = vector.load %arg4[%get3A_36, %get3A_37] : memref<64x64xf32, #tpu.memory_space<vmem>>, vector<64x64xf32>
    %dot_general3A = arith.constant dense<0.000000e+00> : vector<512x64xf32>
    %dot_general3A_39 = tpu.matmul %mul3A_24, %get3A_38, %dot_general3A {dimension_numbers = #tpu.dot_dimension_numbers<[1], [0], [0], [1], [0, 0, 1, 1], [], []>, transpose_lhs_hint = false} : vector<512x64xf32>, vector<64x64xf32>, vector<512x64xf32> -> vector<512x64xf32>
    %get3A_40 = arith.constant 0 : index
    %get3A_41 = arith.constant 0 : index
    %get3A_42 = vector.load %arg5[%get3A_40, %get3A_41] : memref<1x64xf32, #tpu.memory_space<vmem>>, vector<1x64xf32>
    %add3A_43 = vector.broadcast %get3A_42 : vector<1x64xf32> to vector<512x64xf32>
    %add3A_44 = arith.addf %dot_general3A_39, %add3A_43 : vector<512x64xf32>
    %max3A_45 = arith.constant 0.000000e+00 : f32
    %max3A_46 = vector.broadcast %max3A_45 : f32 to vector<512x64xf32>
    %max3A_47 = arith.maximumf %add3A_44, %max3A_46 : vector<512x64xf32>
    %add3A_48 = arith.addf %max3A_47, %concatenate3A_35 : vector<512x64xf32>
    %reduce_sum3A = arith.constant dense<0.000000e+00> : vector<512xf32>
    %reduce_sum3A_49 = vector.multi_reduction <add>, %add3A_48, %reduce_sum3A [1] : vector<512x64xf32> to vector<512xf32>
    %broadcast_in_dim3A = vector.shape_cast %reduce_sum3A_49 : vector<512xf32> to vector<512x1xf32>
    %div3A_50 = arith.constant 6.400000e+01 : f32
    %div3A_51 = vector.broadcast %div3A_50 : f32 to vector<512x1xf32>
    %div3A_52 = arith.divf %broadcast_in_dim3A, %div3A_51 : vector<512x1xf32>
    %sub3A = vector.broadcast %div3A_52 : vector<512x1xf32> to vector<512x64xf32>
    %sub3A_53 = arith.subf %add3A_48, %sub3A : vector<512x64xf32>
    %integer_pow3A = arith.mulf %sub3A_53, %sub3A_53 : vector<512x64xf32>
    %reduce_sum3A_54 = arith.constant dense<0.000000e+00> : vector<512xf32>
    %reduce_sum3A_55 = vector.multi_reduction <add>, %integer_pow3A, %reduce_sum3A_54 [1] : vector<512x64xf32> to vector<512xf32>
    %broadcast_in_dim3A_56 = vector.shape_cast %reduce_sum3A_55 : vector<512xf32> to vector<512x1xf32>
    %div3A_57 = arith.constant 6.400000e+01 : f32
    %div3A_58 = vector.broadcast %div3A_57 : f32 to vector<512x1xf32>
    %div3A_59 = arith.divf %broadcast_in_dim3A_56, %div3A_58 : vector<512x1xf32>
    %sub3A_60 = vector.broadcast %div3A_52 : vector<512x1xf32> to vector<512x64xf32>
    %sub3A_61 = arith.subf %add3A_48, %sub3A_60 : vector<512x64xf32>
    %add3A_62 = arith.constant 9.99999974E-6 : f32
    %add3A_63 = vector.broadcast %add3A_62 : f32 to vector<512x1xf32>
    %add3A_64 = arith.addf %div3A_59, %add3A_63 : vector<512x1xf32>
    %rsqrt3A = math.rsqrt %add3A_64 : vector<512x1xf32>
    %mul3A_65 = vector.broadcast %rsqrt3A : vector<512x1xf32> to vector<512x64xf32>
    %mul3A_66 = arith.mulf %sub3A_61, %mul3A_65 : vector<512x64xf32>
    %get3A_67 = arith.constant 0 : index
    %get3A_68 = arith.constant 0 : index
    %get3A_69 = vector.load %arg6[%get3A_67, %get3A_68] : memref<1x64xf32, #tpu.memory_space<vmem>>, vector<1x64xf32>
    %mul3A_70 = vector.broadcast %get3A_69 : vector<1x64xf32> to vector<512x64xf32>
    %mul3A_71 = arith.mulf %mul3A_66, %mul3A_70 : vector<512x64xf32>
    %get3A_72 = arith.constant 0 : index
    %get3A_73 = arith.constant 0 : index
    %get3A_74 = vector.load %arg7[%get3A_72, %get3A_73] : memref<1x64xf32, #tpu.memory_space<vmem>>, vector<1x64xf32>
    %add3A_75 = vector.broadcast %get3A_74 : vector<1x64xf32> to vector<512x64xf32>
    %add3A_76 = arith.addf %mul3A_71, %add3A_75 : vector<512x64xf32>
    %slice3A_77 = vector.extract_strided_slice %add3A_76 {offsets = [0, 0], sizes = [512, 32], strides = [1, 1]} : vector<512x64xf32> to vector<512x32xf32>
    %swap3A = arith.constant 0 : index
    %swap3A_78 = arith.constant 0 : index
    %swap3A_79 = arith.constant 0 : index
    %swap3A_80 = vector.load %arg8[%swap3A, %swap3A_78, %swap3A_79] : memref<2x512x32xf32, #tpu.memory_space<vmem>>, vector<1x512x32xf32>
    %swap3A_81 = vector.shape_cast %swap3A_80 : vector<1x512x32xf32> to vector<512x32xf32>
    %swap3A_82 = vector.shape_cast %slice3A_77 : vector<512x32xf32> to vector<1x512x32xf32>
    tpu.vector_store %arg8[%swap3A, %swap3A_78, %swap3A_79], %swap3A_82 {strides = array<i32>} : memref<2x512x32xf32, #tpu.memory_space<vmem>>, vector<1x512x32xf32>,
    %slice3A_83 = vector.extract_strided_slice %add3A_76 {offsets = [0, 32], sizes = [512, 32], strides = [1, 1]} : vector<512x64xf32> to vector<512x32xf32>
    %swap3A_84 = arith.constant 1 : index
    %swap3A_85 = arith.constant 0 : index
    %swap3A_86 = arith.constant 0 : index
    %swap3A_87 = vector.load %arg8[%swap3A_84, %swap3A_85, %swap3A_86] : memref<2x512x32xf32, #tpu.memory_space<vmem>>, vector<1x512x32xf32>
    %swap3A_88 = vector.shape_cast %swap3A_87 : vector<1x512x32xf32> to vector<512x32xf32>
    %swap3A_89 = vector.shape_cast %slice3A_83 : vector<512x32xf32> to vector<1x512x32xf32>
    tpu.vector_store %arg8[%swap3A_84, %swap3A_85, %swap3A_86], %swap3A_89 {strides = array<i32>} : memref<2x512x32xf32, #tpu.memory_space<vmem>>, vector<1x512x32xf32>,
    return
  }
  func.func @transform_0(%arg0: i32) -> (i32, i32, i32) {
    %c0_i32 = arith.constant 0 : i32
    %c0_i32_0 = arith.constant 0 : i32
    %c0_i32_1 = arith.constant 0 : i32
    return %c0_i32, %arg0, %c0_i32_0 : i32, i32, i32
  }
  func.func @transform_1(%arg0: i32) -> (i32, i32, i32) {
    %c0_i32 = arith.constant 0 : i32
    %c0_i32_0 = arith.constant 0 : i32
    %c0_i32_1 = arith.constant 0 : i32
    return %c0_i32, %arg0, %c0_i32_0 : i32, i32, i32
  }
  func.func @transform_2(%arg0: i32) -> (i32, i32, i32) {
    %c0_i32 = arith.constant 0 : i32
    %c0_i32_0 = arith.constant 0 : i32
    %c0_i32_1 = arith.constant 0 : i32
    return %c0_i32, %arg0, %c0_i32_0 : i32, i32, i32
  }
  func.func @transform_3(%arg0: i32) -> (i32, i32) {
    %c0_i32 = arith.constant 0 : i32
    %c0_i32_0 = arith.constant 0 : i32
    %c0_i32_1 = arith.constant 0 : i32
    return %c0_i32, %c0_i32_0 : i32, i32
  }
  func.func @transform_4(%arg0: i32) -> (i32, i32) {
    %c0_i32 = arith.constant 0 : i32
    %c0_i32_0 = arith.constant 0 : i32
    %c0_i32_1 = arith.constant 0 : i32
    return %c0_i32, %c0_i32_0 : i32, i32
  }
  func.func @transform_5(%arg0: i32) -> (i32, i32) {
    %c0_i32 = arith.constant 0 : i32
    %c0_i32_0 = arith.constant 0 : i32
    %c0_i32_1 = arith.constant 0 : i32
    return %c0_i32, %c0_i32_0 : i32, i32
  }
  func.func @transform_6(%arg0: i32) -> (i32, i32) {
    %c0_i32 = arith.constant 0 : i32
    %c0_i32_0 = arith.constant 0 : i32
    %c0_i32_1 = arith.constant 0 : i32
    return %c0_i32, %c0_i32_0 : i32, i32
  }
  func.func @transform_7(%arg0: i32) -> (i32, i32, i32) {
    %c0_i32 = arith.constant 0 : i32
    %c0_i32_0 = arith.constant 0 : i32
    %c0_i32_1 = arith.constant 0 : i32
    return %c0_i32, %arg0, %c0_i32_0 : i32, i32, i32
  }
}

module attributes {stable_mosaic.version = 14 : i64} {
  func.func @_layer_body(%arg0: i32, %arg1: memref<2x512x32xf32, #tpu.memory_space<vmem>>, %arg2: memref<2x512x32xf32, #tpu.memory_space<vmem>>, %arg3: memref<2x512x32xf32, #tpu.memory_space<vmem>>, %arg4: memref<64x64xf32, #tpu.memory_space<vmem>>, %arg5: memref<1x64xf32, #tpu.memory_space<vmem>>, %arg6: memref<1x64xf32, #tpu.memory_space<vmem>>, %arg7: memref<1x64xf32, #tpu.memory_space<vmem>>, %arg8: memref<64x1xf32, #tpu.memory_space<vmem>>, %arg9: memref<1x1xf32, #tpu.memory_space<vmem>>, %arg10: memref<2x512x32xf32, #tpu.memory_space<vmem>>, %arg11: memref<512x1xf32, #tpu.memory_space<vmem>>) attributes {dimension_semantics = [#tpu.dimension_semantics<arbitrary>], iteration_bounds = array<i64: 98>, scalar_prefetch = 0 : i64, scratch_operands = 0 : i64, tpu.core_type = #tpu.core_type<tc>, window_params = [{transform_indices = @transform_0, window_bounds = array<i64: 2, 512, 32>}, {transform_indices = @transform_1, window_bounds = array<i64: 2, 512, 32>}, {transform_indices = @transform_2, window_bounds = array<i64: 2, 512, 32>}, {pipeline_mode = #tpu.pipeline_mode<synchronous>, transform_indices = @transform_3, window_bounds = array<i64: 64, 64>}, {pipeline_mode = #tpu.pipeline_mode<synchronous>, transform_indices = @transform_4, window_bounds = array<i64: 1, 64>}, {pipeline_mode = #tpu.pipeline_mode<synchronous>, transform_indices = @transform_5, window_bounds = array<i64: 1, 64>}, {pipeline_mode = #tpu.pipeline_mode<synchronous>, transform_indices = @transform_6, window_bounds = array<i64: 1, 64>}, {pipeline_mode = #tpu.pipeline_mode<synchronous>, transform_indices = @transform_7, window_bounds = array<i64: 64, 1>}, {pipeline_mode = #tpu.pipeline_mode<synchronous>, transform_indices = @transform_8, window_bounds = array<i64: 1, 1>}, {transform_indices = @transform_9, window_bounds = array<i64: 2, 512, 32>}, {transform_indices = @transform_10, window_bounds = array<i64: 512, 1>}]} {
    %get3A = arith.constant 0 : index
    %get3A_0 = arith.constant 0 : index
    %get3A_1 = arith.constant 0 : index
    %get3A_2 = vector.load %arg1[%get3A, %get3A_0, %get3A_1] : memref<2x512x32xf32, #tpu.memory_space<vmem>>, vector<1x512x32xf32>
    %get3A_3 = vector.shape_cast %get3A_2 : vector<1x512x32xf32> to vector<512x32xf32>
    %get3A_4 = arith.constant 1 : index
    %get3A_5 = arith.constant 0 : index
    %get3A_6 = arith.constant 0 : index
    %get3A_7 = vector.load %arg1[%get3A_4, %get3A_5, %get3A_6] : memref<2x512x32xf32, #tpu.memory_space<vmem>>, vector<1x512x32xf32>
    %get3A_8 = vector.shape_cast %get3A_7 : vector<1x512x32xf32> to vector<512x32xf32>
    %concatenate3A = tpu.concatenate %get3A_3, %get3A_8 in 1 : vector<512x32xf32>, vector<512x32xf32> -> vector<512x64xf32>
    %get3A_9 = arith.constant 0 : index
    %get3A_10 = arith.constant 0 : index
    %get3A_11 = arith.constant 0 : index
    %get3A_12 = vector.load %arg2[%get3A_9, %get3A_10, %get3A_11] : memref<2x512x32xf32, #tpu.memory_space<vmem>>, vector<1x512x32xf32>
    %get3A_13 = vector.shape_cast %get3A_12 : vector<1x512x32xf32> to vector<512x32xf32>
    %slice3A = vector.extract_strided_slice %get3A_13 {offsets = [0, 0], sizes = [512, 1], strides = [1, 1]} : vector<512x32xf32> to vector<512x1xf32>
    %get3A_14 = arith.constant 1 : index
    %get3A_15 = arith.constant 0 : index
    %get3A_16 = arith.constant 0 : index
    %get3A_17 = vector.load %arg2[%get3A_14, %get3A_15, %get3A_16] : memref<2x512x32xf32, #tpu.memory_space<vmem>>, vector<1x512x32xf32>
    %get3A_18 = vector.shape_cast %get3A_17 : vector<1x512x32xf32> to vector<512x32xf32>
    %slice3A_19 = vector.extract_strided_slice %get3A_18 {offsets = [0, 0], sizes = [512, 1], strides = [1, 1]} : vector<512x32xf32> to vector<512x1xf32>
    %add3A = arith.addf %slice3A, %slice3A_19 : vector<512x1xf32>
    %max3A = arith.constant 1.000000e+00 : f32
    %max3A_20 = vector.broadcast %max3A : f32 to vector<512x1xf32>
    %max3A_21 = arith.maximumf %add3A, %max3A_20 : vector<512x1xf32>
    %div3A = arith.constant 1.000000e+00 : f32
    %div3A_22 = vector.broadcast %div3A : f32 to vector<512x1xf32>
    %div3A_23 = arith.divf %div3A_22, %max3A_21 : vector<512x1xf32>
    %mul3A = vector.broadcast %div3A_23 : vector<512x1xf32> to vector<512x64xf32>
    %mul3A_24 = arith.mulf %concatenate3A, %mul3A : vector<512x64xf32>
    %get3A_25 = arith.constant 0 : index
    %get3A_26 = arith.constant 0 : index
    %get3A_27 = arith.constant 0 : index
    %get3A_28 = vector.load %arg3[%get3A_25, %get3A_26, %get3A_27] : memref<2x512x32xf32, #tpu.memory_space<vmem>>, vector<1x512x32xf32>
    %get3A_29 = vector.shape_cast %get3A_28 : vector<1x512x32xf32> to vector<512x32xf32>
    %get3A_30 = arith.constant 1 : index
    %get3A_31 = arith.constant 0 : index
    %get3A_32 = arith.constant 0 : index
    %get3A_33 = vector.load %arg3[%get3A_30, %get3A_31, %get3A_32] : memref<2x512x32xf32, #tpu.memory_space<vmem>>, vector<1x512x32xf32>
    %get3A_34 = vector.shape_cast %get3A_33 : vector<1x512x32xf32> to vector<512x32xf32>
    %concatenate3A_35 = tpu.concatenate %get3A_29, %get3A_34 in 1 : vector<512x32xf32>, vector<512x32xf32> -> vector<512x64xf32>
    %get3A_36 = arith.constant 0 : index
    %get3A_37 = arith.constant 0 : index
    %get3A_38 = vector.load %arg4[%get3A_36, %get3A_37] : memref<64x64xf32, #tpu.memory_space<vmem>>, vector<64x64xf32>
    %dot_general3A = arith.constant dense<0.000000e+00> : vector<512x64xf32>
    %dot_general3A_39 = tpu.matmul %mul3A_24, %get3A_38, %dot_general3A {dimension_numbers = #tpu.dot_dimension_numbers<[1], [0], [0], [1], [0, 0, 1, 1], [], []>, transpose_lhs_hint = false} : vector<512x64xf32>, vector<64x64xf32>, vector<512x64xf32> -> vector<512x64xf32>
    %get3A_40 = arith.constant 0 : index
    %get3A_41 = arith.constant 0 : index
    %get3A_42 = vector.load %arg5[%get3A_40, %get3A_41] : memref<1x64xf32, #tpu.memory_space<vmem>>, vector<1x64xf32>
    %add3A_43 = vector.broadcast %get3A_42 : vector<1x64xf32> to vector<512x64xf32>
    %add3A_44 = arith.addf %dot_general3A_39, %add3A_43 : vector<512x64xf32>
    %max3A_45 = arith.constant 0.000000e+00 : f32
    %max3A_46 = vector.broadcast %max3A_45 : f32 to vector<512x64xf32>
    %max3A_47 = arith.maximumf %add3A_44, %max3A_46 : vector<512x64xf32>
    %add3A_48 = arith.addf %max3A_47, %concatenate3A_35 : vector<512x64xf32>
    %reduce_sum3A = arith.constant dense<0.000000e+00> : vector<512xf32>
    %reduce_sum3A_49 = vector.multi_reduction <add>, %add3A_48, %reduce_sum3A [1] : vector<512x64xf32> to vector<512xf32>
    %broadcast_in_dim3A = vector.shape_cast %reduce_sum3A_49 : vector<512xf32> to vector<512x1xf32>
    %div3A_50 = arith.constant 6.400000e+01 : f32
    %div3A_51 = vector.broadcast %div3A_50 : f32 to vector<512x1xf32>
    %div3A_52 = arith.divf %broadcast_in_dim3A, %div3A_51 : vector<512x1xf32>
    %sub3A = vector.broadcast %div3A_52 : vector<512x1xf32> to vector<512x64xf32>
    %sub3A_53 = arith.subf %add3A_48, %sub3A : vector<512x64xf32>
    %integer_pow3A = arith.mulf %sub3A_53, %sub3A_53 : vector<512x64xf32>
    %reduce_sum3A_54 = arith.constant dense<0.000000e+00> : vector<512xf32>
    %reduce_sum3A_55 = vector.multi_reduction <add>, %integer_pow3A, %reduce_sum3A_54 [1] : vector<512x64xf32> to vector<512xf32>
    %broadcast_in_dim3A_56 = vector.shape_cast %reduce_sum3A_55 : vector<512xf32> to vector<512x1xf32>
    %div3A_57 = arith.constant 6.400000e+01 : f32
    %div3A_58 = vector.broadcast %div3A_57 : f32 to vector<512x1xf32>
    %div3A_59 = arith.divf %broadcast_in_dim3A_56, %div3A_58 : vector<512x1xf32>
    %sub3A_60 = vector.broadcast %div3A_52 : vector<512x1xf32> to vector<512x64xf32>
    %sub3A_61 = arith.subf %add3A_48, %sub3A_60 : vector<512x64xf32>
    %add3A_62 = arith.constant 9.99999974E-6 : f32
    %add3A_63 = vector.broadcast %add3A_62 : f32 to vector<512x1xf32>
    %add3A_64 = arith.addf %div3A_59, %add3A_63 : vector<512x1xf32>
    %rsqrt3A = math.rsqrt %add3A_64 : vector<512x1xf32>
    %mul3A_65 = vector.broadcast %rsqrt3A : vector<512x1xf32> to vector<512x64xf32>
    %mul3A_66 = arith.mulf %sub3A_61, %mul3A_65 : vector<512x64xf32>
    %get3A_67 = arith.constant 0 : index
    %get3A_68 = arith.constant 0 : index
    %get3A_69 = vector.load %arg6[%get3A_67, %get3A_68] : memref<1x64xf32, #tpu.memory_space<vmem>>, vector<1x64xf32>
    %mul3A_70 = vector.broadcast %get3A_69 : vector<1x64xf32> to vector<512x64xf32>
    %mul3A_71 = arith.mulf %mul3A_66, %mul3A_70 : vector<512x64xf32>
    %get3A_72 = arith.constant 0 : index
    %get3A_73 = arith.constant 0 : index
    %get3A_74 = vector.load %arg7[%get3A_72, %get3A_73] : memref<1x64xf32, #tpu.memory_space<vmem>>, vector<1x64xf32>
    %add3A_75 = vector.broadcast %get3A_74 : vector<1x64xf32> to vector<512x64xf32>
    %add3A_76 = arith.addf %mul3A_71, %add3A_75 : vector<512x64xf32>
    %slice3A_77 = vector.extract_strided_slice %add3A_76 {offsets = [0, 0], sizes = [512, 32], strides = [1, 1]} : vector<512x64xf32> to vector<512x32xf32>
    %swap3A = arith.constant 0 : index
    %swap3A_78 = arith.constant 0 : index
    %swap3A_79 = arith.constant 0 : index
    %swap3A_80 = vector.load %arg10[%swap3A, %swap3A_78, %swap3A_79] : memref<2x512x32xf32, #tpu.memory_space<vmem>>, vector<1x512x32xf32>
    %swap3A_81 = vector.shape_cast %swap3A_80 : vector<1x512x32xf32> to vector<512x32xf32>
    %swap3A_82 = vector.shape_cast %slice3A_77 : vector<512x32xf32> to vector<1x512x32xf32>
    tpu.vector_store %arg10[%swap3A, %swap3A_78, %swap3A_79], %swap3A_82 {strides = array<i32>} : memref<2x512x32xf32, #tpu.memory_space<vmem>>, vector<1x512x32xf32>,
    %slice3A_83 = vector.extract_strided_slice %add3A_76 {offsets = [0, 32], sizes = [512, 32], strides = [1, 1]} : vector<512x64xf32> to vector<512x32xf32>
    %swap3A_84 = arith.constant 1 : index
    %swap3A_85 = arith.constant 0 : index
    %swap3A_86 = arith.constant 0 : index
    %swap3A_87 = vector.load %arg10[%swap3A_84, %swap3A_85, %swap3A_86] : memref<2x512x32xf32, #tpu.memory_space<vmem>>, vector<1x512x32xf32>
    %swap3A_88 = vector.shape_cast %swap3A_87 : vector<1x512x32xf32> to vector<512x32xf32>
    %swap3A_89 = vector.shape_cast %slice3A_83 : vector<512x32xf32> to vector<1x512x32xf32>
    tpu.vector_store %arg10[%swap3A_84, %swap3A_85, %swap3A_86], %swap3A_89 {strides = array<i32>} : memref<2x512x32xf32, #tpu.memory_space<vmem>>, vector<1x512x32xf32>,
    %get3A_90 = arith.constant 0 : index
    %get3A_91 = arith.constant 0 : index
    %get3A_92 = vector.load %arg8[%get3A_90, %get3A_91] : memref<64x1xf32, #tpu.memory_space<vmem>>, vector<64x1xf32>
    %dot_general3A_93 = arith.constant dense<0.000000e+00> : vector<512x1xf32>
    %dot_general3A_94 = tpu.matmul %add3A_76, %get3A_92, %dot_general3A_93 {dimension_numbers = #tpu.dot_dimension_numbers<[1], [0], [0], [1], [0, 0, 1, 1], [], []>, transpose_lhs_hint = false} : vector<512x64xf32>, vector<64x1xf32>, vector<512x1xf32> -> vector<512x1xf32>
    %get3A_95 = arith.constant 0 : index
    %get3A_96 = arith.constant 0 : index
    %get3A_97 = vector.load %arg9[%get3A_95, %get3A_96] : memref<1x1xf32, #tpu.memory_space<vmem>>, vector<1x1xf32>
    %add3A_98 = vector.broadcast %get3A_97 : vector<1x1xf32> to vector<512x1xf32>
    %add3A_99 = arith.addf %dot_general3A_94, %add3A_98 : vector<512x1xf32>
    %swap3A_100 = arith.constant 0 : index
    %swap3A_101 = arith.constant 0 : index
    %swap3A_102 = vector.load %arg11[%swap3A_100, %swap3A_101] : memref<512x1xf32, #tpu.memory_space<vmem>>, vector<512x1xf32>
    tpu.vector_store %arg11[%swap3A_100, %swap3A_101], %add3A_99 {strides = array<i32>} : memref<512x1xf32, #tpu.memory_space<vmem>>, vector<512x1xf32>,
    return
  }
  func.func @transform_0(%arg0: i32) -> (i32, i32, i32) {
    %c0_i32 = arith.constant 0 : i32
    %c0_i32_0 = arith.constant 0 : i32
    %c0_i32_1 = arith.constant 0 : i32
    return %c0_i32, %arg0, %c0_i32_0 : i32, i32, i32
  }
  func.func @transform_1(%arg0: i32) -> (i32, i32, i32) {
    %c0_i32 = arith.constant 0 : i32
    %c0_i32_0 = arith.constant 0 : i32
    %c0_i32_1 = arith.constant 0 : i32
    return %c0_i32, %arg0, %c0_i32_0 : i32, i32, i32
  }
  func.func @transform_2(%arg0: i32) -> (i32, i32, i32) {
    %c0_i32 = arith.constant 0 : i32
    %c0_i32_0 = arith.constant 0 : i32
    %c0_i32_1 = arith.constant 0 : i32
    return %c0_i32, %arg0, %c0_i32_0 : i32, i32, i32
  }
  func.func @transform_3(%arg0: i32) -> (i32, i32) {
    %c0_i32 = arith.constant 0 : i32
    %c0_i32_0 = arith.constant 0 : i32
    %c0_i32_1 = arith.constant 0 : i32
    return %c0_i32, %c0_i32_0 : i32, i32
  }
  func.func @transform_4(%arg0: i32) -> (i32, i32) {
    %c0_i32 = arith.constant 0 : i32
    %c0_i32_0 = arith.constant 0 : i32
    %c0_i32_1 = arith.constant 0 : i32
    return %c0_i32, %c0_i32_0 : i32, i32
  }
  func.func @transform_5(%arg0: i32) -> (i32, i32) {
    %c0_i32 = arith.constant 0 : i32
    %c0_i32_0 = arith.constant 0 : i32
    %c0_i32_1 = arith.constant 0 : i32
    return %c0_i32, %c0_i32_0 : i32, i32
  }
  func.func @transform_6(%arg0: i32) -> (i32, i32) {
    %c0_i32 = arith.constant 0 : i32
    %c0_i32_0 = arith.constant 0 : i32
    %c0_i32_1 = arith.constant 0 : i32
    return %c0_i32, %c0_i32_0 : i32, i32
  }
  func.func @transform_7(%arg0: i32) -> (i32, i32) {
    %c0_i32 = arith.constant 0 : i32
    %c0_i32_0 = arith.constant 0 : i32
    %c0_i32_1 = arith.constant 0 : i32
    return %c0_i32, %c0_i32_0 : i32, i32
  }
  func.func @transform_8(%arg0: i32) -> (i32, i32) {
    %c0_i32 = arith.constant 0 : i32
    %c0_i32_0 = arith.constant 0 : i32
    %c0_i32_1 = arith.constant 0 : i32
    return %c0_i32, %c0_i32_0 : i32, i32
  }
  func.func @transform_9(%arg0: i32) -> (i32, i32, i32) {
    %c0_i32 = arith.constant 0 : i32
    %c0_i32_0 = arith.constant 0 : i32
    %c0_i32_1 = arith.constant 0 : i32
    return %c0_i32, %arg0, %c0_i32_0 : i32, i32, i32
  }
  func.func @transform_10(%arg0: i32) -> (i32, i32) {
    %c0_i32 = arith.constant 0 : i32
    %c0_i32_0 = arith.constant 0 : i32
    return %arg0, %c0_i32 : i32, i32
  }
}

</mosaic_0001>

<sc_bundles>
// kernel: kernel.12.cloned.1.call-start
scs
__scs_entry_jumppad:
0x0: {  	(pc) =	sbr.rel $0x88, $3  }
0x1: {  	(tag) =	ssettag $0x0;
	lr =	simm.s32 $0x1  }
0x2: {  	[smem:$0x3F8F] =	sst lr;
	_ =	strace $0xD0000000  }
0x3: {  	_ = 	snop  }
0x4: {  	_ = 	snop  }
0x5: {  	_ = 	snop  }
0x6: {  	_ = 	snop  }
0x7: {  	_ = 	snop  }
__scs_overlays_trampoline_lowered:
0x8: {  	[smem:$0x3F9E] =	sst s0  }
0x9: {  	[smem:$0x3F9F] =	sst s1  }
0xa: {  	[smem:$0x3FA0] =	sst s2  }
0xb: {  	[smem:$0x3FA1] =	sst s3  }
0xc: {  	[smem:$0x3FA2] =	sst s4  }
0xd: {  	[smem:$0x3FA3] =	sst s5  }
0xe: {  	[smem:$0x3FA4] =	sst s6  }
0xf: {  	[smem:$0x3FA5] =	sst s7  }
0x10: {  	[smem:$0x3FA6] =	sst s8  }
0x11: {  	[smem:$0x3FA7] =	sst s9;
	s0 =	simm.s32 @!p0 $0x0  }
0x12: {  	s1 =	sld [smem:$0x3F8D];
	s0 =	simm.s32 @p0 $0x1  }
0x13: {  	[smem:$0x3FA8] =	sst s0;
	s0 =	simm.s32 @!p1 $0x0  }
0x14: {  	s2 =	sld [smem:$0x3F8C];
	s0 =	simm.s32 @p1 $0x1  }
0x15: {  	[smem:$0x3FA9] =	sst s0;
	s0 =	simm.s32 @!p2 $0x0  }
0x16: {  	s3 =	sld [smem:$0x3FDB];
	s0 =	simm.s32 @p2 $0x1  }
0x17: {  	s4 =	simm.s32 $0x1BF5;
	[smem:$0x3FAB] =	sst s0  }
0x18: {  	s0 =	sld [smem:$0x3F8E];
	_ =	swait.ge [sflag:s4], $0x0  }
0x19: {  	s7 =	sld [smem:$0x3F8F]  }
0x1a: {  	s8 =	sadd.s32 $0xFFFFE003, lr  }
0x1b: {  	s9 =	sadd.s32 $0xFFFFFEF7, lr;
	s5 =	simm.s32 $0xFFFFFFFF;
	p2 =	slt.u32 s8, $0xFFFFF086  }
0x1c: {  	p1 =	slt.u32 s9, $0xF7A;
	s5 =	simm.s32 @!p2 $0x0  }
0x1d: {  	s5 =	simm.s32 @p1 $0x1;
	p0 =	seq.s32 s7, s2  }
0x1e: {  	s7 =	smul.u32 @!p0 $0xF7A, s2;
	p2 =	seq.s32 @!p0 s5, $0x0  }
0x1f: {  	s9 =	smul.u32 $0xF7A, s1;
	s8 =	simm.s32 @!p0 $0x1BF5;
	p2 =	por !p2, p0  }
0x20: {  	[sflag:s8] =	ssyncset.s32 @!p0 $0xFFFFF086;
	s6 =	sadd.s32 @!p0 s3, s7;
	s7 =	simm.s32 @!p0 $0x108  }
0x21: {  	s3 =	sadd.s32 s3, s9;
	s6 =	sadd.s32 @!p0 $0x88, s6;
	s7 =	simm.s32 @p2 $0x1082  }
0x22: {  	[simem:s7], [sflag:s8] =	dma.local @!p0 [hbm:s6], $0xF7A  }
0x23: {  	s9 =	sor.u32 $0xD0000000, s2;
	s6 =	simm.s32 $0x108;
	_ =	swait.ge @!p0 [sflag:s8], $0x0  }
0x24: {  	s3 =	sadd.s32 $0x88, s3;
	s6 =	simm.s32 @!p1 $0x1082;
	[sflag:s4] =	ssyncset.s32 $0xFFFFF086  }
0x25: {  	[simem:s6], [sflag:s4] =	dma.local [hbm:s3], $0xF7A  }
0x26: {  	[smem:$0x3F8F] =	sst s1;
	(tag) =	ssettag s2;
	_ =	strace s9  }
0x27: {  	s1 =	sld [smem:$0x3F9F]  }
0x28: {  	s2 =	sld [smem:$0x3FA0]  }
0x29: {  	s4 =	sld [smem:$0x3FA2]  }
0x2a: {  	p0 =	seq.s32 s5, $0x0;
	s5 =	sld [smem:$0x3FA3]  }
0x2b: {  	s6 =	sld [smem:$0x3FA4]  }
0x2c: {  	s7 =	sld [smem:$0x3FA5]  }
0x2d: {  	s3 =	simm.s32 $0x108;
	s8 =	sld [smem:$0x3FA6]  }
0x2e: {  	s3 =	simm.s32 @!p0 $0x1082;
	s9 =	sld [smem:$0x3FA7]  }
0x2f: {  	lr =	sadd.s32 s0, s3;
	s0 =	sld [smem:$0x3F9E]  }
0x30: {  	s3 =	sld [smem:$0x3FA1]  }
0x31: {  	[smem:$0x3FAA] =	sst s10  }
0x32: {  	s10 =	sld [smem:$0x3FA8];
	_ =	sdelay $0x3  }
0x33: {  	p0 =	seq.s32 s10, $0x1;
	s10 =	sld [smem:$0x3FAA];
	_ =	sdelay $0x3  }
0x34: {  	[smem:$0x3FAA] =	sst s10  }
0x35: {  	s10 =	sld [smem:$0x3FA9];
	_ =	sdelay $0x3  }
0x36: {  	p1 =	seq.s32 s10, $0x1;
	s10 =	sld [smem:$0x3FAA];
	_ =	sdelay $0x3  }
0x37: {  	[smem:$0x3FAA] =	sst s10  }
0x38: {  	s10 =	sld [smem:$0x3FAB]  }
0x39: {  	_ = 	snop;
	(pc) =	sbr.ind lr, $3  }
0x3a: {  	_ = 	snop  }
0x3b: {  	_ = 	snop  }
0x3c: {  	p2 =	seq.s32 s10, $0x1;
	s10 =	sld [smem:$0x3FAA]  }
0x3d: {  	_ =	shalt  }
0x3e: {  	_ =	shalt  }
0x3f: {  	_ =	shalt  }
0x40: {  	_ =	shalt  }
0x41: {  	_ =	shalt  }
0x42: {  	_ =	shalt  }
0x43: {  	_ =	shalt  }
0x44: {  	_ =	shalt  }
0x45: {  	_ =	shalt  }
0x46: {  	_ =	shalt  }
0x47: {  	_ =	shalt  }
0x48: {  	_ =	shalt  }
0x49: {  	_ =	shalt  }
0x4a: {  	_ =	shalt  }
0x4b: {  	_ =	shalt  }
0x4c: {  	_ =	shalt  }
0x4d: {  	_ =	shalt  }
0x4e: {  	_ =	shalt  }
0x4f: {  	_ =	shalt  }
0x50: {  	_ =	shalt  }
0x51: {  	_ =	shalt  }
0x52: {  	_ =	shalt  }
0x53: {  	_ =	shalt  }
0x54: {  	_ =	shalt  }
0x55: {  	_ =	shalt  }
0x56: {  	_ =	shalt  }
0x57: {  	_ =	shalt  }
0x58: {  	_ =	shalt  }
0x59: {  	_ =	shalt  }
0x5a: {  	_ =	shalt  }
0x5b: {  	_ =	shalt  }
0x5c: {  	_ =	shalt  }
0x5d: {  	_ =	shalt  }
0x5e: {  	_ =	shalt  }
0x5f: {  	_ =	shalt  }
0x60: {  	_ =	shalt  }
0x61: {  	_ =	shalt  }
0x62: {  	_ =	shalt  }
0x63: {  	_ =	shalt  }
0x64: {  	_ =	shalt  }
0x65: {  	_ =	shalt  }
0x66: {  	_ =	shalt  }
0x67: {  	_ =	shalt  }
0x68: {  	_ =	shalt  }
0x69: {  	_ =	shalt  }
0x6a: {  	_ =	shalt  }
0x6b: {  	_ =	shalt  }
0x6c: {  	_ =	shalt  }
0x6d: {  	_ =	shalt  }
0x6e: {  	_ =	shalt  }
0x6f: {  	_ =	shalt  }
0x70: {  	_ =	shalt  }
0x71: {  	_ =	shalt  }
0x72: {  	_ =	shalt  }
0x73: {  	_ =	shalt  }
0x74: {  	_ =	shalt  }
0x75: {  	_ =	shalt  }
0x76: {  	_ =	shalt  }
0x77: {  	_ =	shalt  }
0x78: {  	_ =	shalt  }
0x79: {  	_ =	shalt  }
0x7a: {  	_ =	shalt  }
0x7b: {  	_ =	shalt  }
0x7c: {  	_ =	shalt  }
0x7d: {  	_ =	shalt  }
0x7e: {  	_ =	shalt  }
0x7f: {  	_ =	shalt  }
0x80: {  	_ =	shalt  }
0x81: {  	_ =	shalt  }
0x82: {  	_ =	shalt  }
0x83: {  	_ =	shalt  }
0x84: {  	_ =	shalt  }
0x85: {  	_ =	shalt  }
0x86: {  	_ =	shalt  }
0x87: {  	_ =	shalt  }
.Lfunc_end0:
.L_simem_size_0:
called_computation.1_lowered:
.L_overlay_start_0:
0x88: {  	s2 =	sld [smem:$0x3FD9]  }
0x89: {  	s3 =	sld [smem:$0x3FFE];
	_ =	sdelay $0x1  }
0x8a: {  	s1 =	srdreg.scid  }
0x8b: {  	s0 =	sand.u32 $0x1, s1  }
0x8c: {  	s17 =	sshll.u32 s0, $0xA;
	s2 =	sadd.s32 s3, s2  }
0x8d: {  	s2 =	sadd.s32 s2, s17  }
0x8e: {  	[smem:$0x3FB6] =	sst s2  }
0x8f: {  	_ = 	snop  }
0x90: {  	s18 =	sld [smem:$0x3FD0];
	(tm) =	ssettm $0x1  }
0x91: {  	s19 =	sld [smem:$0x3FFB];
	_ =	sdelay $0x3  }
0x92: {  	_ =	strace s19  }
0x93: {  	s2 =	sld [smem:$0x3FFC];
	_ =	sdelay $0x3  }
0x94: {  	_ =	strace s2  }
0x95: {  	s2 =	sld [smem:$0x3FFD];
	_ =	sdelay $0x3  }
0x96: {  	_ =	strace s2  }
0x97: {  	_ =	strace $0x8FFFFFFF  }
0x98: {  	s20 =	sld [smem:$0x3FDB];
	_ =	sdelay $0x1  }
0x99: {  	s4 =	simm.s32 $_scs_section_size  }
0x9a: {  	s5 =	simm.s32 $_size__tile_overlayer_lowered;
	s6 =	simm.s32 $_tile_overlayer_lowered  }
0x9b: {  	s7 =	simm.s32 $0x1BFF;
	s21 =	sshll.u32 s6, $0x1;
	s4 =	sadd.s32 s4, s20  }
0x9c: {  	s22 =	simm.s32 $0x0;
	s5 =	sshll.u32 s5, $0x1;
	s6 =	sadd.s32 s21, s4  }
0x9d: {  	[timem:s22], [sflag:s7] =	dma.local [hbm:s6], s5  }
0x9e: {  	_ =	swait.ge [sflag:s7], s5  }
0x9f: {  	s5 =	ssub.s32 $0x0, s5;
	[sflag:s7] =	ssyncset.done $0x0  }
0xa0: {  	[sflag:s7] =	ssyncadd.s32 s5;
	_ =	sdelay $0x1  }
0xa1: {  	s23 =	simm.s32 $0x1B8B  }
0xa2: {  	_ =	swait.ge [sflag:s23], $0x1  }
0xa3: {  	[sflag:s23] =	ssyncset.done $0x0  }
0xa4: {  	[sflag:s23] =	ssyncadd.s32 $0xFFFFFFFF  }
0xa5: {  	s5 =	sld [smem:$0x0]  }
0xa6: {  	s6 =	sand.u32 $0xFFFFFFFE, s1  }
0xa7: {  	p0 =	sne.s32 s1, s6  }
0xa8: {  	s6 =	sshll.u32 @p0 s6, $0xE  }
0xa9: {  	s6 =	sadd.s32 @p0 $0x11B8D, s6;
	s7 =	sshll.u32 @p0 s5, $0x11  }
0xaa: {  	s6 =	sor.u32 @p0 s7, s6  }
0xab: {  	[sflag:s6] =	ssyncadd.remote.s32 @p0 $0x1;
	_ =	sdelay $0x1  }
0xac: {  	s6 =	simm.s32 @p0 $0x1B8D  }
0xad: {  	_ =	swait.eq @p0 [sflag:s6], $0x1  }
0xae: {  	[sflag:s6] =	ssyncadd.s32 @p0 $0xFFFFFFFF  }
0xaf: {  	s7 =	sshll.u32 @!p0 s1, $0xE  }
0xb0: {  	s7 =	sor.u32 @!p0 $0x4000, s7;
	s6 =	simm.s32 @!p0 $0x1B8D  }
0xb1: {  	s5 =	sshll.u32 @!p0 s5, $0x11;
	s7 =	sadd.s32 @!p0 $0x11B8D, s7;
	_ =	swait.eq @!p0 [sflag:s6], $0x1  }
0xb2: {  	s5 =	sor.u32 @!p0 s5, s7;
	[sflag:s6] =	ssyncadd.s32 @!p0 $0xFFFFFFFF  }
0xb3: {  	s25 =	simm.s32 $0x1B8E;
	s24 =	sld [smem:$0x3FFE];
	[sflag:s5] =	ssyncadd.remote.s32 @!p0 $0x1  }
0xb4: {  	s26 =	simm.s32 $execute0_lowered;
	[smem:$0x3FD2] =	sst s25  }
0xb5: {  	s6 =	sshll.u32 s26, $0x1;
	_ =	strace $0x80000049;
	[dreg:$0x1] =	wrdreg $0xFFFFFFFF  }
0xb6: {  	s28 =	simm.s32 $_size_execute0_lowered;
	s4 =	sadd.s32 s4, s6;
	[dreg:$0x0] =	wrdreg $0x0  }
0xb7: {  	s6 =	sshll.u32 s28, $0x1;
	[dreg:$0x2] =	wrdreg s4  }
0xb8: {  	[dreg:$0x3] =	wrdreg s6  }
0xb9: {  	[dreg:$0x4] =	wrdreg $0xC0  }
0xba: {  	_ =	task [dreg:s22], $0x5FFFF  }
0xbb: {  	[dreg:$0x1] =	wrdreg $0xFFFFFFFF  }
0xbc: {  	[dreg:$0x0] =	wrdreg $0x60  }
0xbd: {  	[dreg:$0x2] =	wrdreg s24  }
0xbe: {  	[dreg:$0x3] =	wrdreg s18  }
0xbf: {  	[dreg:$0x4] =	wrdreg $0x0  }
0xc0: {  	[dreg:$0x5] =	wrdreg $0x9  }
0xc1: {  	_ =	task.clear_ibuf [dreg:s22], $0x6FFFF;
	_ =	strace $0x90000049  }
0xc2: {  	s29 =	simm.s32 $0x9;
	_ =	strace $0x8000004B  }
0xc3: {  	_ =	swait.ge [sflag:s29], $0x1  }
0xc4: {  	[sflag:s29] =	ssyncadd.s32 $0xFFFFFFFF  }
0xc5: {  	_ =	strace $0x9000004B  }
0xc6: {  	_ =	sfence  }
0xc7: {  	s30 =	sld [smem:$0x0];
	_ =	sdelay $0x2  }
0xc8: {  	s31 =	sshll.u32 s1, $0xD;
	s1 =	sshrl.u32 s1, $0x2  }
0xc9: {  	s4 =	sand.u32 $0x4000, s31;
	s1 =	sadd.s32 s1, s30  }
0xca: {  	s0 =	sor.u32 s4, s0;
	s1 =	sshll.u32 s1, $0x11  }
0xcb: {  	s0 =	sor.u32 s1, s0  }
0xcc: {  	s0 =	sadd.s32 $0x8F2B, s0  }
0xcd: {  	[sflag:s0] =	ssyncadd.remote.s32 $0x1  }
0xce: {  	_ =	sfence.sel $0xFFFF  }
0xcf: {  	[dreg:$0x0] =	wrdreg $0xFFFFFFFF;
	(pc) =	sbr.abs _section_cstart, $3  }
0xd0: {  	[dreg:$0x1] =	wrdreg $0xFFFFFFFF  }
0xd1: {  	_ =	task.clear_ibuf [dreg:s22], $0x2FFFF;
	_ =	strace $0x9FFFFFFF  }
0xd2: {  	(tm) =	ssettm $0x7FFFFFFF  }
0xd3: {  	_ =	shalt  }
tec
execute0_lowered:
.L_overlay_start_1:
0x0: {  	(tag) =	ssettag $0x1  }
0x1: {  	s6 =	rddreg [dreg:$0x0]  }
0x2: {  	s1 =	rddreg [dreg:$0x1]  }
0x3: {  	s2 =	rddreg [dreg:$0x2]  }
0x4: {  	s0 =	rddreg [dreg:$0x3];
	s4 =	simm.s32 $0x0  }
0x5: {  	s5 =	srdreg.scid;
	s3 =	stileid.u32;
	s16 =	simm.s32 $0x18800  }
0x6: {  	s17 =	simm.s32 $0x18880;
	s18 =	simm.s32 $0x1;
	s19 =	simm.s32 $0x80  }
0x7: {  	s20 =	simm.s32 $0x4;
	s21 =	simm.s32 $0x2;
	s22 =	simm.s32 $0x0  }
0x8: {  	[smem:$0x7FF] =	sst s4;
	s7 =	sand.u32 $0x1, s5;
	s8 =	smul.u32 $0x18800, s3  }
0x9: {  	s23 =	sshll.u32 s3, $0x1;
	s11 =	sadd.s32 $0x1E5800, s6;
	s13 =	smul.u32 $0xC400, s3  }
0xa: {  	s5 =	sadd.s32 $0x1FE000, s6;
	s31 =	sshll.u32 s3, $0x6;
	s9 =	smul.u32 $0x188000, s7  }
0xb: {  	s10 =	sor.u32 s7, s23;
	s12 =	ssub.s32 $0x2, s7;
	s7 =	smul.u32 $0x6200, s7  }
0xc: {  	_ =	strace $0x8000004A;
	s10 =	smul.u32 $0x6200, s10;
	s14 =	sshrl.u32 s12, $0x1  }
0xd: {  	s15 =	sadd.s32 s8, s2;
	s9 =	sadd.s32 s8, s9;
	s12 =	ssub.s32 s12, s14  }
0xe: {  	s25 =	sadd.s32 s7, s13;
	s13 =	simm.s32 $0x3;
	s14 =	sor.u32 $0x1C03, s31  }
0xf: {  	s15 =	sshrl.u32 s15, $0x3;
	s9 =	sshrl.u32 s9, $0x3;
	s24 =	sshrl.u32 s10, $0x3  }
0x10: {  	s26 =	sor.u32 $0x100, s25;
	s28 =	sor.u32 $0x80, s25;
	s8 =	smax.u32 s12, $0x1  }
0x11: {  	s12 =	simm.s32 $0x18900;
	s9 =	sadd.s32 s9, s6;
	s6 =	sadd.s32 s11, s24  }
0x12: {  	s29 =	sshrl.u32 s26, $0x3;
	s30 =	sshrl.u32 s28, $0x3;
	s7 =	sadd.s32 $0x201200, s9  }
0x13: {  	s9 =	sadd.s32 $0xC30, s6;
	s10 =	sadd.s32 s29, s11;
	s11 =	sadd.s32 s30, s11  }
.LBB2_1:
0x14: {  	[tilespmem:s12], [sflag:$0x3] =	stream.linear.gather [hbm4b:s1+s4], $0x1000, $0x38;
	[tilespmem:$0x19900] =	vst v63  }
0x15: {  	_ =	swait.ge [sflag:s13], $0x1000  }
0x16: {  	[sflag:s13] =	ssyncset.done $0x0  }
0x17: {  	[sflag:s13] =	ssyncadd.s32 $0xFFFFF000  }
0x18: {  	[spmem:s15], [sflag:s14] =	dma.local [hbm:s5], $0x3100  }
0x19: {  	_ =	swait.ge [sflag:s13], $0x3100  }
0x1a: {  	[sflag:s13] =	ssyncset.done $0x0  }
0x1b: {  	[sflag:s13] =	ssyncadd.s32 $0xFFFFCF00  }
0x1c: {  	[bflag:$0x0] =	sbarrier.arrive $0xFFFF  }
0x1d: {  	[tilespmem:s16], [sflag:$0x1] =	stream.linear.gather [hbm4b:s6+s4], $0x80, $0x38;
	[tilespmem:$0x19900] =	vst v63  }
0x1e: {  	s23 =	sadd.s32 $0x0, s11  }
0x1f: {  	[tilespmem:s17], [sflag:$0x2] =	stream.linear.gather [hbm4b:s23+s4], $0x80, $0x38;
	[tilespmem:$0x19900] =	vst v63  }
0x20: {  	_ =	swait.ge [sflag:s18], $0x80  }
0x21: {  	[sflag:s18] =	ssyncset.done $0x0  }
0x22: {  	[sflag:s18] =	ssyncadd.s32 $0xFFFFFF80  }
0x23: {  	[spmem:s2] =	stream.indirect.scatter.add.f32 [tilespmem:s12], [sflag:$0x4], $0x20, s16, s19, $0xb8;
	[tilespmem:$0x19900] =	vst v63  }
0x24: {  	_ =	swait.ge [sflag:s20], $0x1000  }
0x25: {  	[sflag:s20] =	ssyncset.done $0x0  }
0x26: {  	s31 =	sadd.s32 $0x0, s10;
	[sflag:s20] =	ssyncadd.s32 $0xFFFFF000  }
0x27: {  	[tilespmem:s16], [sflag:$0x1] =	stream.linear.gather [hbm4b:s31+s4], $0x80, $0x38;
	[tilespmem:$0x19900] =	vst v63  }
0x28: {  	_ =	swait.ge [sflag:s21], $0x80  }
0x29: {  	[sflag:s21] =	ssyncset.done $0x0  }
0x2a: {  	[sflag:s21] =	ssyncadd.s32 $0xFFFFFF80  }
0x2b: {  	[spmem:s2] =	stream.indirect.scatter.add.f32 [tilespmem:s12], [sflag:$0x3], $0x20, s17, s19, $0xb8;
	[tilespmem:$0x19900] =	vst v63  }
0x2c: {  	_ =	swait.ge [sflag:s13], $0x1000  }
0x2d: {  	s24 =	simm.s32 $0x40;
	s23 =	simm.s32 $0x20;
	[sflag:s13] =	ssyncset.done $0x0  }
.LBB2_2:
0x2e: {  	s25 =	sadd.s32 s23, s11  }
0x2f: {  	[sflag:s13] =	ssyncadd.s32 $0xFFFFF000;
	s26 =	smov.u32 s24;
	s28 =	sadd.s32 $0x20, s24  }
0x30: {  	[tilespmem:s17], [sflag:$0x2] =	stream.linear.gather [hbm4b:s25+s4], $0x80, $0x38;
	[tilespmem:$0x19900] =	vst v63  }
0x31: {  	p0 =	sne.s32 s24, $0xC00;
	_ =	swait.ge [sflag:s18], $0x80  }
0x32: {  	[sflag:s18] =	ssyncset.done $0x0  }
0x33: {  	[sflag:s18] =	ssyncadd.s32 $0xFFFFFF80  }
0x34: {  	[spmem:s2] =	stream.indirect.scatter.add.f32 [tilespmem:s12], [sflag:$0x4], $0x20, s16, s19, $0xb8;
	[tilespmem:$0x19900] =	vst v63  }
0x35: {  	_ =	swait.ge [sflag:s20], $0x1000  }
0x36: {  	[sflag:s20] =	ssyncset.done $0x0  }
0x37: {  	s24 =	sadd.s32 s23, s10;
	s23 =	smov.u32 s26;
	[sflag:s20] =	ssyncadd.s32 $0xFFFFF000  }
0x38: {  	[tilespmem:s16], [sflag:$0x1] =	stream.linear.gather [hbm4b:s24+s4], $0x80, $0x38;
	[tilespmem:$0x19900] =	vst v63  }
0x39: {  	_ =	swait.ge [sflag:s21], $0x80  }
.Ltmp0:
0x3a: {  	[sflag:s21] =	ssyncset.done $0x0;
	(pc) =	sbr.rel @p0 .LBB2_2-.Ltmp0, $4  }
0x3b: {  	[sflag:s21] =	ssyncadd.s32 $0xFFFFFF80  }
0x3c: {  	[spmem:s2] =	stream.indirect.scatter.add.f32 [tilespmem:s12], [sflag:$0x3], $0x20, s17, s19, $0xb8;
	[tilespmem:$0x19900] =	vst v63  }
0x3d: {  	_ =	swait.ge [sflag:s13], $0x1000  }
0x3e: {  	s24 =	smov.u32 s28;
	[sflag:s13] =	ssyncset.done $0x0  }
0x3f: {  	s24 =	sadd.s32 s23, s11;
	[sflag:s13] =	ssyncadd.s32 $0xFFFFF000  }
0x40: {  	[tilespmem:s17], [sflag:$0x2] =	stream.linear.gather [hbm4b:s24+s4], $0x80, $0x38;
	[tilespmem:$0x19900] =	vst v63  }
0x41: {  	_ =	swait.ge [sflag:s18], $0x80  }
0x42: {  	[sflag:s18] =	ssyncset.done $0x0  }
0x43: {  	[sflag:s18] =	ssyncadd.s32 $0xFFFFFF80  }
0x44: {  	[spmem:s2] =	stream.indirect.scatter.add.f32 [tilespmem:s12], [sflag:$0x4], $0x20, s16, s19, $0xb8;
	[tilespmem:$0x19900] =	vst v63  }
0x45: {  	_ =	swait.ge [sflag:s20], $0x1000  }
0x46: {  	[sflag:s20] =	ssyncset.done $0x0  }
0x47: {  	s31 =	sadd.s32 s23, s10;
	[sflag:s20] =	ssyncadd.s32 $0xFFFFF000  }
0x48: {  	[tilespmem:s16], [sflag:$0x1] =	stream.linear.gather [hbm4b:s31+s4], $0x80, $0x38;
	[tilespmem:$0x19900] =	vst v63  }
0x49: {  	_ =	swait.ge [sflag:s21], $0x80  }
0x4a: {  	[sflag:s21] =	ssyncset.done $0x0  }
0x4b: {  	[sflag:s21] =	ssyncadd.s32 $0xFFFFFF80  }
0x4c: {  	[spmem:s2] =	stream.indirect.scatter.add.f32 [tilespmem:s12], [sflag:$0x3], $0x20, s17, s19, $0xb8;
	[tilespmem:$0x19900] =	vst v63  }
0x4d: {  	_ =	swait.ge [sflag:s13], $0x1000  }
0x4e: {  	[sflag:s13] =	ssyncset.done $0x0  }
0x4f: {  	[sflag:s13] =	ssyncadd.s32 $0xFFFFF000  }
0x50: {  	[tilespmem:s17], [sflag:$0x2] =	stream.linear.gather [hbm4b:s9+s4], $0x80, $0x38;
	[tilespmem:$0x19900] =	vst v63  }
0x51: {  	_ =	swait.ge [sflag:s18], $0x80  }
0x52: {  	[sflag:s18] =	ssyncset.done $0x0  }
0x53: {  	[sflag:s18] =	ssyncadd.s32 $0xFFFFFF80  }
0x54: {  	[spmem:s2] =	stream.indirect.scatter.add.f32 [tilespmem:s12], [sflag:$0x4], $0x20, s16, s19, $0xb8;
	[tilespmem:$0x19900] =	vst v63  }
0x55: {  	_ =	swait.ge [sflag:s20], $0x1000  }
0x56: {  	[sflag:s20] =	ssyncset.done $0x0  }
0x57: {  	[sflag:s20] =	ssyncadd.s32 $0xFFFFF000  }
0x58: {  	_ =	swait.ge [sflag:s21], $0x80  }
0x59: {  	[sflag:s21] =	ssyncset.done $0x0  }
0x5a: {  	[sflag:s21] =	ssyncadd.s32 $0xFFFFFF80  }
0x5b: {  	[spmem:s2] =	stream.indirect.scatter.add.f32 [tilespmem:s12], [sflag:$0x3], $0x20, s17, s19, $0xb8;
	[tilespmem:$0x19900] =	vst v63  }
0x5c: {  	_ =	swait.ge [sflag:s13], $0x1000  }
0x5d: {  	s22 =	sadd.s32 $0x1, s22;
	[sflag:s13] =	ssyncset.done $0x0  }
0x5e: {  	p0 =	sne.s32 s22, s8;
	[sflag:s13] =	ssyncadd.s32 $0xFFFFF000  }
.Ltmp1:
0x5f: {  	[bflag:$0x0] =	sbarrier.arrive $0xFFFF;
	(pc) =	sbr.rel @p0 .LBB2_1-.Ltmp1, $4  }
0x60: {  	[hbm:s7], [sflag:s14] =	dma.local [spmem:s15], $0x3100  }
0x61: {  	_ =	swait.ge [sflag:s13], $0x3100  }
0x62: {  	[sflag:s13] =	ssyncset.done $0x0  }
0x63: {  	[sflag:s13] =	ssyncadd.s32 $0xFFFFCF00  }
0x64: {  	_ =	sfence.sel $0x180000  }
0x65: {  	[bflag:$0x0] =	sbarrier.arrive $0xFFFF  }
0x66: {  	p0 =	sne.s32 s3, $0x0;
	_ =	strace $0x9000004A  }
0x67: {  	s0 =	sadd.s32 @!p0 $0x100000, s0;
	[bflag:$0x2] =	sbarrier.arrive $0xFFFF  }
0x68: {  	[sflag:s0] =	ssyncadd.tile.s32 @!p0 $0x1;
	_ =	shalt  }
.Lfunc_end2:
_tile_overlayer_lowered:
.L_overlay_start_2:
0x69: {  	(tag) =	ssettag $0x2  }
0x6a: {  	s0 =	rddreg [dreg:$0x0];
	s2 =	stileid.u32  }
0x6b: {  	s1 =	rddreg [dreg:$0x1];
	p0 =	sne.s32 s2, $0x0  }
0x6c: {  	s3 =	rddreg [dreg:$0x2];
	[bflag:$0x3] =	sbarrier.arrive $0xFFFF;
	s2 =	simm.s32 @!p0 $0x1C03  }
0x6d: {  	[timem:s3], [sflag:s2] =	dma.local @!p0 [hbm:s0], s1  }
0x6e: {  	s0 =	simm.s32 @!p0 $0x3  }
0x6f: {  	_ =	swait.ge @!p0 [sflag:s0], s1  }
0x70: {  	s1 =	ssub.s32 @!p0 $0x0, s1;
	[sflag:s0] =	ssyncset.done @!p0 $0x0  }
0x71: {  	[sflag:s0] =	ssyncadd.s32 @!p0 s1  }
0x72: {  	[bflag:$0x3] =	sbarrier.arrive $0xFFFF  }
0x73: {  	_ =	shalt  }

// kernel: kernel.15.cloned.1.call-start
scs
__scs_entry_jumppad:
0x0: {  	(pc) =	sbr.rel $0x88, $3  }
0x1: {  	(tag) =	ssettag $0x0;
	lr =	simm.s32 $0x1  }
0x2: {  	[smem:$0x3F8F] =	sst lr;
	_ =	strace $0xD0000000  }
0x3: {  	_ = 	snop  }
0x4: {  	_ = 	snop  }
0x5: {  	_ = 	snop  }
0x6: {  	_ = 	snop  }
0x7: {  	_ = 	snop  }
__scs_overlays_trampoline_lowered:
0x8: {  	[smem:$0x3F9E] =	sst s0  }
0x9: {  	[smem:$0x3F9F] =	sst s1  }
0xa: {  	[smem:$0x3FA0] =	sst s2  }
0xb: {  	[smem:$0x3FA1] =	sst s3  }
0xc: {  	[smem:$0x3FA2] =	sst s4  }
0xd: {  	[smem:$0x3FA3] =	sst s5  }
0xe: {  	[smem:$0x3FA4] =	sst s6  }
0xf: {  	[smem:$0x3FA5] =	sst s7  }
0x10: {  	[smem:$0x3FA6] =	sst s8  }
0x11: {  	[smem:$0x3FA7] =	sst s9;
	s0 =	simm.s32 @!p0 $0x0  }
0x12: {  	s1 =	sld [smem:$0x3F8D];
	s0 =	simm.s32 @p0 $0x1  }
0x13: {  	[smem:$0x3FA8] =	sst s0;
	s0 =	simm.s32 @!p1 $0x0  }
0x14: {  	s2 =	sld [smem:$0x3F8C];
	s0 =	simm.s32 @p1 $0x1  }
0x15: {  	[smem:$0x3FA9] =	sst s0;
	s0 =	simm.s32 @!p2 $0x0  }
0x16: {  	s3 =	sld [smem:$0x3FDB];
	s0 =	simm.s32 @p2 $0x1  }
0x17: {  	s4 =	simm.s32 $0x1BF5;
	[smem:$0x3FAB] =	sst s0  }
0x18: {  	s0 =	sld [smem:$0x3F8E];
	_ =	swait.ge [sflag:s4], $0x0  }
0x19: {  	s7 =	sld [smem:$0x3F8F]  }
0x1a: {  	s8 =	sadd.s32 $0xFFFFE003, lr  }
0x1b: {  	s9 =	sadd.s32 $0xFFFFFEF7, lr;
	s5 =	simm.s32 $0xFFFFFFFF;
	p2 =	slt.u32 s8, $0xFFFFF086  }
0x1c: {  	p1 =	slt.u32 s9, $0xF7A;
	s5 =	simm.s32 @!p2 $0x0  }
0x1d: {  	s5 =	simm.s32 @p1 $0x1;
	p0 =	seq.s32 s7, s2  }
0x1e: {  	s7 =	smul.u32 @!p0 $0xF7A, s2;
	p2 =	seq.s32 @!p0 s5, $0x0  }
0x1f: {  	s9 =	smul.u32 $0xF7A, s1;
	s8 =	simm.s32 @!p0 $0x1BF5;
	p2 =	por !p2, p0  }
0x20: {  	[sflag:s8] =	ssyncset.s32 @!p0 $0xFFFFF086;
	s6 =	sadd.s32 @!p0 s3, s7;
	s7 =	simm.s32 @!p0 $0x108  }
0x21: {  	s3 =	sadd.s32 s3, s9;
	s6 =	sadd.s32 @!p0 $0x88, s6;
	s7 =	simm.s32 @p2 $0x1082  }
0x22: {  	[simem:s7], [sflag:s8] =	dma.local @!p0 [hbm:s6], $0xF7A  }
0x23: {  	s9 =	sor.u32 $0xD0000000, s2;
	s6 =	simm.s32 $0x108;
	_ =	swait.ge @!p0 [sflag:s8], $0x0  }
0x24: {  	s3 =	sadd.s32 $0x88, s3;
	s6 =	simm.s32 @!p1 $0x1082;
	[sflag:s4] =	ssyncset.s32 $0xFFFFF086  }
0x25: {  	[simem:s6], [sflag:s4] =	dma.local [hbm:s3], $0xF7A  }
0x26: {  	[smem:$0x3F8F] =	sst s1;
	(tag) =	ssettag s2;
	_ =	strace s9  }
0x27: {  	s1 =	sld [smem:$0x3F9F]  }
0x28: {  	s2 =	sld [smem:$0x3FA0]  }
0x29: {  	s4 =	sld [smem:$0x3FA2]  }
0x2a: {  	p0 =	seq.s32 s5, $0x0;
	s5 =	sld [smem:$0x3FA3]  }
0x2b: {  	s6 =	sld [smem:$0x3FA4]  }
0x2c: {  	s7 =	sld [smem:$0x3FA5]  }
0x2d: {  	s3 =	simm.s32 $0x108;
	s8 =	sld [smem:$0x3FA6]  }
0x2e: {  	s3 =	simm.s32 @!p0 $0x1082;
	s9 =	sld [smem:$0x3FA7]  }
0x2f: {  	lr =	sadd.s32 s0, s3;
	s0 =	sld [smem:$0x3F9E]  }
0x30: {  	s3 =	sld [smem:$0x3FA1]  }
0x31: {  	[smem:$0x3FAA] =	sst s10  }
0x32: {  	s10 =	sld [smem:$0x3FA8];
	_ =	sdelay $0x3  }
0x33: {  	p0 =	seq.s32 s10, $0x1;
	s10 =	sld [smem:$0x3FAA];
	_ =	sdelay $0x3  }
0x34: {  	[smem:$0x3FAA] =	sst s10  }
0x35: {  	s10 =	sld [smem:$0x3FA9];
	_ =	sdelay $0x3  }
0x36: {  	p1 =	seq.s32 s10, $0x1;
	s10 =	sld [smem:$0x3FAA];
	_ =	sdelay $0x3  }
0x37: {  	[smem:$0x3FAA] =	sst s10  }
0x38: {  	s10 =	sld [smem:$0x3FAB]  }
0x39: {  	_ = 	snop;
	(pc) =	sbr.ind lr, $3  }
0x3a: {  	_ = 	snop  }
0x3b: {  	_ = 	snop  }
0x3c: {  	p2 =	seq.s32 s10, $0x1;
	s10 =	sld [smem:$0x3FAA]  }
0x3d: {  	_ =	shalt  }
0x3e: {  	_ =	shalt  }
0x3f: {  	_ =	shalt  }
0x40: {  	_ =	shalt  }
0x41: {  	_ =	shalt  }
0x42: {  	_ =	shalt  }
0x43: {  	_ =	shalt  }
0x44: {  	_ =	shalt  }
0x45: {  	_ =	shalt  }
0x46: {  	_ =	shalt  }
0x47: {  	_ =	shalt  }
0x48: {  	_ =	shalt  }
0x49: {  	_ =	shalt  }
0x4a: {  	_ =	shalt  }
0x4b: {  	_ =	shalt  }
0x4c: {  	_ =	shalt  }
0x4d: {  	_ =	shalt  }
0x4e: {  	_ =	shalt  }
0x4f: {  	_ =	shalt  }
0x50: {  	_ =	shalt  }
0x51: {  	_ =	shalt  }
0x52: {  	_ =	shalt  }
0x53: {  	_ =	shalt  }
0x54: {  	_ =	shalt  }
0x55: {  	_ =	shalt  }
0x56: {  	_ =	shalt  }
0x57: {  	_ =	shalt  }
0x58: {  	_ =	shalt  }
0x59: {  	_ =	shalt  }
0x5a: {  	_ =	shalt  }
0x5b: {  	_ =	shalt  }
0x5c: {  	_ =	shalt  }
0x5d: {  	_ =	shalt  }
0x5e: {  	_ =	shalt  }
0x5f: {  	_ =	shalt  }
0x60: {  	_ =	shalt  }
0x61: {  	_ =	shalt  }
0x62: {  	_ =	shalt  }
0x63: {  	_ =	shalt  }
0x64: {  	_ =	shalt  }
0x65: {  	_ =	shalt  }
0x66: {  	_ =	shalt  }
0x67: {  	_ =	shalt  }
0x68: {  	_ =	shalt  }
0x69: {  	_ =	shalt  }
0x6a: {  	_ =	shalt  }
0x6b: {  	_ =	shalt  }
0x6c: {  	_ =	shalt  }
0x6d: {  	_ =	shalt  }
0x6e: {  	_ =	shalt  }
0x6f: {  	_ =	shalt  }
0x70: {  	_ =	shalt  }
0x71: {  	_ =	shalt  }
0x72: {  	_ =	shalt  }
0x73: {  	_ =	shalt  }
0x74: {  	_ =	shalt  }
0x75: {  	_ =	shalt  }
0x76: {  	_ =	shalt  }
0x77: {  	_ =	shalt  }
0x78: {  	_ =	shalt  }
0x79: {  	_ =	shalt  }
0x7a: {  	_ =	shalt  }
0x7b: {  	_ =	shalt  }
0x7c: {  	_ =	shalt  }
0x7d: {  	_ =	shalt  }
0x7e: {  	_ =	shalt  }
0x7f: {  	_ =	shalt  }
0x80: {  	_ =	shalt  }
0x81: {  	_ =	shalt  }
0x82: {  	_ =	shalt  }
0x83: {  	_ =	shalt  }
0x84: {  	_ =	shalt  }
0x85: {  	_ =	shalt  }
0x86: {  	_ =	shalt  }
0x87: {  	_ =	shalt  }
.Lfunc_end0:
.L_simem_size_0:
called_computation.2_lowered:
.L_overlay_start_0:
0x88: {  	s2 =	sld [smem:$0x3FD9]  }
0x89: {  	s3 =	sld [smem:$0x3FFE];
	_ =	sdelay $0x1  }
0x8a: {  	s1 =	srdreg.scid  }
0x8b: {  	s0 =	sand.u32 $0x1, s1  }
0x8c: {  	s17 =	sshll.u32 s0, $0xA;
	s2 =	sadd.s32 s3, s2  }
0x8d: {  	s2 =	sadd.s32 s2, s17  }
0x8e: {  	[smem:$0x3FB6] =	sst s2  }
0x8f: {  	_ = 	snop  }
0x90: {  	(tm) =	ssettm $0x1  }
0x91: {  	s18 =	sld [smem:$0x3FFB];
	_ =	sdelay $0x3  }
0x92: {  	_ =	strace s18  }
0x93: {  	s2 =	sld [smem:$0x3FFC];
	_ =	sdelay $0x3  }
0x94: {  	_ =	strace s2  }
0x95: {  	s2 =	sld [smem:$0x3FFD];
	_ =	sdelay $0x3  }
0x96: {  	_ =	strace s2  }
0x97: {  	_ =	strace $0x8FFFFFFF  }
0x98: {  	s19 =	sld [smem:$0x3FDB];
	_ =	sdelay $0x1  }
0x99: {  	s20 =	simm.s32 $_scs_section_size  }
0x9a: {  	s4 =	simm.s32 $_size__tile_overlayer_lowered;
	s5 =	simm.s32 $_tile_overlayer_lowered  }
0x9b: {  	s6 =	simm.s32 $0x1BFF;
	s21 =	sshll.u32 s5, $0x1;
	s3 =	sadd.s32 s20, s19  }
0x9c: {  	s22 =	simm.s32 $0x0;
	s4 =	sshll.u32 s4, $0x1;
	s5 =	sadd.s32 s21, s3  }
0x9d: {  	[timem:s22], [sflag:s6] =	dma.local [hbm:s5], s4  }
0x9e: {  	_ =	swait.ge [sflag:s6], s4  }
0x9f: {  	s4 =	ssub.s32 $0x0, s4;
	[sflag:s6] =	ssyncset.done $0x0  }
0xa0: {  	[sflag:s6] =	ssyncadd.s32 s4;
	_ =	sdelay $0x1  }
0xa1: {  	s23 =	simm.s32 $0x1B8B  }
0xa2: {  	_ =	swait.ge [sflag:s23], $0x1  }
0xa3: {  	[sflag:s23] =	ssyncset.done $0x0  }
0xa4: {  	[sflag:s23] =	ssyncadd.s32 $0xFFFFFFFF  }
0xa5: {  	s4 =	sld [smem:$0x0]  }
0xa6: {  	s5 =	sand.u32 $0xFFFFFFFE, s1  }
0xa7: {  	p0 =	sne.s32 s1, s5  }
0xa8: {  	s5 =	sshll.u32 @p0 s5, $0xE  }
0xa9: {  	s5 =	sadd.s32 @p0 $0x11B8D, s5;
	s6 =	sshll.u32 @p0 s4, $0x11  }
0xaa: {  	s5 =	sor.u32 @p0 s6, s5  }
0xab: {  	[sflag:s5] =	ssyncadd.remote.s32 @p0 $0x1;
	_ =	sdelay $0x1  }
0xac: {  	s5 =	simm.s32 @p0 $0x1B8D  }
0xad: {  	_ =	swait.eq @p0 [sflag:s5], $0x1  }
0xae: {  	[sflag:s5] =	ssyncadd.s32 @p0 $0xFFFFFFFF  }
0xaf: {  	s6 =	sshll.u32 @!p0 s1, $0xE  }
0xb0: {  	s6 =	sor.u32 @!p0 $0x4000, s6;
	s5 =	simm.s32 @!p0 $0x1B8D  }
0xb1: {  	s4 =	sshll.u32 @!p0 s4, $0x11;
	s6 =	sadd.s32 @!p0 $0x11B8D, s6;
	_ =	swait.eq @!p0 [sflag:s5], $0x1  }
0xb2: {  	s4 =	sor.u32 @!p0 s4, s6;
	[sflag:s5] =	ssyncadd.s32 @!p0 $0xFFFFFFFF  }
0xb3: {  	s25 =	simm.s32 $0x1B8E;
	s24 =	sld [smem:$0x3FFE];
	[sflag:s4] =	ssyncadd.remote.s32 @!p0 $0x1  }
0xb4: {  	s26 =	simm.s32 $execute0_lowered;
	[smem:$0x3FD2] =	sst s25  }
0xb5: {  	s5 =	sshll.u32 s26, $0x1;
	_ =	strace $0x8000004C;
	[dreg:$0x1] =	wrdreg $0xFFFFFFFF  }
0xb6: {  	s28 =	simm.s32 $_size_execute0_lowered;
	s3 =	sadd.s32 s3, s5;
	[dreg:$0x0] =	wrdreg $0x0  }
0xb7: {  	s5 =	sshll.u32 s28, $0x1;
	[dreg:$0x2] =	wrdreg s3  }
0xb8: {  	[dreg:$0x3] =	wrdreg s5  }
0xb9: {  	[dreg:$0x4] =	wrdreg $0xC0  }
0xba: {  	_ =	task [dreg:s22], $0x5FFFF  }
0xbb: {  	[dreg:$0x1] =	wrdreg $0xFFFFFFFF  }
0xbc: {  	[dreg:$0x0] =	wrdreg $0x60  }
0xbd: {  	[dreg:$0x2] =	wrdreg s24  }
0xbe: {  	[dreg:$0x3] =	wrdreg $0x0  }
0xbf: {  	[dreg:$0x4] =	wrdreg $0xA  }
0xc0: {  	_ =	task.clear_ibuf [dreg:s22], $0x5FFFF;
	_ =	strace $0x9000004C  }
0xc1: {  	s29 =	simm.s32 $0xA;
	_ =	strace $0x8000004E  }
0xc2: {  	_ =	swait.ge [sflag:s29], $0x1  }
0xc3: {  	[sflag:s29] =	ssyncadd.s32 $0xFFFFFFFF  }
0xc4: {  	_ =	strace $0x9000004E  }
0xc5: {  	_ =	sfence  }
0xc6: {  	s30 =	sld [smem:$0x0];
	_ =	sdelay $0x2  }
0xc7: {  	s31 =	sshll.u32 s1, $0xD;
	s1 =	sshrl.u32 s1, $0x2  }
0xc8: {  	s4 =	sand.u32 $0x4000, s31;
	s1 =	sadd.s32 s1, s30  }
0xc9: {  	s0 =	sor.u32 s4, s0;
	s1 =	sshll.u32 s1, $0x11  }
0xca: {  	s0 =	sor.u32 s1, s0  }
0xcb: {  	s0 =	sadd.s32 $0x8F2B, s0  }
0xcc: {  	[sflag:s0] =	ssyncadd.remote.s32 $0x1  }
0xcd: {  	_ =	sfence.sel $0xFFFF  }
0xce: {  	[dreg:$0x0] =	wrdreg $0xFFFFFFFF;
	(pc) =	sbr.abs _section_cstart, $3  }
0xcf: {  	[dreg:$0x1] =	wrdreg $0xFFFFFFFF  }
0xd0: {  	_ =	task.clear_ibuf [dreg:s22], $0x2FFFF;
	_ =	strace $0x9FFFFFFF  }
0xd1: {  	(tm) =	ssettm $0x7FFFFFFF  }
tec
execute0_lowered:
.L_overlay_start_1:
0x0: {  	(tag) =	ssettag $0x1  }
0x1: {  	s0 =	rddreg [dreg:$0x0]  }
0x2: {  	s1 =	rddreg [dreg:$0x1];
	s3 =	simm.s32 $0x0;
	s2 =	srdreg.scid  }
0x3: {  	s14 =	stileid.u32;
	s29 =	simm.s32 $0x18C00;
	s30 =	simm.s32 $0x18880  }
0x4: {  	s31 =	simm.s32 $0x19C00;
	[smem:$0x7FF] =	sst s3;
	s5 =	smul.u32 $0x18800, s14  }
0x5: {  	s28 =	simm.s32 $0x80;
	s4 =	sadd.s32 $0x294200, s0;
	s7 =	sadd.s32 $0x263200, s0  }
0x6: {  	s2 =	sand.u32 $0x1, s2;
	s9 =	sadd.s32 $0x1E5800, s0;
	s10 =	smul.u32 $0xC400, s14  }
0x7: {  	s12 =	sadd.s32 $0x1FE000, s0;
	s25 =	sshll.u32 s14, $0x6;
	s21 =	smul.u32 $0x1880, s14  }
0x8: {  	_ =	strace $0x8000004D;
	s6 =	smul.u32 $0x188000, s2;
	s8 =	ssub.s32 $0x2, s2  }
0x9: {  	s2 =	smul.u32 $0xC4000, s2;
	[dreg:$0x3] =	wrdreg s12;
	s18 =	sor.u32 $0x1C07, s25  }
0xa: {  	s12 =	simm.s32 $0x4;
	s11 =	sshrl.u32 s8, $0x1;
	s13 =	sor.u32 $0x100, s10  }
0xb: {  	s15 =	sshrl.u32 s10, $0x3;
	[dreg:$0x4] =	wrdreg s18;
	s6 =	sadd.s32 s5, s6  }
0xc: {  	s11 =	ssub.s32 s8, s11;
	s5 =	sadd.s32 s5, s1;
	s26 =	sadd.s32 s10, s2  }
0xd: {  	s2 =	sadd.s32 s2, s13;
	s16 =	sadd.s32 s9, s15;
	s17 =	sshrl.u32 s13, $0x3  }
0xe: {  	s15 =	sadd.s32 s21, s9;
	s21 =	simm.s32 $0x18A00;
	s10 =	simm.s32 $0x1BC00  }
0xf: {  	s13 =	simm.s32 $0x0;
	s6 =	sshrl.u32 s6, $0x3;
	s2 =	sshrl.u32 s2, $0x3  }
0x10: {  	s19 =	sadd.s32 s9, s17;
	[dreg:$0x6] =	wrdreg s16;
	s20 =	sadd.s32 $0x30, s16  }
0x11: {  	s22 =	smax.u32 s11, $0x1;
	s23 =	sor.u32 $0x300, s26;
	s24 =	sor.u32 $0x200, s26  }
0x12: {  	s9 =	simm.s32 $0x18980;
	s11 =	simm.s32 $0x6;
	[dreg:$0x9] =	wrdreg s19  }
0x13: {  	s0 =	sadd.s32 s6, s0;
	s6 =	sshrl.u32 s26, $0x3;
	[dreg:$0xa] =	wrdreg s20  }
0x14: {  	s2 =	sadd.s32 s7, s2;
	[dreg:$0xc] =	wrdreg s22;
	s25 =	sshrl.u32 s23, $0x3  }
0x15: {  	s26 =	sshrl.u32 s24, $0x3;
	s19 =	simm.s32 $0x7;
	s20 =	simm.s32 $0x18800  }
0x16: {  	s22 =	simm.s32 $0x18A80;
	s23 =	simm.s32 $0x18900;
	s24 =	simm.s32 $0x18B00  }
0x17: {  	s8 =	sadd.s32 s7, s6;
	[dreg:$0x8] =	wrdreg s2;
	s0 =	sadd.s32 $0x2F6200, s0  }
.Ltmp0:
0x18: {  	s17 =	sadd.s32 s26, s7;
	s26 =	simm.s32 $0x1;
	(pc) =	sbr.rel .LBB2_1-.Ltmp0, $4  }
0x19: {  	s2 =	simm.s32 $0x3;
	[dreg:$0x5] =	wrdreg s8;
	s8 =	sadd.s32 $0x10, s16  }
0x1a: {  	[dreg:$0xb] =	wrdreg s0;
	s16 =	sadd.s32 s25, s7;
	s25 =	simm.s32 $0x18B80  }
0x1b: {  	s0 =	simm.s32 $0x5;
	[dreg:$0x7] =	wrdreg s8;
	s8 =	sshrl.u32 s5, $0x3  }
0x1c: {  	s7 =	simm.s32 $0x1AC00;
	s5 =	simm.s32 $0x2;
	[dreg:$0xd] =	wrdreg s8  }
.LBB2_4:
0x1d: {  	[bflag:$0x0] =	sbarrier.arrive $0xFFFF  }
0x1e: {  	s18 =	rddreg [dreg:$0x4]  }
0x1f: {  	s6 =	rddreg [dreg:$0xb]  }
0x20: {  	s8 =	rddreg [dreg:$0xd]  }
0x21: {  	[hbm:s6], [sflag:s18] =	dma.local [spmem:s8], $0x3100  }
0x22: {  	_ =	swait.ge [sflag:s19], $0x3100  }
0x23: {  	s13 =	rddreg [dreg:$0xe]  }
0x24: {  	s14 =	rddreg [dreg:$0xc];
	s13 =	sadd.s32 $0x1, s13  }
0x25: {  	p0 =	sne.s32 s13, s14  }
.Ltmp1:
0x26: {  	_ = 	snop;
	(pc) =	sbr.rel @!p0 .LBB2_5-.Ltmp1, $3  }
0x27: {  	_ =	sdelay $0x1  }
0x28: {  	[sflag:s19] =	ssyncset.done $0x0  }
0x29: {  	[sflag:s19] =	ssyncadd.s32 $0xFFFFCF00  }
.LBB2_1:
0x2a: {  	[dreg:$0xe] =	wrdreg s13  }
0x2b: {  	s6 =	rddreg [dreg:$0x3]  }
0x2c: {  	[spmem:s8], [sflag:s18] =	dma.local [hbm:s6], $0x3100  }
0x2d: {  	_ =	swait.ge [sflag:s19], $0x3100  }
0x2e: {  	[sflag:s19] =	ssyncset.done $0x0  }
0x2f: {  	[sflag:s19] =	ssyncadd.s32 $0xFFFFCF00  }
0x30: {  	[bflag:$0x0] =	sbarrier.arrive $0xFFFF  }
0x31: {  	s14 =	rddreg [dreg:$0x5]  }
0x32: {  	[tilespmem:s20], [sflag:$0x1] =	stream.linear.gather [hbm4b:s14+s3], $0x100, $0x38;
	[tilespmem:$0x1CC00] =	vst v63  }
0x33: {  	s18 =	rddreg [dreg:$0x6]  }
0x34: {  	[tilespmem:s21], [sflag:$0x3] =	stream.linear.gather [hbm4b:s18+s3], $0x80, $0x38;
	[tilespmem:$0x1CC00] =	vst v63  }
0x35: {  	s8 =	rddreg [dreg:$0x7]  }
0x36: {  	[tilespmem:s22], [sflag:$0x3] =	stream.linear.gather [hbm4b:s8+s3], $0x80, $0x38;
	[tilespmem:$0x1CC00] =	vst v63  }
0x37: {  	s13 =	rddreg [dreg:$0x8]  }
0x38: {  	[tilespmem:s23], [sflag:$0x2] =	stream.linear.gather [hbm4b:s13+s3], $0x100, $0x38;
	[tilespmem:$0x1CC00] =	vst v63  }
0x39: {  	s14 =	rddreg [dreg:$0x9]  }
0x3a: {  	[tilespmem:s24], [sflag:$0x4] =	stream.linear.gather [hbm4b:s14+s3], $0x80, $0x38;
	[tilespmem:$0x1CC00] =	vst v63  }
0x3b: {  	s18 =	rddreg [dreg:$0xa]  }
0x3c: {  	[tilespmem:s25], [sflag:$0x4] =	stream.linear.gather [hbm4b:s18+s3], $0x80, $0x38;
	[tilespmem:$0x1CC00] =	vst v63  }
0x3d: {  	_ =	swait.ge [sflag:s26], $0x100  }
0x3e: {  	[sflag:s26] =	ssyncset.done $0x0  }
0x3f: {  	[sflag:s26] =	ssyncadd.s32 $0xFFFFFF00  }
0x40: {  	[tilespmem:s29], [sflag:$0x5] =	stream.indirect.gather [hbm4b:s4+s28], $0x20, s20, s28, $0xb8;
	[tilespmem:$0x1CC00] =	vst v63  }
0x41: {  	s14 =	simm.s32 $0x0  }
0x42: {  	[tilespmem:s31], [sflag:$0x5] =	stream.indirect.gather [hbm4b:s4+s28], $0x20, s30, s28, $0xb8;
	[tilespmem:$0x1CC00] =	vst v63  }
.LBB2_2:
0x43: {  	_ =	swait.ge [sflag:s0], $0x1000  }
0x44: {  	[sflag:s0] =	ssyncset.done $0x0  }
0x45: {  	[sflag:s0] =	ssyncadd.s32 $0xFFFFF000  }
0x46: {  	_ =	swait.ge [sflag:s0], $0x1000  }
0x47: {  	[sflag:s0] =	ssyncset.done $0x0  }
0x48: {  	[sflag:s0] =	ssyncadd.s32 $0xFFFFF000  }
0x49: {  	_ =	swait.ge [sflag:s2], $0x80  }
0x4a: {  	[sflag:s2] =	ssyncset.done $0x0  }
0x4b: {  	[sflag:s2] =	ssyncadd.s32 $0xFFFFFF80  }
0x4c: {  	_ =	swait.ge [sflag:s2], $0x80  }
0x4d: {  	[sflag:s2] =	ssyncset.done $0x0  }
0x4e: {  	[sflag:s2] =	ssyncadd.s32 $0xFFFFFF80  }
0x4f: {  	[spmem:s1] =	stream.indirect.scatter.add.f32 [tilespmem:s29], [sflag:$0x7], $0x20, s21, s28, $0xb8;
	[tilespmem:$0x1CC00] =	vst v63  }
0x50: {  	_ =	swait.ge [sflag:s19], $0x1000  }
0x51: {  	[sflag:s19] =	ssyncset.done $0x0  }
0x52: {  	[sflag:s19] =	ssyncadd.s32 $0xFFFFF000  }
0x53: {  	[spmem:s1] =	stream.indirect.scatter.add.f32 [tilespmem:s31], [sflag:$0x7], $0x20, s22, s28, $0xb8;
	[tilespmem:$0x1CC00] =	vst v63  }
0x54: {  	p0 =	seq.s32 s14, $0x1840;
	_ =	swait.ge [sflag:s19], $0x1000  }
0x55: {  	s8 =	sadd.s32 @!p0 s14, s17;
	[sflag:s19] =	ssyncset.done $0x0  }
0x56: {  	s6 =	simm.s32 @!p0 $0x0;
	s18 =	simm.s32 @!p0 $0x18800;
	[sflag:s19] =	ssyncadd.s32 $0xFFFFF000  }
0x57: {  	[tilespmem:s18], [sflag:$0x1] =	stream.linear.gather @!p0 [hbm4b:s8+s6], $0x100, $0x38;
	[tilespmem:$0x1CC00] =	vst v63  }
0x58: {  	s8 =	sadd.s32 @!p0 s14, s15  }
0x59: {  	s13 =	simm.s32 @!p0 $0x18A00;
	s18 =	sadd.s32 @!p0 $0x40, s8  }
0x5a: {  	[tilespmem:s13], [sflag:$0x3] =	stream.linear.gather @!p0 [hbm4b:s18+s6], $0x80, $0x38;
	[tilespmem:$0x1CC00] =	vst v63  }
0x5b: {  	s8 =	sadd.s32 @!p0 $0x50, s8;
	s13 =	simm.s32 @!p0 $0x18A80  }
0x5c: {  	[tilespmem:s13], [sflag:$0x3] =	stream.linear.gather @!p0 [hbm4b:s8+s6], $0x80, $0x38;
	[tilespmem:$0x1CC00] =	vst v63  }
0x5d: {  	_ =	swait.ge [sflag:s5], $0x100  }
0x5e: {  	[sflag:s5] =	ssyncset.done $0x0  }
0x5f: {  	[sflag:s5] =	ssyncadd.s32 $0xFFFFFF00  }
0x60: {  	[tilespmem:s7], [sflag:$0x6] =	stream.indirect.gather [hbm4b:s4+s28], $0x20, s23, s28, $0xb8;
	[tilespmem:$0x1CC00] =	vst v63  }
0x61: {  	_ = 	snop  }
0x62: {  	[tilespmem:s10], [sflag:$0x6] =	stream.indirect.gather [hbm4b:s4+s28], $0x20, s9, s28, $0xb8;
	[tilespmem:$0x1CC00] =	vst v63  }
0x63: {  	_ =	swait.ge [sflag:s11], $0x1000  }
0x64: {  	[sflag:s11] =	ssyncset.done $0x0  }
0x65: {  	[sflag:s11] =	ssyncadd.s32 $0xFFFFF000  }
0x66: {  	_ =	swait.ge [sflag:s11], $0x1000  }
0x67: {  	[sflag:s11] =	ssyncset.done $0x0  }
0x68: {  	[sflag:s11] =	ssyncadd.s32 $0xFFFFF000  }
0x69: {  	_ =	swait.ge [sflag:s12], $0x80  }
0x6a: {  	[sflag:s12] =	ssyncset.done $0x0  }
0x6b: {  	[sflag:s12] =	ssyncadd.s32 $0xFFFFFF80  }
0x6c: {  	_ =	swait.ge [sflag:s12], $0x80  }
0x6d: {  	[sflag:s12] =	ssyncset.done $0x0  }
0x6e: {  	[sflag:s12] =	ssyncadd.s32 $0xFFFFFF80  }
0x6f: {  	[spmem:s1] =	stream.indirect.scatter.add.f32 [tilespmem:s7], [sflag:$0x7], $0x20, s24, s28, $0xb8;
	[tilespmem:$0x1CC00] =	vst v63  }
0x70: {  	_ =	swait.ge [sflag:s19], $0x1000  }
0x71: {  	[sflag:s19] =	ssyncset.done $0x0  }
.Ltmp2:
0x72: {  	[sflag:s19] =	ssyncadd.s32 $0xFFFFF000;
	(pc) =	sbr.rel @p0 .LBB2_4-.Ltmp2, $4  }
0x73: {  	[spmem:s1] =	stream.indirect.scatter.add.f32 [tilespmem:s10], [sflag:$0x7], $0x20, s25, s28, $0xb8;
	[tilespmem:$0x1CC00] =	vst v63  }
0x74: {  	_ =	swait.ge [sflag:s19], $0x1000  }
0x75: {  	[sflag:s19] =	ssyncset.done $0x0  }
0x76: {  	[sflag:s19] =	ssyncadd.s32 $0xFFFFF000  }
0x77: {  	s6 =	sadd.s32 s14, s16;
	s18 =	sadd.s32 s14, s15  }
0x78: {  	[tilespmem:s23], [sflag:$0x2] =	stream.linear.gather [hbm4b:s6+s3], $0x100, $0x38;
	[tilespmem:$0x1CC00] =	vst v63  }
0x79: {  	s8 =	sadd.s32 $0x60, s18  }
0x7a: {  	[tilespmem:s24], [sflag:$0x4] =	stream.linear.gather [hbm4b:s8+s3], $0x80, $0x38;
	[tilespmem:$0x1CC00] =	vst v63  }
0x7b: {  	s6 =	sadd.s32 $0x70, s18  }
0x7c: {  	[tilespmem:s25], [sflag:$0x4] =	stream.linear.gather [hbm4b:s6+s3], $0x80, $0x38;
	[tilespmem:$0x1CC00] =	vst v63  }
0x7d: {  	_ =	swait.ge [sflag:s26], $0x100  }
.Ltmp3:
0x7e: {  	[sflag:s26] =	ssyncset.done $0x0;
	(pc) =	sbr.rel .LBB2_2-.Ltmp3, $4  }
0x7f: {  	[sflag:s26] =	ssyncadd.s32 $0xFFFFFF00  }
0x80: {  	[tilespmem:s29], [sflag:$0x5] =	stream.indirect.gather [hbm4b:s4+s28], $0x20, s20, s28, $0xb8;
	[tilespmem:$0x1CC00] =	vst v63  }
0x81: {  	s14 =	sadd.s32 $0x40, s14  }
0x82: {  	[tilespmem:s31], [sflag:$0x5] =	stream.indirect.gather [hbm4b:s4+s28], $0x20, s30, s28, $0xb8;
	[tilespmem:$0x1CC00] =	vst v63  }
.LBB2_5:
0x83: {  	_ =	sfence.sel $0x180000  }
0x84: {  	[bflag:$0x0] =	sbarrier.arrive $0xFFFF  }
0x85: {  	_ =	strace $0x9000004D  }
0x86: {  	s0 =	stileid.u32;
	[bflag:$0x2] =	sbarrier.arrive $0xFFFF  }
0x87: {  	p0 =	sne.s32 s0, $0x0;
	s0 =	rddreg [dreg:$0x2]  }
0x88: {  	s0 =	sadd.s32 @!p0 $0x100000, s0  }
0x89: {  	[sflag:s0] =	ssyncadd.tile.s32 @!p0 $0x1;
	_ =	shalt  }
.Lfunc_end2:
_tile_overlayer_lowered:
.L_overlay_start_2:
0x8a: {  	(tag) =	ssettag $0x2  }
0x8b: {  	s0 =	rddreg [dreg:$0x0];
	s2 =	stileid.u32  }
0x8c: {  	s1 =	rddreg [dreg:$0x1];
	p0 =	sne.s32 s2, $0x0  }
0x8d: {  	s3 =	rddreg [dreg:$0x2];
	[bflag:$0x3] =	sbarrier.arrive $0xFFFF;
	s2 =	simm.s32 @!p0 $0x1C07  }
0x8e: {  	[timem:s3], [sflag:s2] =	dma.local @!p0 [hbm:s0], s1  }
0x8f: {  	s0 =	simm.s32 @!p0 $0x7  }
0x90: {  	_ =	swait.ge @!p0 [sflag:s0], s1  }
0x91: {  	s1 =	ssub.s32 @!p0 $0x0, s1;
	[sflag:s0] =	ssyncset.done @!p0 $0x0  }
0x92: {  	[sflag:s0] =	ssyncadd.s32 @!p0 s1  }
0x93: {  	[bflag:$0x3] =	sbarrier.arrive $0xFFFF  }
0x94: {  	_ =	shalt  }

// kernel: kernel.18.cloned.1.call-start
scs
__scs_entry_jumppad:
0x0: {  	(pc) =	sbr.rel $0x88, $3  }
0x1: {  	(tag) =	ssettag $0x0;
	lr =	simm.s32 $0x1  }
0x2: {  	[smem:$0x3F8F] =	sst lr;
	_ =	strace $0xD0000000  }
0x3: {  	_ = 	snop  }
0x4: {  	_ = 	snop  }
0x5: {  	_ = 	snop  }
0x6: {  	_ = 	snop  }
0x7: {  	_ = 	snop  }
__scs_overlays_trampoline_lowered:
0x8: {  	[smem:$0x3F9E] =	sst s0  }
0x9: {  	[smem:$0x3F9F] =	sst s1  }
0xa: {  	[smem:$0x3FA0] =	sst s2  }
0xb: {  	[smem:$0x3FA1] =	sst s3  }
0xc: {  	[smem:$0x3FA2] =	sst s4  }
0xd: {  	[smem:$0x3FA3] =	sst s5  }
0xe: {  	[smem:$0x3FA4] =	sst s6  }
0xf: {  	[smem:$0x3FA5] =	sst s7  }
0x10: {  	[smem:$0x3FA6] =	sst s8  }
0x11: {  	[smem:$0x3FA7] =	sst s9;
	s0 =	simm.s32 @!p0 $0x0  }
0x12: {  	s1 =	sld [smem:$0x3F8D];
	s0 =	simm.s32 @p0 $0x1  }
0x13: {  	[smem:$0x3FA8] =	sst s0;
	s0 =	simm.s32 @!p1 $0x0  }
0x14: {  	s2 =	sld [smem:$0x3F8C];
	s0 =	simm.s32 @p1 $0x1  }
0x15: {  	[smem:$0x3FA9] =	sst s0;
	s0 =	simm.s32 @!p2 $0x0  }
0x16: {  	s3 =	sld [smem:$0x3FDB];
	s0 =	simm.s32 @p2 $0x1  }
0x17: {  	s4 =	simm.s32 $0x1BF5;
	[smem:$0x3FAB] =	sst s0  }
0x18: {  	s0 =	sld [smem:$0x3F8E];
	_ =	swait.ge [sflag:s4], $0x0  }
0x19: {  	s7 =	sld [smem:$0x3F8F]  }
0x1a: {  	s8 =	sadd.s32 $0xFFFFE003, lr  }
0x1b: {  	s9 =	sadd.s32 $0xFFFFFEF7, lr;
	s5 =	simm.s32 $0xFFFFFFFF;
	p2 =	slt.u32 s8, $0xFFFFF086  }
0x1c: {  	p1 =	slt.u32 s9, $0xF7A;
	s5 =	simm.s32 @!p2 $0x0  }
0x1d: {  	s5 =	simm.s32 @p1 $0x1;
	p0 =	seq.s32 s7, s2  }
0x1e: {  	s7 =	smul.u32 @!p0 $0xF7A, s2;
	p2 =	seq.s32 @!p0 s5, $0x0  }
0x1f: {  	s9 =	smul.u32 $0xF7A, s1;
	s8 =	simm.s32 @!p0 $0x1BF5;
	p2 =	por !p2, p0  }
0x20: {  	[sflag:s8] =	ssyncset.s32 @!p0 $0xFFFFF086;
	s6 =	sadd.s32 @!p0 s3, s7;
	s7 =	simm.s32 @!p0 $0x108  }
0x21: {  	s3 =	sadd.s32 s3, s9;
	s6 =	sadd.s32 @!p0 $0x88, s6;
	s7 =	simm.s32 @p2 $0x1082  }
0x22: {  	[simem:s7], [sflag:s8] =	dma.local @!p0 [hbm:s6], $0xF7A  }
0x23: {  	s9 =	sor.u32 $0xD0000000, s2;
	s6 =	simm.s32 $0x108;
	_ =	swait.ge @!p0 [sflag:s8], $0x0  }
0x24: {  	s3 =	sadd.s32 $0x88, s3;
	s6 =	simm.s32 @!p1 $0x1082;
	[sflag:s4] =	ssyncset.s32 $0xFFFFF086  }
0x25: {  	[simem:s6], [sflag:s4] =	dma.local [hbm:s3], $0xF7A  }
0x26: {  	[smem:$0x3F8F] =	sst s1;
	(tag) =	ssettag s2;
	_ =	strace s9  }
0x27: {  	s1 =	sld [smem:$0x3F9F]  }
0x28: {  	s2 =	sld [smem:$0x3FA0]  }
0x29: {  	s4 =	sld [smem:$0x3FA2]  }
0x2a: {  	p0 =	seq.s32 s5, $0x0;
	s5 =	sld [smem:$0x3FA3]  }
0x2b: {  	s6 =	sld [smem:$0x3FA4]  }
0x2c: {  	s7 =	sld [smem:$0x3FA5]  }
0x2d: {  	s3 =	simm.s32 $0x108;
	s8 =	sld [smem:$0x3FA6]  }
0x2e: {  	s3 =	simm.s32 @!p0 $0x1082;
	s9 =	sld [smem:$0x3FA7]  }
0x2f: {  	lr =	sadd.s32 s0, s3;
	s0 =	sld [smem:$0x3F9E]  }
0x30: {  	s3 =	sld [smem:$0x3FA1]  }
0x31: {  	[smem:$0x3FAA] =	sst s10  }
0x32: {  	s10 =	sld [smem:$0x3FA8];
	_ =	sdelay $0x3  }
0x33: {  	p0 =	seq.s32 s10, $0x1;
	s10 =	sld [smem:$0x3FAA];
	_ =	sdelay $0x3  }
0x34: {  	[smem:$0x3FAA] =	sst s10  }
0x35: {  	s10 =	sld [smem:$0x3FA9];
	_ =	sdelay $0x3  }
0x36: {  	p1 =	seq.s32 s10, $0x1;
	s10 =	sld [smem:$0x3FAA];
	_ =	sdelay $0x3  }
0x37: {  	[smem:$0x3FAA] =	sst s10  }
0x38: {  	s10 =	sld [smem:$0x3FAB]  }
0x39: {  	_ = 	snop;
	(pc) =	sbr.ind lr, $3  }
0x3a: {  	_ = 	snop  }
0x3b: {  	_ = 	snop  }
0x3c: {  	p2 =	seq.s32 s10, $0x1;
	s10 =	sld [smem:$0x3FAA]  }
0x3d: {  	_ =	shalt  }
0x3e: {  	_ =	shalt  }
0x3f: {  	_ =	shalt  }
0x40: {  	_ =	shalt  }
0x41: {  	_ =	shalt  }
0x42: {  	_ =	shalt  }
0x43: {  	_ =	shalt  }
0x44: {  	_ =	shalt  }
0x45: {  	_ =	shalt  }
0x46: {  	_ =	shalt  }
0x47: {  	_ =	shalt  }
0x48: {  	_ =	shalt  }
0x49: {  	_ =	shalt  }
0x4a: {  	_ =	shalt  }
0x4b: {  	_ =	shalt  }
0x4c: {  	_ =	shalt  }
0x4d: {  	_ =	shalt  }
0x4e: {  	_ =	shalt  }
0x4f: {  	_ =	shalt  }
0x50: {  	_ =	shalt  }
0x51: {  	_ =	shalt  }
0x52: {  	_ =	shalt  }
0x53: {  	_ =	shalt  }
0x54: {  	_ =	shalt  }
0x55: {  	_ =	shalt  }
0x56: {  	_ =	shalt  }
0x57: {  	_ =	shalt  }
0x58: {  	_ =	shalt  }
0x59: {  	_ =	shalt  }
0x5a: {  	_ =	shalt  }
0x5b: {  	_ =	shalt  }
0x5c: {  	_ =	shalt  }
0x5d: {  	_ =	shalt  }
0x5e: {  	_ =	shalt  }
0x5f: {  	_ =	shalt  }
0x60: {  	_ =	shalt  }
0x61: {  	_ =	shalt  }
0x62: {  	_ =	shalt  }
0x63: {  	_ =	shalt  }
0x64: {  	_ =	shalt  }
0x65: {  	_ =	shalt  }
0x66: {  	_ =	shalt  }
0x67: {  	_ =	shalt  }
0x68: {  	_ =	shalt  }
0x69: {  	_ =	shalt  }
0x6a: {  	_ =	shalt  }
0x6b: {  	_ =	shalt  }
0x6c: {  	_ =	shalt  }
0x6d: {  	_ =	shalt  }
0x6e: {  	_ =	shalt  }
0x6f: {  	_ =	shalt  }
0x70: {  	_ =	shalt  }
0x71: {  	_ =	shalt  }
0x72: {  	_ =	shalt  }
0x73: {  	_ =	shalt  }
0x74: {  	_ =	shalt  }
0x75: {  	_ =	shalt  }
0x76: {  	_ =	shalt  }
0x77: {  	_ =	shalt  }
0x78: {  	_ =	shalt  }
0x79: {  	_ =	shalt  }
0x7a: {  	_ =	shalt  }
0x7b: {  	_ =	shalt  }
0x7c: {  	_ =	shalt  }
0x7d: {  	_ =	shalt  }
0x7e: {  	_ =	shalt  }
0x7f: {  	_ =	shalt  }
0x80: {  	_ =	shalt  }
0x81: {  	_ =	shalt  }
0x82: {  	_ =	shalt  }
0x83: {  	_ =	shalt  }
0x84: {  	_ =	shalt  }
0x85: {  	_ =	shalt  }
0x86: {  	_ =	shalt  }
0x87: {  	_ =	shalt  }
.Lfunc_end0:
.L_simem_size_0:
called_computation.3_lowered:
.L_overlay_start_0:
0x88: {  	s2 =	sld [smem:$0x3FD9]  }
0x89: {  	s3 =	sld [smem:$0x3FFE];
	_ =	sdelay $0x1  }
0x8a: {  	s1 =	srdreg.scid  }
0x8b: {  	s0 =	sand.u32 $0x1, s1  }
0x8c: {  	s16 =	sshll.u32 s0, $0xA;
	s2 =	sadd.s32 s3, s2  }
0x8d: {  	s2 =	sadd.s32 s2, s16  }
0x8e: {  	[smem:$0x3FB6] =	sst s2  }
0x8f: {  	_ = 	snop  }
0x90: {  	(tm) =	ssettm $0x1  }
0x91: {  	s17 =	sld [smem:$0x3FFB];
	_ =	sdelay $0x3  }
0x92: {  	_ =	strace s17  }
0x93: {  	s2 =	sld [smem:$0x3FFC];
	_ =	sdelay $0x3  }
0x94: {  	_ =	strace s2  }
0x95: {  	s2 =	sld [smem:$0x3FFD];
	_ =	sdelay $0x3  }
0x96: {  	_ =	strace s2  }
0x97: {  	_ =	strace $0x8FFFFFFF  }
0x98: {  	s18 =	sld [smem:$0x3FDB];
	_ =	sdelay $0x1  }
0x99: {  	s19 =	simm.s32 $_scs_section_size  }
0x9a: {  	s4 =	simm.s32 $_size__tile_overlayer_lowered;
	s5 =	simm.s32 $_tile_overlayer_lowered  }
0x9b: {  	s22 =	simm.s32 $0x1BFF;
	s21 =	sshll.u32 s5, $0x1;
	s2 =	sadd.s32 s19, s18  }
0x9c: {  	s6 =	simm.s32 $0x0;
	s20 =	sshll.u32 s4, $0x1;
	s4 =	sadd.s32 s21, s2  }
0x9d: {  	[timem:s6], [sflag:s22] =	dma.local [hbm:s4], s20  }
0x9e: {  	_ =	swait.ge [sflag:s22], s20  }
0x9f: {  	s3 =	ssub.s32 $0x0, s20;
	[sflag:s22] =	ssyncset.done $0x0  }
0xa0: {  	[sflag:s22] =	ssyncadd.s32 s3;
	_ =	sdelay $0x1  }
0xa1: {  	s23 =	simm.s32 $0x1B8B  }
0xa2: {  	_ =	swait.ge [sflag:s23], $0x1  }
0xa3: {  	[sflag:s23] =	ssyncset.done $0x0  }
0xa4: {  	s25 =	simm.s32 $0x1B8E;
	s24 =	sld [smem:$0x3FFE];
	[sflag:s23] =	ssyncadd.s32 $0xFFFFFFFF  }
0xa5: {  	s26 =	simm.s32 $execute0_lowered;
	[smem:$0x3FD2] =	sst s25  }
0xa6: {  	s4 =	sshll.u32 s26, $0x1;
	_ =	strace $0x8000004F;
	[dreg:$0x1] =	wrdreg $0xFFFFFFFF  }
0xa7: {  	s28 =	simm.s32 $_size_execute0_lowered;
	s2 =	sadd.s32 s2, s4;
	[dreg:$0x0] =	wrdreg $0x0  }
0xa8: {  	s4 =	sshll.u32 s28, $0x1;
	[dreg:$0x2] =	wrdreg s2  }
0xa9: {  	[dreg:$0x3] =	wrdreg s4  }
0xaa: {  	[dreg:$0x4] =	wrdreg $0xC0  }
0xab: {  	_ =	task [dreg:s6], $0x5FFFF  }
0xac: {  	[dreg:$0x1] =	wrdreg $0xFFFFFFFF  }
0xad: {  	[dreg:$0x0] =	wrdreg $0x60  }
0xae: {  	[dreg:$0x2] =	wrdreg s24  }
0xaf: {  	[dreg:$0x3] =	wrdreg $0x0  }
0xb0: {  	[dreg:$0x4] =	wrdreg $0x9  }
0xb1: {  	_ =	task.clear_ibuf [dreg:s6], $0x5FFFF;
	_ =	strace $0x9000004F  }
0xb2: {  	s29 =	simm.s32 $0x9;
	_ =	strace $0x80000051  }
0xb3: {  	_ =	swait.ge [sflag:s29], $0x1  }
0xb4: {  	[sflag:s29] =	ssyncadd.s32 $0xFFFFFFFF  }
0xb5: {  	_ =	strace $0x90000051  }
0xb6: {  	_ =	sfence  }
0xb7: {  	s30 =	sld [smem:$0x0];
	_ =	sdelay $0x2  }
0xb8: {  	s31 =	sshll.u32 s1, $0xD;
	s1 =	sshrl.u32 s1, $0x2  }
0xb9: {  	s3 =	sand.u32 $0x4000, s31;
	s1 =	sadd.s32 s1, s30  }
0xba: {  	s0 =	sor.u32 s3, s0;
	s1 =	sshll.u32 s1, $0x11  }
0xbb: {  	s0 =	sor.u32 s1, s0  }
0xbc: {  	s0 =	sadd.s32 $0x8F2B, s0  }
0xbd: {  	[sflag:s0] =	ssyncadd.remote.s32 $0x1  }
0xbe: {  	_ =	sfence.sel $0xFFFF  }
0xbf: {  	[dreg:$0x0] =	wrdreg $0xFFFFFFFF;
	(pc) =	sbr.abs _section_cstart, $3  }
0xc0: {  	[dreg:$0x1] =	wrdreg $0xFFFFFFFF  }
0xc1: {  	_ =	task.clear_ibuf [dreg:s6], $0x2FFFF;
	_ =	strace $0x9FFFFFFF  }
0xc2: {  	(tm) =	ssettm $0x7FFFFFFF  }
0xc3: {  	_ =	shalt  }
tec
execute0_lowered:
.L_overlay_start_1:
0x0: {  	(tag) =	ssettag $0x1  }
0x1: {  	s0 =	rddreg [dreg:$0x0]  }
0x2: {  	s1 =	rddreg [dreg:$0x1];
	s3 =	simm.s32 $0x0;
	s2 =	srdreg.scid  }
0x3: {  	s14 =	stileid.u32;
	s29 =	simm.s32 $0x18C00;
	s30 =	simm.s32 $0x18880  }
0x4: {  	s31 =	simm.s32 $0x19C00;
	[smem:$0x7FF] =	sst s3;
	s5 =	smul.u32 $0x18800, s14  }
0x5: {  	s28 =	simm.s32 $0x80;
	s4 =	sadd.s32 $0x201200, s0;
	s7 =	sadd.s32 $0x263200, s0  }
0x6: {  	s2 =	sand.u32 $0x1, s2;
	s9 =	sadd.s32 $0x1E5800, s0;
	s10 =	smul.u32 $0xC400, s14  }
0x7: {  	s12 =	sadd.s32 $0x1FE000, s0;
	s25 =	sshll.u32 s14, $0x6;
	s21 =	smul.u32 $0x1880, s14  }
0x8: {  	_ =	strace $0x80000050;
	s6 =	smul.u32 $0x188000, s2;
	s8 =	ssub.s32 $0x2, s2  }
0x9: {  	s2 =	smul.u32 $0xC4000, s2;
	[dreg:$0x3] =	wrdreg s12;
	s18 =	sor.u32 $0x1C07, s25  }
0xa: {  	s12 =	simm.s32 $0x4;
	s11 =	sshrl.u32 s8, $0x1;
	s13 =	sor.u32 $0x100, s10  }
0xb: {  	s15 =	sshrl.u32 s10, $0x3;
	[dreg:$0x4] =	wrdreg s18;
	s6 =	sadd.s32 s5, s6  }
0xc: {  	s11 =	ssub.s32 s8, s11;
	s5 =	sadd.s32 s5, s1;
	s26 =	sadd.s32 s10, s2  }
0xd: {  	s2 =	sadd.s32 s2, s13;
	s16 =	sadd.s32 s9, s15;
	s17 =	sshrl.u32 s13, $0x3  }
0xe: {  	s15 =	sadd.s32 s21, s9;
	s21 =	simm.s32 $0x18A00;
	s10 =	simm.s32 $0x1BC00  }
0xf: {  	s13 =	simm.s32 $0x0;
	s6 =	sshrl.u32 s6, $0x3;
	s2 =	sshrl.u32 s2, $0x3  }
0x10: {  	s19 =	sadd.s32 s9, s17;
	[dreg:$0x6] =	wrdreg s16;
	s20 =	sadd.s32 $0x30, s16  }
0x11: {  	s22 =	smax.u32 s11, $0x1;
	s23 =	sor.u32 $0x300, s26;
	s24 =	sor.u32 $0x200, s26  }
0x12: {  	s9 =	simm.s32 $0x18980;
	s11 =	simm.s32 $0x6;
	[dreg:$0x9] =	wrdreg s19  }
0x13: {  	s0 =	sadd.s32 s6, s0;
	s6 =	sshrl.u32 s26, $0x3;
	[dreg:$0xa] =	wrdreg s20  }
0x14: {  	s2 =	sadd.s32 s7, s2;
	[dreg:$0xc] =	wrdreg s22;
	s25 =	sshrl.u32 s23, $0x3  }
0x15: {  	s26 =	sshrl.u32 s24, $0x3;
	s19 =	simm.s32 $0x7;
	s20 =	simm.s32 $0x18800  }
0x16: {  	s22 =	simm.s32 $0x18A80;
	s23 =	simm.s32 $0x18900;
	s24 =	simm.s32 $0x18B00  }
0x17: {  	s8 =	sadd.s32 s7, s6;
	[dreg:$0x8] =	wrdreg s2;
	s0 =	sadd.s32 $0x294200, s0  }
.Ltmp0:
0x18: {  	s17 =	sadd.s32 s26, s7;
	s26 =	simm.s32 $0x1;
	(pc) =	sbr.rel .LBB2_1-.Ltmp0, $4  }
0x19: {  	s2 =	simm.s32 $0x3;
	[dreg:$0x5] =	wrdreg s8;
	s8 =	sadd.s32 $0x10, s16  }
0x1a: {  	[dreg:$0xb] =	wrdreg s0;
	s16 =	sadd.s32 s25, s7;
	s25 =	simm.s32 $0x18B80  }
0x1b: {  	s0 =	simm.s32 $0x5;
	[dreg:$0x7] =	wrdreg s8;
	s8 =	sshrl.u32 s5, $0x3  }
0x1c: {  	s7 =	simm.s32 $0x1AC00;
	s5 =	simm.s32 $0x2;
	[dreg:$0xd] =	wrdreg s8  }
.LBB2_4:
0x1d: {  	[bflag:$0x0] =	sbarrier.arrive $0xFFFF  }
0x1e: {  	s18 =	rddreg [dreg:$0x4]  }
0x1f: {  	s6 =	rddreg [dreg:$0xb]  }
0x20: {  	s8 =	rddreg [dreg:$0xd]  }
0x21: {  	[hbm:s6], [sflag:s18] =	dma.local [spmem:s8], $0x3100  }
0x22: {  	_ =	swait.ge [sflag:s19], $0x3100  }
0x23: {  	s13 =	rddreg [dreg:$0xe]  }
0x24: {  	s14 =	rddreg [dreg:$0xc];
	s13 =	sadd.s32 $0x1, s13  }
0x25: {  	p0 =	sne.s32 s13, s14  }
.Ltmp1:
0x26: {  	_ = 	snop;
	(pc) =	sbr.rel @!p0 .LBB2_5-.Ltmp1, $3  }
0x27: {  	_ =	sdelay $0x1  }
0x28: {  	[sflag:s19] =	ssyncset.done $0x0  }
0x29: {  	[sflag:s19] =	ssyncadd.s32 $0xFFFFCF00  }
.LBB2_1:
0x2a: {  	[dreg:$0xe] =	wrdreg s13  }
0x2b: {  	s6 =	rddreg [dreg:$0x3]  }
0x2c: {  	[spmem:s8], [sflag:s18] =	dma.local [hbm:s6], $0x3100  }
0x2d: {  	_ =	swait.ge [sflag:s19], $0x3100  }
0x2e: {  	[sflag:s19] =	ssyncset.done $0x0  }
0x2f: {  	[sflag:s19] =	ssyncadd.s32 $0xFFFFCF00  }
0x30: {  	[bflag:$0x0] =	sbarrier.arrive $0xFFFF  }
0x31: {  	s14 =	rddreg [dreg:$0x5]  }
0x32: {  	[tilespmem:s20], [sflag:$0x1] =	stream.linear.gather [hbm4b:s14+s3], $0x100, $0x38;
	[tilespmem:$0x1CC00] =	vst v63  }
0x33: {  	s18 =	rddreg [dreg:$0x6]  }
0x34: {  	[tilespmem:s21], [sflag:$0x3] =	stream.linear.gather [hbm4b:s18+s3], $0x80, $0x38;
	[tilespmem:$0x1CC00] =	vst v63  }
0x35: {  	s8 =	rddreg [dreg:$0x7]  }
0x36: {  	[tilespmem:s22], [sflag:$0x3] =	stream.linear.gather [hbm4b:s8+s3], $0x80, $0x38;
	[tilespmem:$0x1CC00] =	vst v63  }
0x37: {  	s13 =	rddreg [dreg:$0x8]  }
0x38: {  	[tilespmem:s23], [sflag:$0x2] =	stream.linear.gather [hbm4b:s13+s3], $0x100, $0x38;
	[tilespmem:$0x1CC00] =	vst v63  }
0x39: {  	s14 =	rddreg [dreg:$0x9]  }
0x3a: {  	[tilespmem:s24], [sflag:$0x4] =	stream.linear.gather [hbm4b:s14+s3], $0x80, $0x38;
	[tilespmem:$0x1CC00] =	vst v63  }
0x3b: {  	s18 =	rddreg [dreg:$0xa]  }
0x3c: {  	[tilespmem:s25], [sflag:$0x4] =	stream.linear.gather [hbm4b:s18+s3], $0x80, $0x38;
	[tilespmem:$0x1CC00] =	vst v63  }
0x3d: {  	_ =	swait.ge [sflag:s26], $0x100  }
0x3e: {  	[sflag:s26] =	ssyncset.done $0x0  }
0x3f: {  	[sflag:s26] =	ssyncadd.s32 $0xFFFFFF00  }
0x40: {  	[tilespmem:s29], [sflag:$0x5] =	stream.indirect.gather [hbm4b:s4+s28], $0x20, s20, s28, $0xb8;
	[tilespmem:$0x1CC00] =	vst v63  }
0x41: {  	s14 =	simm.s32 $0x0  }
0x42: {  	[tilespmem:s31], [sflag:$0x5] =	stream.indirect.gather [hbm4b:s4+s28], $0x20, s30, s28, $0xb8;
	[tilespmem:$0x1CC00] =	vst v63  }
.LBB2_2:
0x43: {  	_ =	swait.ge [sflag:s0], $0x1000  }
0x44: {  	[sflag:s0] =	ssyncset.done $0x0  }
0x45: {  	[sflag:s0] =	ssyncadd.s32 $0xFFFFF000  }
0x46: {  	_ =	swait.ge [sflag:s0], $0x1000  }
0x47: {  	[sflag:s0] =	ssyncset.done $0x0  }
0x48: {  	[sflag:s0] =	ssyncadd.s32 $0xFFFFF000  }
0x49: {  	_ =	swait.ge [sflag:s2], $0x80  }
0x4a: {  	[sflag:s2] =	ssyncset.done $0x0  }
0x4b: {  	[sflag:s2] =	ssyncadd.s32 $0xFFFFFF80  }
0x4c: {  	_ =	swait.ge [sflag:s2], $0x80  }
0x4d: {  	[sflag:s2] =	ssyncset.done $0x0  }
0x4e: {  	[sflag:s2] =	ssyncadd.s32 $0xFFFFFF80  }
0x4f: {  	[spmem:s1] =	stream.indirect.scatter.add.f32 [tilespmem:s29], [sflag:$0x7], $0x20, s21, s28, $0xb8;
	[tilespmem:$0x1CC00] =	vst v63  }
0x50: {  	_ =	swait.ge [sflag:s19], $0x1000  }
0x51: {  	[sflag:s19] =	ssyncset.done $0x0  }
0x52: {  	[sflag:s19] =	ssyncadd.s32 $0xFFFFF000  }
0x53: {  	[spmem:s1] =	stream.indirect.scatter.add.f32 [tilespmem:s31], [sflag:$0x7], $0x20, s22, s28, $0xb8;
	[tilespmem:$0x1CC00] =	vst v63  }
0x54: {  	p0 =	seq.s32 s14, $0x1840;
	_ =	swait.ge [sflag:s19], $0x1000  }
0x55: {  	s8 =	sadd.s32 @!p0 s14, s17;
	[sflag:s19] =	ssyncset.done $0x0  }
0x56: {  	s6 =	simm.s32 @!p0 $0x0;
	s18 =	simm.s32 @!p0 $0x18800;
	[sflag:s19] =	ssyncadd.s32 $0xFFFFF000  }
0x57: {  	[tilespmem:s18], [sflag:$0x1] =	stream.linear.gather @!p0 [hbm4b:s8+s6], $0x100, $0x38;
	[tilespmem:$0x1CC00] =	vst v63  }
0x58: {  	s8 =	sadd.s32 @!p0 s14, s15  }
0x59: {  	s13 =	simm.s32 @!p0 $0x18A00;
	s18 =	sadd.s32 @!p0 $0x40, s8  }
0x5a: {  	[tilespmem:s13], [sflag:$0x3] =	stream.linear.gather @!p0 [hbm4b:s18+s6], $0x80, $0x38;
	[tilespmem:$0x1CC00] =	vst v63  }
0x5b: {  	s8 =	sadd.s32 @!p0 $0x50, s8;
	s13 =	simm.s32 @!p0 $0x18A80  }
0x5c: {  	[tilespmem:s13], [sflag:$0x3] =	stream.linear.gather @!p0 [hbm4b:s8+s6], $0x80, $0x38;
	[tilespmem:$0x1CC00] =	vst v63  }
0x5d: {  	_ =	swait.ge [sflag:s5], $0x100  }
0x5e: {  	[sflag:s5] =	ssyncset.done $0x0  }
0x5f: {  	[sflag:s5] =	ssyncadd.s32 $0xFFFFFF00  }
0x60: {  	[tilespmem:s7], [sflag:$0x6] =	stream.indirect.gather [hbm4b:s4+s28], $0x20, s23, s28, $0xb8;
	[tilespmem:$0x1CC00] =	vst v63  }
0x61: {  	_ = 	snop  }
0x62: {  	[tilespmem:s10], [sflag:$0x6] =	stream.indirect.gather [hbm4b:s4+s28], $0x20, s9, s28, $0xb8;
	[tilespmem:$0x1CC00] =	vst v63  }
0x63: {  	_ =	swait.ge [sflag:s11], $0x1000  }
0x64: {  	[sflag:s11] =	ssyncset.done $0x0  }
0x65: {  	[sflag:s11] =	ssyncadd.s32 $0xFFFFF000  }
0x66: {  	_ =	swait.ge [sflag:s11], $0x1000  }
0x67: {  	[sflag:s11] =	ssyncset.done $0x0  }
0x68: {  	[sflag:s11] =	ssyncadd.s32 $0xFFFFF000  }
0x69: {  	_ =	swait.ge [sflag:s12], $0x80  }
0x6a: {  	[sflag:s12] =	ssyncset.done $0x0  }
0x6b: {  	[sflag:s12] =	ssyncadd.s32 $0xFFFFFF80  }
0x6c: {  	_ =	swait.ge [sflag:s12], $0x80  }
0x6d: {  	[sflag:s12] =	ssyncset.done $0x0  }
0x6e: {  	[sflag:s12] =	ssyncadd.s32 $0xFFFFFF80  }
0x6f: {  	[spmem:s1] =	stream.indirect.scatter.add.f32 [tilespmem:s7], [sflag:$0x7], $0x20, s24, s28, $0xb8;
	[tilespmem:$0x1CC00] =	vst v63  }
0x70: {  	_ =	swait.ge [sflag:s19], $0x1000  }
0x71: {  	[sflag:s19] =	ssyncset.done $0x0  }
.Ltmp2:
0x72: {  	[sflag:s19] =	ssyncadd.s32 $0xFFFFF000;
	(pc) =	sbr.rel @p0 .LBB2_4-.Ltmp2, $4  }
0x73: {  	[spmem:s1] =	stream.indirect.scatter.add.f32 [tilespmem:s10], [sflag:$0x7], $0x20, s25, s28, $0xb8;
	[tilespmem:$0x1CC00] =	vst v63  }
0x74: {  	_ =	swait.ge [sflag:s19], $0x1000  }
0x75: {  	[sflag:s19] =	ssyncset.done $0x0  }
0x76: {  	[sflag:s19] =	ssyncadd.s32 $0xFFFFF000  }
0x77: {  	s6 =	sadd.s32 s14, s16;
	s18 =	sadd.s32 s14, s15  }
0x78: {  	[tilespmem:s23], [sflag:$0x2] =	stream.linear.gather [hbm4b:s6+s3], $0x100, $0x38;
	[tilespmem:$0x1CC00] =	vst v63  }
0x79: {  	s8 =	sadd.s32 $0x60, s18  }
0x7a: {  	[tilespmem:s24], [sflag:$0x4] =	stream.linear.gather [hbm4b:s8+s3], $0x80, $0x38;
	[tilespmem:$0x1CC00] =	vst v63  }
0x7b: {  	s6 =	sadd.s32 $0x70, s18  }
0x7c: {  	[tilespmem:s25], [sflag:$0x4] =	stream.linear.gather [hbm4b:s6+s3], $0x80, $0x38;
	[tilespmem:$0x1CC00] =	vst v63  }
0x7d: {  	_ =	swait.ge [sflag:s26], $0x100  }
.Ltmp3:
0x7e: {  	[sflag:s26] =	ssyncset.done $0x0;
	(pc) =	sbr.rel .LBB2_2-.Ltmp3, $4  }
0x7f: {  	[sflag:s26] =	ssyncadd.s32 $0xFFFFFF00  }
0x80: {  	[tilespmem:s29], [sflag:$0x5] =	stream.indirect.gather [hbm4b:s4+s28], $0x20, s20, s28, $0xb8;
	[tilespmem:$0x1CC00] =	vst v63  }
0x81: {  	s14 =	sadd.s32 $0x40, s14  }
0x82: {  	[tilespmem:s31], [sflag:$0x5] =	stream.indirect.gather [hbm4b:s4+s28], $0x20, s30, s28, $0xb8;
	[tilespmem:$0x1CC00] =	vst v63  }
.LBB2_5:
0x83: {  	_ =	sfence.sel $0x180000  }
0x84: {  	[bflag:$0x0] =	sbarrier.arrive $0xFFFF  }
0x85: {  	_ =	strace $0x90000050  }
0x86: {  	s0 =	stileid.u32;
	[bflag:$0x2] =	sbarrier.arrive $0xFFFF  }
0x87: {  	p0 =	sne.s32 s0, $0x0;
	s0 =	rddreg [dreg:$0x2]  }
0x88: {  	s0 =	sadd.s32 @!p0 $0x100000, s0  }
0x89: {  	[sflag:s0] =	ssyncadd.tile.s32 @!p0 $0x1;
	_ =	shalt  }
.Lfunc_end2:
_tile_overlayer_lowered:
.L_overlay_start_2:
0x8a: {  	(tag) =	ssettag $0x2  }
0x8b: {  	s0 =	rddreg [dreg:$0x0];
	s2 =	stileid.u32  }
0x8c: {  	s1 =	rddreg [dreg:$0x1];
	p0 =	sne.s32 s2, $0x0  }
0x8d: {  	s3 =	rddreg [dreg:$0x2];
	[bflag:$0x3] =	sbarrier.arrive $0xFFFF;
	s2 =	simm.s32 @!p0 $0x1C07  }
0x8e: {  	[timem:s3], [sflag:s2] =	dma.local @!p0 [hbm:s0], s1  }
0x8f: {  	s0 =	simm.s32 @!p0 $0x7  }
0x90: {  	_ =	swait.ge @!p0 [sflag:s0], s1  }
0x91: {  	s1 =	ssub.s32 @!p0 $0x0, s1;
	[sflag:s0] =	ssyncset.done @!p0 $0x0  }
0x92: {  	[sflag:s0] =	ssyncadd.s32 @!p0 s1  }
0x93: {  	[bflag:$0x3] =	sbarrier.arrive $0xFFFF  }
0x94: {  	_ =	shalt  }

// kernel: kernel.9.cloned.1.call-start
scs
__scs_entry_jumppad:
0x0: {  	(pc) =	sbr.rel $0x88, $3  }
0x1: {  	(tag) =	ssettag $0x0;
	lr =	simm.s32 $0x1  }
0x2: {  	[smem:$0x3F8F] =	sst lr;
	_ =	strace $0xD0000000  }
0x3: {  	_ = 	snop  }
0x4: {  	_ = 	snop  }
0x5: {  	_ = 	snop  }
0x6: {  	_ = 	snop  }
0x7: {  	_ = 	snop  }
__scs_overlays_trampoline_lowered:
0x8: {  	[smem:$0x3F9E] =	sst s0  }
0x9: {  	[smem:$0x3F9F] =	sst s1  }
0xa: {  	[smem:$0x3FA0] =	sst s2  }
0xb: {  	[smem:$0x3FA1] =	sst s3  }
0xc: {  	[smem:$0x3FA2] =	sst s4  }
0xd: {  	[smem:$0x3FA3] =	sst s5  }
0xe: {  	[smem:$0x3FA4] =	sst s6  }
0xf: {  	[smem:$0x3FA5] =	sst s7  }
0x10: {  	[smem:$0x3FA6] =	sst s8  }
0x11: {  	[smem:$0x3FA7] =	sst s9;
	s0 =	simm.s32 @!p0 $0x0  }
0x12: {  	s1 =	sld [smem:$0x3F8D];
	s0 =	simm.s32 @p0 $0x1  }
0x13: {  	[smem:$0x3FA8] =	sst s0;
	s0 =	simm.s32 @!p1 $0x0  }
0x14: {  	s2 =	sld [smem:$0x3F8C];
	s0 =	simm.s32 @p1 $0x1  }
0x15: {  	[smem:$0x3FA9] =	sst s0;
	s0 =	simm.s32 @!p2 $0x0  }
0x16: {  	s3 =	sld [smem:$0x3FDB];
	s0 =	simm.s32 @p2 $0x1  }
0x17: {  	s4 =	simm.s32 $0x1BF5;
	[smem:$0x3FAB] =	sst s0  }
0x18: {  	s0 =	sld [smem:$0x3F8E];
	_ =	swait.ge [sflag:s4], $0x0  }
0x19: {  	s7 =	sld [smem:$0x3F8F]  }
0x1a: {  	s8 =	sadd.s32 $0xFFFFE003, lr  }
0x1b: {  	s9 =	sadd.s32 $0xFFFFFEF7, lr;
	s5 =	simm.s32 $0xFFFFFFFF;
	p2 =	slt.u32 s8, $0xFFFFF086  }
0x1c: {  	p1 =	slt.u32 s9, $0xF7A;
	s5 =	simm.s32 @!p2 $0x0  }
0x1d: {  	s5 =	simm.s32 @p1 $0x1;
	p0 =	seq.s32 s7, s2  }
0x1e: {  	s7 =	smul.u32 @!p0 $0xF7A, s2;
	p2 =	seq.s32 @!p0 s5, $0x0  }
0x1f: {  	s9 =	smul.u32 $0xF7A, s1;
	s8 =	simm.s32 @!p0 $0x1BF5;
	p2 =	por !p2, p0  }
0x20: {  	[sflag:s8] =	ssyncset.s32 @!p0 $0xFFFFF086;
	s6 =	sadd.s32 @!p0 s3, s7;
	s7 =	simm.s32 @!p0 $0x108  }
0x21: {  	s3 =	sadd.s32 s3, s9;
	s6 =	sadd.s32 @!p0 $0x88, s6;
	s7 =	simm.s32 @p2 $0x1082  }
0x22: {  	[simem:s7], [sflag:s8] =	dma.local @!p0 [hbm:s6], $0xF7A  }
0x23: {  	s9 =	sor.u32 $0xD0000000, s2;
	s6 =	simm.s32 $0x108;
	_ =	swait.ge @!p0 [sflag:s8], $0x0  }
0x24: {  	s3 =	sadd.s32 $0x88, s3;
	s6 =	simm.s32 @!p1 $0x1082;
	[sflag:s4] =	ssyncset.s32 $0xFFFFF086  }
0x25: {  	[simem:s6], [sflag:s4] =	dma.local [hbm:s3], $0xF7A  }
0x26: {  	[smem:$0x3F8F] =	sst s1;
	(tag) =	ssettag s2;
	_ =	strace s9  }
0x27: {  	s1 =	sld [smem:$0x3F9F]  }
0x28: {  	s2 =	sld [smem:$0x3FA0]  }
0x29: {  	s4 =	sld [smem:$0x3FA2]  }
0x2a: {  	p0 =	seq.s32 s5, $0x0;
	s5 =	sld [smem:$0x3FA3]  }
0x2b: {  	s6 =	sld [smem:$0x3FA4]  }
0x2c: {  	s7 =	sld [smem:$0x3FA5]  }
0x2d: {  	s3 =	simm.s32 $0x108;
	s8 =	sld [smem:$0x3FA6]  }
0x2e: {  	s3 =	simm.s32 @!p0 $0x1082;
	s9 =	sld [smem:$0x3FA7]  }
0x2f: {  	lr =	sadd.s32 s0, s3;
	s0 =	sld [smem:$0x3F9E]  }
0x30: {  	s3 =	sld [smem:$0x3FA1]  }
0x31: {  	[smem:$0x3FAA] =	sst s10  }
0x32: {  	s10 =	sld [smem:$0x3FA8];
	_ =	sdelay $0x3  }
0x33: {  	p0 =	seq.s32 s10, $0x1;
	s10 =	sld [smem:$0x3FAA];
	_ =	sdelay $0x3  }
0x34: {  	[smem:$0x3FAA] =	sst s10  }
0x35: {  	s10 =	sld [smem:$0x3FA9];
	_ =	sdelay $0x3  }
0x36: {  	p1 =	seq.s32 s10, $0x1;
	s10 =	sld [smem:$0x3FAA];
	_ =	sdelay $0x3  }
0x37: {  	[smem:$0x3FAA] =	sst s10  }
0x38: {  	s10 =	sld [smem:$0x3FAB]  }
0x39: {  	_ = 	snop;
	(pc) =	sbr.ind lr, $3  }
0x3a: {  	_ = 	snop  }
0x3b: {  	_ = 	snop  }
0x3c: {  	p2 =	seq.s32 s10, $0x1;
	s10 =	sld [smem:$0x3FAA]  }
0x3d: {  	_ =	shalt  }
0x3e: {  	_ =	shalt  }
0x3f: {  	_ =	shalt  }
0x40: {  	_ =	shalt  }
0x41: {  	_ =	shalt  }
0x42: {  	_ =	shalt  }
0x43: {  	_ =	shalt  }
0x44: {  	_ =	shalt  }
0x45: {  	_ =	shalt  }
0x46: {  	_ =	shalt  }
0x47: {  	_ =	shalt  }
0x48: {  	_ =	shalt  }
0x49: {  	_ =	shalt  }
0x4a: {  	_ =	shalt  }
0x4b: {  	_ =	shalt  }
0x4c: {  	_ =	shalt  }
0x4d: {  	_ =	shalt  }
0x4e: {  	_ =	shalt  }
0x4f: {  	_ =	shalt  }
0x50: {  	_ =	shalt  }
0x51: {  	_ =	shalt  }
0x52: {  	_ =	shalt  }
0x53: {  	_ =	shalt  }
0x54: {  	_ =	shalt  }
0x55: {  	_ =	shalt  }
0x56: {  	_ =	shalt  }
0x57: {  	_ =	shalt  }
0x58: {  	_ =	shalt  }
0x59: {  	_ =	shalt  }
0x5a: {  	_ =	shalt  }
0x5b: {  	_ =	shalt  }
0x5c: {  	_ =	shalt  }
0x5d: {  	_ =	shalt  }
0x5e: {  	_ =	shalt  }
0x5f: {  	_ =	shalt  }
0x60: {  	_ =	shalt  }
0x61: {  	_ =	shalt  }
0x62: {  	_ =	shalt  }
0x63: {  	_ =	shalt  }
0x64: {  	_ =	shalt  }
0x65: {  	_ =	shalt  }
0x66: {  	_ =	shalt  }
0x67: {  	_ =	shalt  }
0x68: {  	_ =	shalt  }
0x69: {  	_ =	shalt  }
0x6a: {  	_ =	shalt  }
0x6b: {  	_ =	shalt  }
0x6c: {  	_ =	shalt  }
0x6d: {  	_ =	shalt  }
0x6e: {  	_ =	shalt  }
0x6f: {  	_ =	shalt  }
0x70: {  	_ =	shalt  }
0x71: {  	_ =	shalt  }
0x72: {  	_ =	shalt  }
0x73: {  	_ =	shalt  }
0x74: {  	_ =	shalt  }
0x75: {  	_ =	shalt  }
0x76: {  	_ =	shalt  }
0x77: {  	_ =	shalt  }
0x78: {  	_ =	shalt  }
0x79: {  	_ =	shalt  }
0x7a: {  	_ =	shalt  }
0x7b: {  	_ =	shalt  }
0x7c: {  	_ =	shalt  }
0x7d: {  	_ =	shalt  }
0x7e: {  	_ =	shalt  }
0x7f: {  	_ =	shalt  }
0x80: {  	_ =	shalt  }
0x81: {  	_ =	shalt  }
0x82: {  	_ =	shalt  }
0x83: {  	_ =	shalt  }
0x84: {  	_ =	shalt  }
0x85: {  	_ =	shalt  }
0x86: {  	_ =	shalt  }
0x87: {  	_ =	shalt  }
.Lfunc_end0:
.L_simem_size_0:
called_computation_lowered:
.L_overlay_start_0:
0x88: {  	s2 =	sld [smem:$0x3FD9]  }
0x89: {  	s3 =	sld [smem:$0x3FFE];
	_ =	sdelay $0x1  }
0x8a: {  	s1 =	srdreg.scid  }
0x8b: {  	s0 =	sand.u32 $0x1, s1  }
0x8c: {  	s16 =	sshll.u32 s0, $0xA;
	s2 =	sadd.s32 s3, s2  }
0x8d: {  	s2 =	sadd.s32 s2, s16  }
0x8e: {  	[smem:$0x3FB6] =	sst s2  }
0x8f: {  	_ = 	snop  }
0x90: {  	(tm) =	ssettm $0x1  }
0x91: {  	s17 =	sld [smem:$0x3FFB];
	_ =	sdelay $0x3  }
0x92: {  	_ =	strace s17  }
0x93: {  	s2 =	sld [smem:$0x3FFC];
	_ =	sdelay $0x3  }
0x94: {  	_ =	strace s2  }
0x95: {  	s2 =	sld [smem:$0x3FFD];
	_ =	sdelay $0x3  }
0x96: {  	_ =	strace s2  }
0x97: {  	_ =	strace $0x8FFFFFFF  }
0x98: {  	s18 =	sld [smem:$0x3FDB];
	_ =	sdelay $0x1  }
0x99: {  	s19 =	simm.s32 $_scs_section_size  }
0x9a: {  	s4 =	simm.s32 $_size__tile_overlayer_lowered;
	s5 =	simm.s32 $_tile_overlayer_lowered  }
0x9b: {  	s22 =	simm.s32 $0x1BFF;
	s21 =	sshll.u32 s5, $0x1;
	s2 =	sadd.s32 s19, s18  }
0x9c: {  	s6 =	simm.s32 $0x0;
	s20 =	sshll.u32 s4, $0x1;
	s4 =	sadd.s32 s21, s2  }
0x9d: {  	[timem:s6], [sflag:s22] =	dma.local [hbm:s4], s20  }
0x9e: {  	_ =	swait.ge [sflag:s22], s20  }
0x9f: {  	s3 =	ssub.s32 $0x0, s20;
	[sflag:s22] =	ssyncset.done $0x0  }
0xa0: {  	[sflag:s22] =	ssyncadd.s32 s3;
	_ =	sdelay $0x1  }
0xa1: {  	s23 =	simm.s32 $0x1B8B  }
0xa2: {  	_ =	swait.ge [sflag:s23], $0x1  }
0xa3: {  	[sflag:s23] =	ssyncset.done $0x0  }
0xa4: {  	s25 =	simm.s32 $0x1B8E;
	s24 =	sld [smem:$0x3FFE];
	[sflag:s23] =	ssyncadd.s32 $0xFFFFFFFF  }
0xa5: {  	s26 =	simm.s32 $execute0_lowered;
	[smem:$0x3FD2] =	sst s25  }
0xa6: {  	s4 =	sshll.u32 s26, $0x1;
	_ =	strace $0x80000046;
	[dreg:$0x1] =	wrdreg $0xFFFFFFFF  }
0xa7: {  	s28 =	simm.s32 $_size_execute0_lowered;
	s2 =	sadd.s32 s2, s4;
	[dreg:$0x0] =	wrdreg $0x0  }
0xa8: {  	s4 =	sshll.u32 s28, $0x1;
	[dreg:$0x2] =	wrdreg s2  }
0xa9: {  	[dreg:$0x3] =	wrdreg s4  }
0xaa: {  	[dreg:$0x4] =	wrdreg $0xC0  }
0xab: {  	_ =	task [dreg:s6], $0x5FFFF  }
0xac: {  	[dreg:$0x1] =	wrdreg $0xFFFFFFFF  }
0xad: {  	[dreg:$0x0] =	wrdreg $0x60  }
0xae: {  	[dreg:$0x2] =	wrdreg s24  }
0xaf: {  	[dreg:$0x3] =	wrdreg $0xA  }
0xb0: {  	_ =	task.clear_ibuf [dreg:s6], $0x4FFFF;
	_ =	strace $0x90000046  }
0xb1: {  	s29 =	simm.s32 $0xA;
	_ =	strace $0x80000048  }
0xb2: {  	_ =	swait.ge [sflag:s29], $0x1  }
0xb3: {  	[sflag:s29] =	ssyncadd.s32 $0xFFFFFFFF  }
0xb4: {  	_ =	strace $0x90000048  }
0xb5: {  	_ =	sfence  }
0xb6: {  	s30 =	sld [smem:$0x0];
	_ =	sdelay $0x2  }
0xb7: {  	s31 =	sshll.u32 s1, $0xD;
	s1 =	sshrl.u32 s1, $0x2  }
0xb8: {  	s3 =	sand.u32 $0x4000, s31;
	s1 =	sadd.s32 s1, s30  }
0xb9: {  	s0 =	sor.u32 s3, s0;
	s1 =	sshll.u32 s1, $0x11  }
0xba: {  	s0 =	sor.u32 s1, s0  }
0xbb: {  	s0 =	sadd.s32 $0x8F2B, s0  }
0xbc: {  	[sflag:s0] =	ssyncadd.remote.s32 $0x1  }
0xbd: {  	_ =	sfence.sel $0xFFFF  }
0xbe: {  	[dreg:$0x0] =	wrdreg $0xFFFFFFFF;
	(pc) =	sbr.abs _section_cstart, $3  }
0xbf: {  	[dreg:$0x1] =	wrdreg $0xFFFFFFFF  }
0xc0: {  	_ =	task.clear_ibuf [dreg:s6], $0x2FFFF;
	_ =	strace $0x9FFFFFFF  }
0xc1: {  	(tm) =	ssettm $0x7FFFFFFF  }
tec
execute0_lowered:
.L_overlay_start_1:
0x0: {  	(tag) =	ssettag $0x1  }
0x1: {  	s1 =	srdreg.scid;
	s0 =	stileid.u32  }
0x2: {  	s4 =	rddreg [dreg:$0x0];
	s2 =	simm.s32 $0x0;
	s18 =	simm.s32 $0x100  }
0x3: {  	s19 =	simm.s32 $0x3;
	s20 =	simm.s32 $0x2;
	s21 =	simm.s32 $0x1100  }
0x4: {  	s22 =	simm.s32 $0x4;
	s23 =	simm.s32 $0x5;
	s24 =	simm.s32 $0x6  }
0x5: {  	s25 =	simm.s32 $0x0;
	s10 =	sand.u32 $0x1, s1;
	s12 =	smul.u32 $0x6200, s0  }
0x6: {  	s3 =	sshll.u32 s0, $0x1;
	s1 =	rddreg [dreg:$0x1];
	s15 =	smul.u32 $0xC4000, s0  }
0x7: {  	[smem:$0x7FF] =	sst s2;
	s13 =	sadd.s32 $0x51400, s4;
	s14 =	smul.u32 $0x3100, s10  }
0x8: {  	s6 =	sor.u32 s10, s3;
	_ =	strace $0x80000047;
	s16 =	smul.u32 $0x62000, s10  }
0x9: {  	s3 =	sadd.s32 $0x3000, s4;
	s7 =	ssub.s32 $0x2, s10;
	s5 =	smul.u32 $0x3100, s6  }
0xa: {  	s4 =	sadd.s32 $0x5D800, s4;
	s8 =	sshrl.u32 s7, $0x1;
	s9 =	smul.u32 $0x62000, s6  }
0xb: {  	s7 =	ssub.s32 s7, s8;
	s12 =	sadd.s32 s14, s12;
	s15 =	sadd.s32 s16, s15  }
0xc: {  	s16 =	simm.s32 $0x80;
	s5 =	sshrl.u32 s5, $0x3;
	s11 =	sor.u32 $0x1000, s9  }
0xd: {  	s29 =	sshrl.u32 s9, $0x3;
	s7 =	smax.u32 s7, $0x1;
	s14 =	sadd.s32 $0x280, s12  }
0xe: {  	s12 =	sadd.s32 $0x200, s12;
	s17 =	sadd.s32 $0x3000, s15;
	s15 =	sadd.s32 $0x2000, s15  }
.Ltmp0:
0xf: {  	s5 =	sadd.s32 s13, s5;
	s8 =	sadd.s32 s4, s29;
	(pc) =	sbr.rel .LBB2_1-.Ltmp0, $4  }
0x10: {  	s11 =	sshrl.u32 s11, $0x3;
	s14 =	sshrl.u32 s14, $0x3;
	s30 =	sshrl.u32 s12, $0x3  }
0x11: {  	s31 =	sshrl.u32 s17, $0x3;
	s17 =	simm.s32 $0x1;
	s6 =	sadd.s32 $0x10, s5  }
0x12: {  	s9 =	sadd.s32 $0x20, s5;
	s10 =	sadd.s32 s4, s11;
	s11 =	sadd.s32 $0x30, s5  }
0x13: {  	s12 =	sadd.s32 s14, s13;
	s13 =	sadd.s32 s30, s13;
	s14 =	sadd.s32 s31, s4  }
.LBB2_4:
0x14: {  	s25 =	sadd.s32 $0x1, s25  }
0x15: {  	_ =	swait.ge [sflag:s23], $0x1000;
	p0 =	sne.s32 s25, s7  }
.Ltmp1:
0x16: {  	[sflag:s23] =	ssyncset.done $0x0;
	(pc) =	sbr.rel @!p0 .LBB2_5-.Ltmp1, $4  }
0x17: {  	[sflag:s23] =	ssyncadd.s32 $0xFFFFF000  }
0x18: {  	_ =	swait.ge [sflag:s24], $0x1000  }
0x19: {  	[sflag:s24] =	ssyncset.done $0x0  }
0x1a: {  	[sflag:s24] =	ssyncadd.s32 $0xFFFFF000  }
.LBB2_1:
0x1b: {  	[tilespmem:s2], [sflag:$0x1] =	stream.linear.gather [hbm4b:s5+s2], $0x80, $0x38;
	[tilespmem:$0x2100] =	vst v63  }
0x1c: {  	_ = 	snop  }
0x1d: {  	[tilespmem:s16], [sflag:$0x2] =	stream.linear.gather [hbm4b:s6+s2], $0x80, $0x38;
	[tilespmem:$0x2100] =	vst v63  }
0x1e: {  	_ =	swait.ge [sflag:s17], $0x80  }
0x1f: {  	[sflag:s17] =	ssyncset.done $0x0  }
0x20: {  	[sflag:s17] =	ssyncadd.s32 $0xFFFFFF80  }
0x21: {  	[tilespmem:s18], [sflag:$0x3] =	stream.indirect.gather [hbm4b:s3+s16], $0x20, s2, s16, $0xb8;
	[tilespmem:$0x2100] =	vst v63  }
0x22: {  	_ =	swait.ge [sflag:s19], $0x1000  }
0x23: {  	[sflag:s19] =	ssyncset.done $0x0  }
0x24: {  	[sflag:s19] =	ssyncadd.s32 $0xFFFFF000  }
0x25: {  	[hbm4b:s8+s2] =	stream.linear.scatter [tilespmem:s18], [sflag:$0x5], $0x1000, $0x38;
	[tilespmem:$0x2100] =	vst v63  }
0x26: {  	_ = 	snop  }
0x27: {  	[tilespmem:s2], [sflag:$0x1] =	stream.linear.gather [hbm4b:s9+s2], $0x80, $0x38;
	[tilespmem:$0x2100] =	vst v63  }
0x28: {  	_ =	swait.ge [sflag:s20], $0x80  }
0x29: {  	[sflag:s20] =	ssyncset.done $0x0  }
0x2a: {  	[sflag:s20] =	ssyncadd.s32 $0xFFFFFF80  }
0x2b: {  	[tilespmem:s21], [sflag:$0x4] =	stream.indirect.gather [hbm4b:s3+s16], $0x20, s16, s16, $0xb8;
	[tilespmem:$0x2100] =	vst v63  }
0x2c: {  	_ =	swait.ge [sflag:s22], $0x1000  }
0x2d: {  	[sflag:s22] =	ssyncset.done $0x0  }
0x2e: {  	[sflag:s22] =	ssyncadd.s32 $0xFFFFF000  }
0x2f: {  	[hbm4b:s10+s2] =	stream.linear.scatter [tilespmem:s21], [sflag:$0x6], $0x1000, $0x38;
	[tilespmem:$0x2100] =	vst v63  }
0x30: {  	_ = 	snop  }
0x31: {  	[tilespmem:s16], [sflag:$0x2] =	stream.linear.gather [hbm4b:s11+s2], $0x80, $0x38;
	[tilespmem:$0x2100] =	vst v63  }
0x32: {  	_ =	swait.ge [sflag:s17], $0x80  }
0x33: {  	[sflag:s17] =	ssyncset.done $0x0  }
0x34: {  	[sflag:s17] =	ssyncadd.s32 $0xFFFFFF80  }
0x35: {  	_ =	swait.ge [sflag:s23], $0x1000  }
0x36: {  	s26 =	smov.u32 s15;
	[sflag:s23] =	ssyncset.done $0x0  }
0x37: {  	s28 =	smov.u32 s14;
	s29 =	simm.s32 $0x0;
	[sflag:s23] =	ssyncadd.s32 $0xFFFFF000  }
0x38: {  	[tilespmem:s18], [sflag:$0x3] =	stream.indirect.gather [hbm4b:s3+s16], $0x20, s2, s16, $0xb8;
	[tilespmem:$0x2100] =	vst v63  }
.LBB2_2:
0x39: {  	_ =	swait.ge [sflag:s19], $0x1000  }
0x3a: {  	s30 =	sshrl.u32 s26, $0x3;
	[sflag:s19] =	ssyncset.done $0x0  }
0x3b: {  	p0 =	seq.s32 s29, $0x5E0;
	s30 =	sadd.s32 s4, s30;
	[sflag:s19] =	ssyncadd.s32 $0xFFFFF000  }
0x3c: {  	[hbm4b:s30+s2] =	stream.linear.scatter [tilespmem:s18], [sflag:$0x5], $0x1000, $0x38;
	[tilespmem:$0x2100] =	vst v63  }
0x3d: {  	s31 =	simm.s32 @!p0 $0x0;
	s30 =	sadd.s32 @!p0 s29, s13  }
0x3e: {  	[tilespmem:s31], [sflag:$0x1] =	stream.linear.gather @!p0 [hbm4b:s30+s31], $0x80, $0x38;
	[tilespmem:$0x2100] =	vst v63  }
0x3f: {  	_ =	swait.ge [sflag:s20], $0x80  }
0x40: {  	[sflag:s20] =	ssyncset.done $0x0  }
0x41: {  	[sflag:s20] =	ssyncadd.s32 $0xFFFFFF80  }
0x42: {  	_ =	swait.ge [sflag:s24], $0x1000  }
0x43: {  	[sflag:s24] =	ssyncset.done $0x0  }
0x44: {  	[sflag:s24] =	ssyncadd.s32 $0xFFFFF000  }
0x45: {  	[tilespmem:s21], [sflag:$0x4] =	stream.indirect.gather [hbm4b:s3+s16], $0x20, s16, s16, $0xb8;
	[tilespmem:$0x2100] =	vst v63  }
.Ltmp2:
0x46: {  	_ = 	snop;
	(pc) =	sbr.rel @p0 .LBB2_4-.Ltmp2, $4  }
0x47: {  	_ =	swait.ge [sflag:s22], $0x1000  }
0x48: {  	[sflag:s22] =	ssyncset.done $0x0  }
0x49: {  	[sflag:s22] =	ssyncadd.s32 $0xFFFFF000  }
0x4a: {  	[hbm4b:s28+s2] =	stream.linear.scatter [tilespmem:s21], [sflag:$0x6], $0x1000, $0x38;
	[tilespmem:$0x2100] =	vst v63  }
0x4b: {  	s30 =	sadd.s32 s29, s12  }
0x4c: {  	[tilespmem:s16], [sflag:$0x2] =	stream.linear.gather [hbm4b:s30+s2], $0x80, $0x38;
	[tilespmem:$0x2100] =	vst v63  }
0x4d: {  	_ =	swait.ge [sflag:s17], $0x80  }
0x4e: {  	[sflag:s17] =	ssyncset.done $0x0  }
.Ltmp3:
0x4f: {  	[sflag:s17] =	ssyncadd.s32 $0xFFFFFF80;
	(pc) =	sbr.rel .LBB2_2-.Ltmp3, $4  }
0x50: {  	_ =	swait.ge [sflag:s23], $0x1000  }
0x51: {  	s29 =	sadd.s32 $0x20, s29;
	[sflag:s23] =	ssyncset.done $0x0  }
0x52: {  	s28 =	sadd.s32 $0x400, s28;
	s26 =	sadd.s32 $0x2000, s26;
	[sflag:s23] =	ssyncadd.s32 $0xFFFFF000  }
0x53: {  	[tilespmem:s18], [sflag:$0x3] =	stream.indirect.gather [hbm4b:s3+s16], $0x20, s2, s16, $0xb8;
	[tilespmem:$0x2100] =	vst v63  }
.LBB2_5:
0x54: {  	_ =	sfence.sel $0x180000  }
0x55: {  	[bflag:$0x0] =	sbarrier.arrive $0xFFFF  }
0x56: {  	p0 =	sne.s32 s0, $0x0;
	_ =	strace $0x90000047  }
0x57: {  	s0 =	sadd.s32 @!p0 $0x100000, s1;
	[bflag:$0x2] =	sbarrier.arrive $0xFFFF  }
0x58: {  	[sflag:s0] =	ssyncadd.tile.s32 @!p0 $0x1;
	_ =	shalt  }
.Lfunc_end2:
_tile_overlayer_lowered:
.L_overlay_start_2:
0x59: {  	(tag) =	ssettag $0x2  }
0x5a: {  	s0 =	rddreg [dreg:$0x0];
	s2 =	stileid.u32  }
0x5b: {  	s1 =	rddreg [dreg:$0x1];
	p0 =	sne.s32 s2, $0x0  }
0x5c: {  	s3 =	rddreg [dreg:$0x2];
	[bflag:$0x3] =	sbarrier.arrive $0xFFFF;
	s2 =	simm.s32 @!p0 $0x1C07  }
0x5d: {  	[timem:s3], [sflag:s2] =	dma.local @!p0 [hbm:s0], s1  }
0x5e: {  	s0 =	simm.s32 @!p0 $0x7  }
0x5f: {  	_ =	swait.ge @!p0 [sflag:s0], s1  }
0x60: {  	s1 =	ssub.s32 @!p0 $0x0, s1;
	[sflag:s0] =	ssyncset.done @!p0 $0x0  }
0x61: {  	[sflag:s0] =	ssyncadd.s32 @!p0 s1  }
0x62: {  	[bflag:$0x3] =	sbarrier.arrive $0xFFFF  }
0x63: {  	_ =	shalt  }

</sc_bundles>
